<compile_context>
chip_gen: v7x
topology: tpu7x:2x2x1
jax: 0.10.2.dev20260603
libtpu: 0.0.44.dev20260713+nightly
codegen_flags: <defaults>
</compile_context>

<pallas_src>
import functools

import jax
import jax.numpy as jnp
from jax import lax
from jax.experimental import pallas as pl
from jax.experimental.pallas import tpu as pltpu
from jax.experimental.pallas import tpu_sc as plsc

ND = 50000
NE = 1600000
NR = 2
FIN = 128
FEFF = 16
FOUT = 64

ROWS = ND * NR
NSC = 16
CP_TILES = 10
CP_ROWS = ROWS // CP_TILES
BATCH = 125
GRP = 5
CHUNK = BATCH * GRP
IDX_ROWS = NE // BATCH
ROWS_PER_TILE = IDX_ROWS // NSC
ITERS = ROWS_PER_TILE // GRP


_EBLK = 1600


def _idx_body(src_ref, dst_ref, et_ref, ia_ref, ib_ref):
    et = et_ref[...]
    ia_ref[...] = src_ref[...] * 2 + et
    ib_ref[...] = dst_ref[...] * 2 + et


def _make_indices(src, dst, et):
    bs = pl.BlockSpec((_EBLK, BATCH), lambda i: (i, 0))
    out = jax.ShapeDtypeStruct((IDX_ROWS, BATCH), jnp.int32)
    shp = (IDX_ROWS, BATCH)
    return pl.pallas_call(
        _idx_body,
        grid=(IDX_ROWS // _EBLK,),
        in_specs=[bs, bs, bs],
        out_specs=[bs, bs],
        out_shape=[out, out],
    )(src.reshape(shp), dst.reshape(shp), et.reshape(shp))



_PBLK = 5000


def _proj_body(att_ref, feat_ref, cj_ref, basis_ref, out_ref):
    b0 = basis_ref[0]
    b1 = basis_ref[1]
    w0 = att_ref[0, 0] * b0 + att_ref[0, 1] * b1
    w1 = att_ref[1, 0] * b0 + att_ref[1, 1] * b1
    w = jnp.concatenate([w0, w1], axis=1)
    d = jnp.dot(feat_ref[...], w, preferred_element_type=jnp.float32)
    out_ref[...] = d * cj_ref[...]


def _project(feat, cj, att, basis):
    out = pl.pallas_call(
        _proj_body,
        grid=(ND // _PBLK,),
        in_specs=[
            pl.BlockSpec(memory_space=pltpu.SMEM),
            pl.BlockSpec((_PBLK, FIN), lambda i: (i, 0)),
            pl.BlockSpec((_PBLK, 1), lambda i: (i, 0)),
            pl.BlockSpec((NR, FIN, FEFF), lambda i: (0, 0, 0)),
        ],
        out_specs=pl.BlockSpec((_PBLK, NR * FEFF), lambda i: (i, 0)),
        out_shape=jax.ShapeDtypeStruct((ND, NR * FEFF), jnp.float32),
    )(att, feat, cj.reshape(ND, 1), basis)
    return out.reshape(ROWS, FEFF)




def _sc_message_passing(fd2, fs2, ia, ib, zrows):
    mesh = plsc.VectorSubcoreMesh(core_axis_name="c", subcore_axis_name="s")

    @functools.partial(
        pl.kernel,
        out_type=jax.ShapeDtypeStruct((2, ROWS, FEFF), jnp.float32),
        mesh=mesh,
        scratch_types=[
            pltpu.VMEM_SHARED((ROWS, FEFF), jnp.float32),
            pltpu.VMEM((2, GRP, BATCH), jnp.int32),
            pltpu.VMEM((2, GRP, BATCH), jnp.int32),
            pltpu.VMEM((2, CHUNK, FEFF), jnp.float32),
            pltpu.SemaphoreType.DMA,
            pltpu.SemaphoreType.DMA,
        ],
        compiler_params=pltpu.CompilerParams(use_tc_tiling_on_sc=False),
    )
    def k(fd2_hbm, fs2_hbm, ia_hbm, ib_hbm, z_hbm, out_hbm,
          acc, gbuf, sbuf, rows, gsem, ssem):
        c = lax.axis_index("c")
        s = lax.axis_index("s")

        @pl.when(s < CP_TILES)
        def _():
            pltpu.sync_copy(z_hbm, acc.at[pl.ds(s * CP_ROWS, CP_ROWS)])
        plsc.subcore_barrier()

        def run_dir(tbl_hbm, gidx_hbm, sidx_hbm):
            base = s * ROWS_PER_TILE

            def load_idx(cc, p):
                pltpu.sync_copy(gidx_hbm.at[pl.ds(base + cc * GRP, GRP)],
                                gbuf.at[p])
                pltpu.sync_copy(sidx_hbm.at[pl.ds(base + cc * GRP, GRP)],
                                sbuf.at[p])

            def gfire(p):
                for j in range(GRP):
                    pltpu.async_copy(tbl_hbm.at[gbuf.at[p, j]],
                                     rows.at[p, pl.ds(j * BATCH, BATCH)],
                                     gsem)

            def gdrain(p):
                for j in range(GRP):
                    pltpu.make_async_copy(
                        tbl_hbm.at[gbuf.at[p, j]],
                        rows.at[p, pl.ds(j * BATCH, BATCH)], gsem).wait()

            def sfire(p):
                for j in range(GRP):
                    pltpu.async_copy(rows.at[p, pl.ds(j * BATCH, BATCH)],
                                     acc.at[sbuf.at[p, j]],
                                     ssem, add=True)

            def sdrain(p):
                for j in range(GRP):
                    pltpu.make_async_copy(
                        rows.at[p, pl.ds(j * BATCH, BATCH)],
                        acc.at[sbuf.at[p, j]], ssem).wait()

            H = ITERS // 2
            load_idx(0, 0)
            gfire(0)

            @pl.loop(0, H)
            def _(h):
                c0 = 2 * h

                @pl.when(h > 0)
                def _():
                    sdrain(1)

                load_idx(c0 + 1, 1)
                gdrain(0)
                gfire(1)
                sfire(0)

                sdrain(0)

                @pl.when(h < H - 1)
                def _():
                    load_idx(c0 + 2, 0)

                gdrain(1)

                @pl.when(h < H - 1)
                def _():
                    gfire(0)

                sfire(1)

            sdrain(1)

        @pl.when(c == 0)
        def _():
            run_dir(fd2_hbm, ia_hbm, ib_hbm)

        @pl.when(c == 1)
        def _():
            run_dir(fs2_hbm, ib_hbm, ia_hbm)

        plsc.subcore_barrier()

        @pl.when(s < CP_TILES)
        def _():
            pltpu.sync_copy(acc.at[pl.ds(s * CP_ROWS, CP_ROWS)],
                            out_hbm.at[c, pl.ds(s * CP_ROWS, CP_ROWS)])

    return k(fd2, fs2, ia, ib, zrows)



_FBLK = 10000


def _fc_body(x_ref, ci_ref, wt_ref, b_ref, out_ref):
    d = jnp.dot(x_ref[...], wt_ref[...], preferred_element_type=jnp.float32)
    cb = ci_ref[...]
    d3 = d.reshape(_FBLK // 2, NR, FOUT)
    out_ref[...] = (d3 * cb[:, :, None]).reshape(_FBLK, FOUT) + b_ref[...]


def _fc(x, ci, wt, b):
    return pl.pallas_call(
        _fc_body,
        grid=(ROWS // _FBLK,),
        in_specs=[
            pl.BlockSpec((_FBLK, FEFF), lambda i: (i, 0)),
            pl.BlockSpec((_FBLK // 2, 1), lambda i: (i, 0)),
            pl.BlockSpec((FEFF, FOUT), lambda i: (0, 0)),
            pl.BlockSpec((1, FOUT), lambda i: (0, 0)),
        ],
        out_specs=pl.BlockSpec((_FBLK, FOUT), lambda i: (i, 0)),
        out_shape=jax.ShapeDtypeStruct((ROWS, FOUT), jnp.float32),
    )(x, ci, wt, b)




def kernel(drug_feat, dis_feat, edge_index, edge_type, cj_drug, ci_drug,
           cj_dis, ci_dis, att, basis, fc_W, fc_b):
    src = edge_index[0].astype(jnp.int32)
    dst = edge_index[1].astype(jnp.int32)
    et = edge_type.astype(jnp.int32)
    ia, ib = _make_indices(src, dst, et)
    fd2 = _project(drug_feat, cj_drug, att, basis)
    fs2 = _project(dis_feat, cj_dis, att, basis)

    zrows = jnp.zeros((CP_ROWS, FEFF), jnp.float32)
    acc = _sc_message_passing(fd2, fs2, ia, ib, zrows)

    wt = fc_W.T
    b = fc_b.reshape(1, FOUT)
    dis_out = _fc(acc[0], ci_dis.reshape(ND, 1), wt, b).reshape(ND, NR, FOUT)
    drug_out = _fc(acc[1], ci_drug.reshape(ND, 1), wt, b).reshape(ND, NR, FOUT)
    return drug_out, dis_out

# --- scband reference (transcript-rebuilt; emitter-appended) ---
"""Pipeline reference for scband-gcmclayer-73796128079917 (READ-ONLY COPY).

The authoritative reference and input builder live on the scoring server;
editing this copy changes nothing except your own understanding.
"""

import jax, jax.numpy as jnp
import numpy as np

N_DRUG = 50000
N_DIS = 50000
E = 1600000
R = 2            # len(rating_vals)
IN = 128         # user_in_units == movie_in_units
EFF = 16         # msg_units // R // 3 (ini=True, agg='stack')
OUT = 64         # out_units
BASIS = 2        # basis_units


def setup_inputs(seed: int = 0) -> dict:
    key = jax.random.key(seed)
    ks = jax.random.split(key, 12)
    drug_feat = jax.random.normal(ks[0], (N_DRUG, IN), dtype=jnp.float32)
    dis_feat = jax.random.normal(ks[1], (N_DIS, IN), dtype=jnp.float32)
    src = jax.random.randint(ks[2], (E,), 0, N_DRUG)
    dst = jax.random.randint(ks[3], (E,), 0, N_DIS)
    edge_index = jnp.stack([src, dst], axis=0)
    edge_type = jax.random.randint(ks[4], (E,), 0, R)
    cj_drug = jax.random.uniform(ks[5], (N_DRUG,), dtype=jnp.float32)
    ci_drug = jax.random.uniform(ks[6], (N_DRUG,), dtype=jnp.float32)
    cj_dis = jax.random.uniform(ks[7], (N_DIS,), dtype=jnp.float32)
    ci_dis = jax.random.uniform(ks[8], (N_DIS,), dtype=jnp.float32)
    # learned parameters (xavier-ish scale)
    att = jax.random.normal(ks[9], (R, BASIS), dtype=jnp.float32) * (2.0 / (R + BASIS)) ** 0.5
    basis = jax.random.normal(ks[10], (BASIS, IN, EFF), dtype=jnp.float32) * (2.0 / (IN + EFF)) ** 0.5
    fc_W = jax.random.normal(ks[11], (OUT, EFF), dtype=jnp.float32) * (2.0 / (EFF + OUT)) ** 0.5
    fc_b = jnp.zeros((OUT,), dtype=jnp.float32)
    return {
        "drug_feat": drug_feat, "dis_feat": dis_feat,
        "edge_index": edge_index, "edge_type": edge_type,
        "cj_drug": cj_drug, "ci_drug": ci_drug,
        "cj_dis": cj_dis, "ci_dis": ci_dis,
        "att": att, "basis": basis, "fc_W": fc_W, "fc_b": fc_b,
    }


def reference(drug_feat, dis_feat, edge_index, edge_type, cj_drug, ci_drug, cj_dis, ci_dis, att, basis, fc_W, fc_b):
    # GCMCLayer.forward (eval mode: dropout = identity, agg_act=None = identity)
    src = edge_index[0]
    dst = edge_index[1]
    # W = att @ basis.view(B, -1); W = W.view(R, IN, EFF)
    W = jnp.matmul(att, basis.reshape(BASIS, -1)).reshape(R, IN, EFF)
    drug_outs = []
    dis_outs = []
    for r in range(R):
        mask = (edge_type == r).astype(drug_feat.dtype)[:, None]
        Wr = W[r]
        # forward etype (rating r): drug -> disease, share_user_item_param=True uses external W[r]
        fd = jnp.matmul(drug_feat, Wr) * cj_drug[:, None]
        m_fwd = jnp.take(fd, src, axis=0) * mask
        dis_r = jax.ops.segment_sum(m_fwd, dst, num_segments=N_DIS) * ci_dis[:, None]
        # reverse etype (rev-r): disease -> drug, same W[r]
        fs = jnp.matmul(dis_feat, Wr) * cj_dis[:, None]
        m_rev = jnp.take(fs, dst, axis=0) * mask
        drug_r = jax.ops.segment_sum(m_rev, src, num_segments=N_DRUG) * ci_drug[:, None]
        dis_outs.append(dis_r)
        drug_outs.append(drug_r)
    # HeteroGraphConv aggregate='stack': [N, num_etypes_per_dst, EFF]
    drug_stack = jnp.stack(drug_outs, axis=1)
    dis_stack = jnp.stack(dis_outs, axis=1)
    # agg_act = identity, dropout = identity (eval); ifc == ufc (shared)
    drug_out = jnp.matmul(drug_stack, fc_W.T) + fc_b
    dis_out = jnp.matmul(dis_stack, fc_W.T) + fc_b
    return drug_out, dis_out

if __name__ == "__main__":
    import jax
    _d = setup_inputs()
    print(jax.jit(kernel)(*tuple(_d.values())))

</pallas_src>

<mosaic_0001>
#map = affine_map<(d0, d1) -> (0, 0)>
#map1 = affine_map<(d0, d1) -> (0, 0, 0)>
module attributes {stable_mosaic.version = 14 : i64} {
  func.func @k(%arg0: i32, %arg1: i32, %arg2: memref<100000x16xf32, #tpu.memory_space<hbm>>, %arg3: memref<100000x16xf32, #tpu.memory_space<hbm>>, %arg4: memref<12800x125xi32, #tpu.memory_space<hbm>>, %arg5: memref<12800x125xi32, #tpu.memory_space<hbm>>, %arg6: memref<10000x16xf32, #tpu.memory_space<hbm>>, %arg7: memref<2x100000x16xf32, #tpu.memory_space<hbm>>, %arg8: memref<100000x16xf32, #tpu.memory_space<vmem_shared>>, %arg9: memref<2x5x125xi32, #tpu.memory_space<vmem>>, %arg10: memref<2x5x125xi32, #tpu.memory_space<vmem>>, %arg11: memref<2x625x16xf32, #tpu.memory_space<vmem>>, %arg12: memref<!tpu.dma_semaphore, #tpu.memory_space<semaphore_mem>>, %arg13: memref<!tpu.dma_semaphore, #tpu.memory_space<semaphore_mem>>) attributes {dimension_semantics = [#tpu.dimension_semantics<core_parallel>, #tpu.dimension_semantics<subcore_parallel>], iteration_bounds = array<i64: 2, 16>, scalar_prefetch = 0 : i64, scratch_operands = 6 : i64, tpu.core_type = #tpu.core_type<sc_vector_subcore>, window_params = [{transform_indices = #map}, {transform_indices = #map}, {transform_indices = #map}, {transform_indices = #map}, {transform_indices = #map}, {transform_indices = #map1}]} {
    %lt3A = arith.constant 10 : i32
    %lt3A_0 = arith.cmpi slt, %arg1, %lt3A : i32
    %convert_element_type3A = arith.extui %lt3A_0 : i1 to i32
    %cond3A = arith.constant 0 : i32
    %cond3A_1 = arith.cmpi ne, %convert_element_type3A, %cond3A : i32
    scf.if %cond3A_1 {
      %mul3A = arith.constant 10000 : i32
      %mul3A_17 = arith.muli %arg1, %mul3A : i32
      "tpu.region"() ({
        %run_scoped3A = tpu.sem_alloc : memref<!tpu.dma_semaphore, #tpu.memory_space<semaphore_mem>>
        %dma_start3A = arith.constant 0 : i32
        %dma_start3A_18 = tpu.memref_slice %arg8[%mul3A_17, %dma_start3A] : memref<100000x16xf32, #tpu.memory_space<vmem_shared>> -> memref<10000x16xf32, #tpu.memory_space<vmem_shared>>
        tpu.enqueue_dma source(%arg6 : memref<10000x16xf32, #tpu.memory_space<hbm>>) target(%dma_start3A_18 : memref<10000x16xf32, #tpu.memory_space<vmem_shared>>) target_semaphore(%run_scoped3A : memref<!tpu.dma_semaphore, #tpu.memory_space<semaphore_mem>>)
        %dma_wait3A = arith.constant 0 : i32
        %dma_wait3A_19 = tpu.memref_slice %arg8[%mul3A_17, %dma_wait3A] : memref<100000x16xf32, #tpu.memory_space<vmem_shared>> -> memref<10000x16xf32, #tpu.memory_space<vmem_shared>>
        tpu.wait_dma2 semaphore(%run_scoped3A : memref<!tpu.dma_semaphore, #tpu.memory_space<semaphore_mem>>) src(%arg6 : memref<10000x16xf32, #tpu.memory_space<hbm>>) dst(%dma_wait3A_19 : memref<10000x16xf32, #tpu.memory_space<vmem_shared>>)
        tpu.yield
      }) : () -> ()
    } else {
    }
    %barrier3A = arith.constant 0 : index
    tpu.barrier barrier_id(%barrier3A)
    %eq3A = arith.constant 0 : i32
    %eq3A_2 = arith.cmpi eq, %arg0, %eq3A : i32
    %convert_element_type3A_3 = arith.extui %eq3A_2 : i1 to i32
    %cond3A_4 = arith.constant 0 : i32
    %cond3A_5 = arith.cmpi ne, %convert_element_type3A_3, %cond3A_4 : i32
    scf.if %cond3A_5 {
      %mul3A = arith.constant 800 : i32
      %mul3A_17 = arith.muli %arg1, %mul3A : i32
      %add3A = arith.constant 0 : i32
      %add3A_18 = arith.addi %mul3A_17, %add3A : i32
      %run_scoped3A = arith.constant 0 : i32
      "tpu.region"() ({
        %run_scoped3A_154 = tpu.sem_alloc : memref<!tpu.dma_semaphore, #tpu.memory_space<semaphore_mem>>
        %dma_start3A_155 = arith.constant 0 : i32
        %dma_start3A_156 = arith.constant 0 : i32
        %dma_start3A_157 = tpu.memref_slice %arg9[%run_scoped3A, %dma_start3A_155, %dma_start3A_156] : memref<2x5x125xi32, #tpu.memory_space<vmem>> -> memref<1x5x125xi32, #tpu.memory_space<vmem>>
        %dma_start3A_158 = tpu.memref_squeeze %dma_start3A_157 : memref<1x5x125xi32, #tpu.memory_space<vmem>> -> memref<5x125xi32, #tpu.memory_space<vmem>>
        %dma_start3A_159 = arith.constant 0 : i32
        %dma_start3A_160 = tpu.memref_slice %arg4[%add3A_18, %dma_start3A_159] : memref<12800x125xi32, #tpu.memory_space<hbm>> -> memref<5x125xi32, #tpu.memory_space<hbm>>
        %dma_start3A_161 = arith.constant 0 : i32
        %dma_start3A_162 = arith.constant 0 : i32
        %dma_start3A_163 = tpu.memref_slice %arg9[%run_scoped3A, %dma_start3A_161, %dma_start3A_162] : memref<2x5x125xi32, #tpu.memory_space<vmem>> -> memref<1x5x125xi32, #tpu.memory_space<vmem>>
        %dma_start3A_164 = tpu.memref_squeeze %dma_start3A_163 : memref<1x5x125xi32, #tpu.memory_space<vmem>> -> memref<5x125xi32, #tpu.memory_space<vmem>>
        %dma_start3A_165 = arith.constant 0 : i32
        %dma_start3A_166 = tpu.memref_slice %arg4[%add3A_18, %dma_start3A_165] : memref<12800x125xi32, #tpu.memory_space<hbm>> -> memref<5x125xi32, #tpu.memory_space<hbm>>
        tpu.enqueue_dma source(%dma_start3A_166 : memref<5x125xi32, #tpu.memory_space<hbm>>) target(%dma_start3A_164 : memref<5x125xi32, #tpu.memory_space<vmem>>) target_semaphore(%run_scoped3A_154 : memref<!tpu.dma_semaphore, #tpu.memory_space<semaphore_mem>>)
        %dma_wait3A_167 = arith.constant 0 : i32
        %dma_wait3A_168 = arith.constant 0 : i32
        %dma_wait3A_169 = tpu.memref_slice %arg9[%run_scoped3A, %dma_wait3A_167, %dma_wait3A_168] : memref<2x5x125xi32, #tpu.memory_space<vmem>> -> memref<1x5x125xi32, #tpu.memory_space<vmem>>
        %dma_wait3A_170 = tpu.memref_squeeze %dma_wait3A_169 : memref<1x5x125xi32, #tpu.memory_space<vmem>> -> memref<5x125xi32, #tpu.memory_space<vmem>>
        %dma_wait3A_171 = arith.constant 0 : i32
        %dma_wait3A_172 = tpu.memref_slice %arg4[%add3A_18, %dma_wait3A_171] : memref<12800x125xi32, #tpu.memory_space<hbm>> -> memref<5x125xi32, #tpu.memory_space<hbm>>
        %dma_wait3A_173 = arith.constant 0 : i32
        %dma_wait3A_174 = arith.constant 0 : i32
        %dma_wait3A_175 = tpu.memref_slice %arg9[%run_scoped3A, %dma_wait3A_173, %dma_wait3A_174] : memref<2x5x125xi32, #tpu.memory_space<vmem>> -> memref<1x5x125xi32, #tpu.memory_space<vmem>>
        %dma_wait3A_176 = tpu.memref_squeeze %dma_wait3A_175 : memref<1x5x125xi32, #tpu.memory_space<vmem>> -> memref<5x125xi32, #tpu.memory_space<vmem>>
        %dma_wait3A_177 = arith.constant 0 : i32
        %dma_wait3A_178 = tpu.memref_slice %arg4[%add3A_18, %dma_wait3A_177] : memref<12800x125xi32, #tpu.memory_space<hbm>> -> memref<5x125xi32, #tpu.memory_space<hbm>>
        tpu.wait_dma2 semaphore(%run_scoped3A_154 : memref<!tpu.dma_semaphore, #tpu.memory_space<semaphore_mem>>) src(%dma_wait3A_178 : memref<5x125xi32, #tpu.memory_space<hbm>>) dst(%dma_wait3A_176 : memref<5x125xi32, #tpu.memory_space<vmem>>)
        tpu.yield
      }) : () -> ()
      %add3A_19 = arith.constant 0 : i32
      %add3A_20 = arith.addi %mul3A_17, %add3A_19 : i32
      %run_scoped3A_21 = arith.constant 0 : i32
      "tpu.region"() ({
        %run_scoped3A_154 = tpu.sem_alloc : memref<!tpu.dma_semaphore, #tpu.memory_space<semaphore_mem>>
        %dma_start3A_155 = arith.constant 0 : i32
        %dma_start3A_156 = arith.constant 0 : i32
        %dma_start3A_157 = tpu.memref_slice %arg10[%run_scoped3A_21, %dma_start3A_155, %dma_start3A_156] : memref<2x5x125xi32, #tpu.memory_space<vmem>> -> memref<1x5x125xi32, #tpu.memory_space<vmem>>
        %dma_start3A_158 = tpu.memref_squeeze %dma_start3A_157 : memref<1x5x125xi32, #tpu.memory_space<vmem>> -> memref<5x125xi32, #tpu.memory_space<vmem>>
        %dma_start3A_159 = arith.constant 0 : i32
        %dma_start3A_160 = tpu.memref_slice %arg5[%add3A_20, %dma_start3A_159] : memref<12800x125xi32, #tpu.memory_space<hbm>> -> memref<5x125xi32, #tpu.memory_space<hbm>>
        %dma_start3A_161 = arith.constant 0 : i32
        %dma_start3A_162 = arith.constant 0 : i32
        %dma_start3A_163 = tpu.memref_slice %arg10[%run_scoped3A_21, %dma_start3A_161, %dma_start3A_162] : memref<2x5x125xi32, #tpu.memory_space<vmem>> -> memref<1x5x125xi32, #tpu.memory_space<vmem>>
        %dma_start3A_164 = tpu.memref_squeeze %dma_start3A_163 : memref<1x5x125xi32, #tpu.memory_space<vmem>> -> memref<5x125xi32, #tpu.memory_space<vmem>>
        %dma_start3A_165 = arith.constant 0 : i32
        %dma_start3A_166 = tpu.memref_slice %arg5[%add3A_20, %dma_start3A_165] : memref<12800x125xi32, #tpu.memory_space<hbm>> -> memref<5x125xi32, #tpu.memory_space<hbm>>
        tpu.enqueue_dma source(%dma_start3A_166 : memref<5x125xi32, #tpu.memory_space<hbm>>) target(%dma_start3A_164 : memref<5x125xi32, #tpu.memory_space<vmem>>) target_semaphore(%run_scoped3A_154 : memref<!tpu.dma_semaphore, #tpu.memory_space<semaphore_mem>>)
        %dma_wait3A_167 = arith.constant 0 : i32
        %dma_wait3A_168 = arith.constant 0 : i32
        %dma_wait3A_169 = tpu.memref_slice %arg10[%run_scoped3A_21, %dma_wait3A_167, %dma_wait3A_168] : memref<2x5x125xi32, #tpu.memory_space<vmem>> -> memref<1x5x125xi32, #tpu.memory_space<vmem>>
        %dma_wait3A_170 = tpu.memref_squeeze %dma_wait3A_169 : memref<1x5x125xi32, #tpu.memory_space<vmem>> -> memref<5x125xi32, #tpu.memory_space<vmem>>
        %dma_wait3A_171 = arith.constant 0 : i32
        %dma_wait3A_172 = tpu.memref_slice %arg5[%add3A_20, %dma_wait3A_171] : memref<12800x125xi32, #tpu.memory_space<hbm>> -> memref<5x125xi32, #tpu.memory_space<hbm>>
        %dma_wait3A_173 = arith.constant 0 : i32
        %dma_wait3A_174 = arith.constant 0 : i32
        %dma_wait3A_175 = tpu.memref_slice %arg10[%run_scoped3A_21, %dma_wait3A_173, %dma_wait3A_174] : memref<2x5x125xi32, #tpu.memory_space<vmem>> -> memref<1x5x125xi32, #tpu.memory_space<vmem>>
        %dma_wait3A_176 = tpu.memref_squeeze %dma_wait3A_175 : memref<1x5x125xi32, #tpu.memory_space<vmem>> -> memref<5x125xi32, #tpu.memory_space<vmem>>
        %dma_wait3A_177 = arith.constant 0 : i32
        %dma_wait3A_178 = tpu.memref_slice %arg5[%add3A_20, %dma_wait3A_177] : memref<12800x125xi32, #tpu.memory_space<hbm>> -> memref<5x125xi32, #tpu.memory_space<hbm>>
        tpu.wait_dma2 semaphore(%run_scoped3A_154 : memref<!tpu.dma_semaphore, #tpu.memory_space<semaphore_mem>>) src(%dma_wait3A_178 : memref<5x125xi32, #tpu.memory_space<hbm>>) dst(%dma_wait3A_176 : memref<5x125xi32, #tpu.memory_space<vmem>>)
        tpu.yield
      }) : () -> ()
      %dma_start3A = arith.constant 0 : i32
      %dma_start3A_22 = arith.constant 0 : i32
      %dma_start3A_23 = arith.constant 0 : i32
      %dma_start3A_24 = arith.constant 0 : i32
      %dma_start3A_25 = arith.constant 0 : i32
      %dma_start3A_26 = tpu.memref_slice %arg11[%dma_start3A_23, %dma_start3A_24, %dma_start3A_25] : memref<2x625x16xf32, #tpu.memory_space<vmem>> -> memref<1x125x16xf32, #tpu.memory_space<vmem>>
      %dma_start3A_27 = tpu.memref_squeeze %dma_start3A_26 : memref<1x125x16xf32, #tpu.memory_space<vmem>> -> memref<125x16xf32, #tpu.memory_space<vmem>>
      %dma_start3A_28 = arith.constant 0 : i32
      %dma_start3A_29 = tpu.memref_slice %arg9[%dma_start3A, %dma_start3A_22, %dma_start3A_28] : memref<2x5x125xi32, #tpu.memory_space<vmem>> -> memref<1x1x125xi32, #tpu.memory_space<vmem>>
      %dma_start3A_30 = tpu.memref_squeeze %dma_start3A_29 : memref<1x1x125xi32, #tpu.memory_space<vmem>> -> memref<125xi32, #tpu.memory_space<vmem>>
      %dma_start3A_31 = arith.constant 0 : i32
      %dma_start3A_32 = arith.constant 0 : i32
      %dma_start3A_33 = tpu.memref_slice %arg2[%dma_start3A_31, %dma_start3A_32] : memref<100000x16xf32, #tpu.memory_space<hbm>> -> memref<100000x16xf32, #tpu.memory_space<hbm>>
      tpu.enqueue_indirect_dma source(%dma_start3A_33 : memref<100000x16xf32, #tpu.memory_space<hbm>>) target(%dma_start3A_27 : memref<125x16xf32, #tpu.memory_space<vmem>>) offsets(%dma_start3A_30 : memref<125xi32, #tpu.memory_space<vmem>>) semaphore(%arg12 : memref<!tpu.dma_semaphore, #tpu.memory_space<semaphore_mem>>)
      %dma_start3A_34 = arith.constant 0 : i32
      %dma_start3A_35 = arith.constant 1 : i32
      %dma_start3A_36 = arith.constant 0 : i32
      %dma_start3A_37 = arith.constant 125 : i32
      %dma_start3A_38 = arith.constant 0 : i32
      %dma_start3A_39 = tpu.memref_slice %arg11[%dma_start3A_36, %dma_start3A_37, %dma_start3A_38] : memref<2x625x16xf32, #tpu.memory_space<vmem>> -> memref<1x125x16xf32, #tpu.memory_space<vmem>>
      %dma_start3A_40 = tpu.memref_squeeze %dma_start3A_39 : memref<1x125x16xf32, #tpu.memory_space<vmem>> -> memref<125x16xf32, #tpu.memory_space<vmem>>
      %dma_start3A_41 = arith.constant 0 : i32
      %dma_start3A_42 = tpu.memref_slice %arg9[%dma_start3A_34, %dma_start3A_35, %dma_start3A_41] : memref<2x5x125xi32, #tpu.memory_space<vmem>> -> memref<1x1x125xi32, #tpu.memory_space<vmem>>
      %dma_start3A_43 = tpu.memref_squeeze %dma_start3A_42 : memref<1x1x125xi32, #tpu.memory_space<vmem>> -> memref<125xi32, #tpu.memory_space<vmem>>
      %dma_start3A_44 = arith.constant 0 : i32
      %dma_start3A_45 = arith.constant 0 : i32
      %dma_start3A_46 = tpu.memref_slice %arg2[%dma_start3A_44, %dma_start3A_45] : memref<100000x16xf32, #tpu.memory_space<hbm>> -> memref<100000x16xf32, #tpu.memory_space<hbm>>
      tpu.enqueue_indirect_dma source(%dma_start3A_46 : memref<100000x16xf32, #tpu.memory_space<hbm>>) target(%dma_start3A_40 : memref<125x16xf32, #tpu.memory_space<vmem>>) offsets(%dma_start3A_43 : memref<125xi32, #tpu.memory_space<vmem>>) semaphore(%arg12 : memref<!tpu.dma_semaphore, #tpu.memory_space<semaphore_mem>>)
      %dma_start3A_47 = arith.constant 0 : i32
      %dma_start3A_48 = arith.constant 2 : i32
      %dma_start3A_49 = arith.constant 0 : i32
      %dma_start3A_50 = arith.constant 250 : i32
      %dma_start3A_51 = arith.constant 0 : i32
      %dma_start3A_52 = tpu.memref_slice %arg11[%dma_start3A_49, %dma_start3A_50, %dma_start3A_51] : memref<2x625x16xf32, #tpu.memory_space<vmem>> -> memref<1x125x16xf32, #tpu.memory_space<vmem>>
      %dma_start3A_53 = tpu.memref_squeeze %dma_start3A_52 : memref<1x125x16xf32, #tpu.memory_space<vmem>> -> memref<125x16xf32, #tpu.memory_space<vmem>>
      %dma_start3A_54 = arith.constant 0 : i32
      %dma_start3A_55 = tpu.memref_slice %arg9[%dma_start3A_47, %dma_start3A_48, %dma_start3A_54] : memref<2x5x125xi32, #tpu.memory_space<vmem>> -> memref<1x1x125xi32, #tpu.memory_space<vmem>>
      %dma_start3A_56 = tpu.memref_squeeze %dma_start3A_55 : memref<1x1x125xi32, #tpu.memory_space<vmem>> -> memref<125xi32, #tpu.memory_space<vmem>>
      %dma_start3A_57 = arith.constant 0 : i32
      %dma_start3A_58 = arith.constant 0 : i32
      %dma_start3A_59 = tpu.memref_slice %arg2[%dma_start3A_57, %dma_start3A_58] : memref<100000x16xf32, #tpu.memory_space<hbm>> -> memref<100000x16xf32, #tpu.memory_space<hbm>>
      tpu.enqueue_indirect_dma source(%dma_start3A_59 : memref<100000x16xf32, #tpu.memory_space<hbm>>) target(%dma_start3A_53 : memref<125x16xf32, #tpu.memory_space<vmem>>) offsets(%dma_start3A_56 : memref<125xi32, #tpu.memory_space<vmem>>) semaphore(%arg12 : memref<!tpu.dma_semaphore, #tpu.memory_space<semaphore_mem>>)
      %dma_start3A_60 = arith.constant 0 : i32
      %dma_start3A_61 = arith.constant 3 : i32
      %dma_start3A_62 = arith.constant 0 : i32
      %dma_start3A_63 = arith.constant 375 : i32
      %dma_start3A_64 = arith.constant 0 : i32
      %dma_start3A_65 = tpu.memref_slice %arg11[%dma_start3A_62, %dma_start3A_63, %dma_start3A_64] : memref<2x625x16xf32, #tpu.memory_space<vmem>> -> memref<1x125x16xf32, #tpu.memory_space<vmem>>
      %dma_start3A_66 = tpu.memref_squeeze %dma_start3A_65 : memref<1x125x16xf32, #tpu.memory_space<vmem>> -> memref<125x16xf32, #tpu.memory_space<vmem>>
      %dma_start3A_67 = arith.constant 0 : i32
      %dma_start3A_68 = tpu.memref_slice %arg9[%dma_start3A_60, %dma_start3A_61, %dma_start3A_67] : memref<2x5x125xi32, #tpu.memory_space<vmem>> -> memref<1x1x125xi32, #tpu.memory_space<vmem>>
      %dma_start3A_69 = tpu.memref_squeeze %dma_start3A_68 : memref<1x1x125xi32, #tpu.memory_space<vmem>> -> memref<125xi32, #tpu.memory_space<vmem>>
      %dma_start3A_70 = arith.constant 0 : i32
      %dma_start3A_71 = arith.constant 0 : i32
      %dma_start3A_72 = tpu.memref_slice %arg2[%dma_start3A_70, %dma_start3A_71] : memref<100000x16xf32, #tpu.memory_space<hbm>> -> memref<100000x16xf32, #tpu.memory_space<hbm>>
      tpu.enqueue_indirect_dma source(%dma_start3A_72 : memref<100000x16xf32, #tpu.memory_space<hbm>>) target(%dma_start3A_66 : memref<125x16xf32, #tpu.memory_space<vmem>>) offsets(%dma_start3A_69 : memref<125xi32, #tpu.memory_space<vmem>>) semaphore(%arg12 : memref<!tpu.dma_semaphore, #tpu.memory_space<semaphore_mem>>)
      %dma_start3A_73 = arith.constant 0 : i32
      %dma_start3A_74 = arith.constant 4 : i32
      %dma_start3A_75 = arith.constant 0 : i32
      %dma_start3A_76 = arith.constant 500 : i32
      %dma_start3A_77 = arith.constant 0 : i32
      %dma_start3A_78 = tpu.memref_slice %arg11[%dma_start3A_75, %dma_start3A_76, %dma_start3A_77] : memref<2x625x16xf32, #tpu.memory_space<vmem>> -> memref<1x125x16xf32, #tpu.memory_space<vmem>>
      %dma_start3A_79 = tpu.memref_squeeze %dma_start3A_78 : memref<1x125x16xf32, #tpu.memory_space<vmem>> -> memref<125x16xf32, #tpu.memory_space<vmem>>
      %dma_start3A_80 = arith.constant 0 : i32
      %dma_start3A_81 = tpu.memref_slice %arg9[%dma_start3A_73, %dma_start3A_74, %dma_start3A_80] : memref<2x5x125xi32, #tpu.memory_space<vmem>> -> memref<1x1x125xi32, #tpu.memory_space<vmem>>
      %dma_start3A_82 = tpu.memref_squeeze %dma_start3A_81 : memref<1x1x125xi32, #tpu.memory_space<vmem>> -> memref<125xi32, #tpu.memory_space<vmem>>
      %dma_start3A_83 = arith.constant 0 : i32
      %dma_start3A_84 = arith.constant 0 : i32
      %dma_start3A_85 = tpu.memref_slice %arg2[%dma_start3A_83, %dma_start3A_84] : memref<100000x16xf32, #tpu.memory_space<hbm>> -> memref<100000x16xf32, #tpu.memory_space<hbm>>
      tpu.enqueue_indirect_dma source(%dma_start3A_85 : memref<100000x16xf32, #tpu.memory_space<hbm>>) target(%dma_start3A_79 : memref<125x16xf32, #tpu.memory_space<vmem>>) offsets(%dma_start3A_82 : memref<125xi32, #tpu.memory_space<vmem>>) semaphore(%arg12 : memref<!tpu.dma_semaphore, #tpu.memory_space<semaphore_mem>>)
      %scan3A = arith.constant 0 : i32
      %scan3A_86 = arith.constant 80 : i32
      %scan3A_87 = arith.addi %scan3A, %scan3A_86 : i32
      %scan3A_88 = arith.constant 1 : i32
      scf.for %scan3A_154 = %scan3A to %scan3A_87 step %scan3A_88  : i32 {
        %mul3A_155 = arith.constant 1 : i32
        %mul3A_156 = arith.muli %scan3A_154, %mul3A_155 : i32
        %add3A_157 = arith.constant 0 : i32
        %add3A_158 = arith.addi %add3A_157, %mul3A_156 : i32
        %mul3A_159 = arith.constant 2 : i32
        %mul3A_160 = arith.muli %mul3A_159, %add3A_158 : i32
        %gt3A = arith.constant 0 : i32
        %gt3A_161 = arith.cmpi sgt, %add3A_158, %gt3A : i32
        %convert_element_type3A_162 = arith.extui %gt3A_161 : i1 to i32
        %cond3A_163 = arith.constant 0 : i32
        %cond3A_164 = arith.cmpi ne, %convert_element_type3A_162, %cond3A_163 : i32
        scf.if %cond3A_164 {
          %dma_wait3A_575 = arith.constant 1 : i32
          %dma_wait3A_576 = arith.constant 1 : i32
          %dma_wait3A_577 = arith.constant 0 : i32
          %dma_wait3A_578 = arith.constant 0 : i32
          %dma_wait3A_579 = arith.constant 0 : i32
          %dma_wait3A_580 = tpu.memref_slice %arg11[%dma_wait3A_575, %dma_wait3A_578, %dma_wait3A_579] : memref<2x625x16xf32, #tpu.memory_space<vmem>> -> memref<1x125x16xf32, #tpu.memory_space<vmem>>
          %dma_wait3A_581 = tpu.memref_squeeze %dma_wait3A_580 : memref<1x125x16xf32, #tpu.memory_space<vmem>> -> memref<125x16xf32, #tpu.memory_space<vmem>>
          %dma_wait3A_582 = arith.constant 0 : i32
          %dma_wait3A_583 = tpu.memref_slice %arg10[%dma_wait3A_576, %dma_wait3A_577, %dma_wait3A_582] : memref<2x5x125xi32, #tpu.memory_space<vmem>> -> memref<1x1x125xi32, #tpu.memory_space<vmem>>
          %dma_wait3A_584 = tpu.memref_squeeze %dma_wait3A_583 : memref<1x1x125xi32, #tpu.memory_space<vmem>> -> memref<125xi32, #tpu.memory_space<vmem>>
          %dma_wait3A_585 = arith.constant 0 : i32
          %dma_wait3A_586 = arith.constant 0 : i32
          %dma_wait3A_587 = tpu.memref_slice %arg8[%dma_wait3A_585, %dma_wait3A_586] : memref<100000x16xf32, #tpu.memory_space<vmem_shared>> -> memref<100000x16xf32, #tpu.memory_space<vmem_shared>>
          tpu.wait_indirect_dma semaphore(%arg13 : memref<!tpu.dma_semaphore, #tpu.memory_space<semaphore_mem>>) src(%dma_wait3A_581 : memref<125x16xf32, #tpu.memory_space<vmem>>) dst(%dma_wait3A_587 : memref<100000x16xf32, #tpu.memory_space<vmem_shared>>)
          %dma_wait3A_588 = arith.constant 1 : i32
          %dma_wait3A_589 = arith.constant 1 : i32
          %dma_wait3A_590 = arith.constant 1 : i32
          %dma_wait3A_591 = arith.constant 125 : i32
          %dma_wait3A_592 = arith.constant 0 : i32
          %dma_wait3A_593 = tpu.memref_slice %arg11[%dma_wait3A_588, %dma_wait3A_591, %dma_wait3A_592] : memref<2x625x16xf32, #tpu.memory_space<vmem>> -> memref<1x125x16xf32, #tpu.memory_space<vmem>>
          %dma_wait3A_594 = tpu.memref_squeeze %dma_wait3A_593 : memref<1x125x16xf32, #tpu.memory_space<vmem>> -> memref<125x16xf32, #tpu.memory_space<vmem>>
          %dma_wait3A_595 = arith.constant 0 : i32
          %dma_wait3A_596 = tpu.memref_slice %arg10[%dma_wait3A_589, %dma_wait3A_590, %dma_wait3A_595] : memref<2x5x125xi32, #tpu.memory_space<vmem>> -> memref<1x1x125xi32, #tpu.memory_space<vmem>>
          %dma_wait3A_597 = tpu.memref_squeeze %dma_wait3A_596 : memref<1x1x125xi32, #tpu.memory_space<vmem>> -> memref<125xi32, #tpu.memory_space<vmem>>
          %dma_wait3A_598 = arith.constant 0 : i32
          %dma_wait3A_599 = arith.constant 0 : i32
          %dma_wait3A_600 = tpu.memref_slice %arg8[%dma_wait3A_598, %dma_wait3A_599] : memref<100000x16xf32, #tpu.memory_space<vmem_shared>> -> memref<100000x16xf32, #tpu.memory_space<vmem_shared>>
          tpu.wait_indirect_dma semaphore(%arg13 : memref<!tpu.dma_semaphore, #tpu.memory_space<semaphore_mem>>) src(%dma_wait3A_594 : memref<125x16xf32, #tpu.memory_space<vmem>>) dst(%dma_wait3A_600 : memref<100000x16xf32, #tpu.memory_space<vmem_shared>>)
          %dma_wait3A_601 = arith.constant 1 : i32
          %dma_wait3A_602 = arith.constant 1 : i32
          %dma_wait3A_603 = arith.constant 2 : i32
          %dma_wait3A_604 = arith.constant 250 : i32
          %dma_wait3A_605 = arith.constant 0 : i32
          %dma_wait3A_606 = tpu.memref_slice %arg11[%dma_wait3A_601, %dma_wait3A_604, %dma_wait3A_605] : memref<2x625x16xf32, #tpu.memory_space<vmem>> -> memref<1x125x16xf32, #tpu.memory_space<vmem>>
          %dma_wait3A_607 = tpu.memref_squeeze %dma_wait3A_606 : memref<1x125x16xf32, #tpu.memory_space<vmem>> -> memref<125x16xf32, #tpu.memory_space<vmem>>
          %dma_wait3A_608 = arith.constant 0 : i32
          %dma_wait3A_609 = tpu.memref_slice %arg10[%dma_wait3A_602, %dma_wait3A_603, %dma_wait3A_608] : memref<2x5x125xi32, #tpu.memory_space<vmem>> -> memref<1x1x125xi32, #tpu.memory_space<vmem>>
          %dma_wait3A_610 = tpu.memref_squeeze %dma_wait3A_609 : memref<1x1x125xi32, #tpu.memory_space<vmem>> -> memref<125xi32, #tpu.memory_space<vmem>>
          %dma_wait3A_611 = arith.constant 0 : i32
          %dma_wait3A_612 = arith.constant 0 : i32
          %dma_wait3A_613 = tpu.memref_slice %arg8[%dma_wait3A_611, %dma_wait3A_612] : memref<100000x16xf32, #tpu.memory_space<vmem_shared>> -> memref<100000x16xf32, #tpu.memory_space<vmem_shared>>
          tpu.wait_indirect_dma semaphore(%arg13 : memref<!tpu.dma_semaphore, #tpu.memory_space<semaphore_mem>>) src(%dma_wait3A_607 : memref<125x16xf32, #tpu.memory_space<vmem>>) dst(%dma_wait3A_613 : memref<100000x16xf32, #tpu.memory_space<vmem_shared>>)
          %dma_wait3A_614 = arith.constant 1 : i32
          %dma_wait3A_615 = arith.constant 1 : i32
          %dma_wait3A_616 = arith.constant 3 : i32
          %dma_wait3A_617 = arith.constant 375 : i32
          %dma_wait3A_618 = arith.constant 0 : i32
          %dma_wait3A_619 = tpu.memref_slice %arg11[%dma_wait3A_614, %dma_wait3A_617, %dma_wait3A_618] : memref<2x625x16xf32, #tpu.memory_space<vmem>> -> memref<1x125x16xf32, #tpu.memory_space<vmem>>
          %dma_wait3A_620 = tpu.memref_squeeze %dma_wait3A_619 : memref<1x125x16xf32, #tpu.memory_space<vmem>> -> memref<125x16xf32, #tpu.memory_space<vmem>>
          %dma_wait3A_621 = arith.constant 0 : i32
          %dma_wait3A_622 = tpu.memref_slice %arg10[%dma_wait3A_615, %dma_wait3A_616, %dma_wait3A_621] : memref<2x5x125xi32, #tpu.memory_space<vmem>> -> memref<1x1x125xi32, #tpu.memory_space<vmem>>
          %dma_wait3A_623 = tpu.memref_squeeze %dma_wait3A_622 : memref<1x1x125xi32, #tpu.memory_space<vmem>> -> memref<125xi32, #tpu.memory_space<vmem>>
          %dma_wait3A_624 = arith.constant 0 : i32
          %dma_wait3A_625 = arith.constant 0 : i32
          %dma_wait3A_626 = tpu.memref_slice %arg8[%dma_wait3A_624, %dma_wait3A_625] : memref<100000x16xf32, #tpu.memory_space<vmem_shared>> -> memref<100000x16xf32, #tpu.memory_space<vmem_shared>>
          tpu.wait_indirect_dma semaphore(%arg13 : memref<!tpu.dma_semaphore, #tpu.memory_space<semaphore_mem>>) src(%dma_wait3A_620 : memref<125x16xf32, #tpu.memory_space<vmem>>) dst(%dma_wait3A_626 : memref<100000x16xf32, #tpu.memory_space<vmem_shared>>)
          %dma_wait3A_627 = arith.constant 1 : i32
          %dma_wait3A_628 = arith.constant 1 : i32
          %dma_wait3A_629 = arith.constant 4 : i32
          %dma_wait3A_630 = arith.constant 500 : i32
          %dma_wait3A_631 = arith.constant 0 : i32
          %dma_wait3A_632 = tpu.memref_slice %arg11[%dma_wait3A_627, %dma_wait3A_630, %dma_wait3A_631] : memref<2x625x16xf32, #tpu.memory_space<vmem>> -> memref<1x125x16xf32, #tpu.memory_space<vmem>>
          %dma_wait3A_633 = tpu.memref_squeeze %dma_wait3A_632 : memref<1x125x16xf32, #tpu.memory_space<vmem>> -> memref<125x16xf32, #tpu.memory_space<vmem>>
          %dma_wait3A_634 = arith.constant 0 : i32
          %dma_wait3A_635 = tpu.memref_slice %arg10[%dma_wait3A_628, %dma_wait3A_629, %dma_wait3A_634] : memref<2x5x125xi32, #tpu.memory_space<vmem>> -> memref<1x1x125xi32, #tpu.memory_space<vmem>>
          %dma_wait3A_636 = tpu.memref_squeeze %dma_wait3A_635 : memref<1x1x125xi32, #tpu.memory_space<vmem>> -> memref<125xi32, #tpu.memory_space<vmem>>
          %dma_wait3A_637 = arith.constant 0 : i32
          %dma_wait3A_638 = arith.constant 0 : i32
          %dma_wait3A_639 = tpu.memref_slice %arg8[%dma_wait3A_637, %dma_wait3A_638] : memref<100000x16xf32, #tpu.memory_space<vmem_shared>> -> memref<100000x16xf32, #tpu.memory_space<vmem_shared>>
          tpu.wait_indirect_dma semaphore(%arg13 : memref<!tpu.dma_semaphore, #tpu.memory_space<semaphore_mem>>) src(%dma_wait3A_633 : memref<125x16xf32, #tpu.memory_space<vmem>>) dst(%dma_wait3A_639 : memref<100000x16xf32, #tpu.memory_space<vmem_shared>>)
        } else {
        }
        %add3A_165 = arith.constant 1 : i32
        %add3A_166 = arith.addi %mul3A_160, %add3A_165 : i32
        %mul3A_167 = arith.constant 5 : i32
        %mul3A_168 = arith.muli %add3A_166, %mul3A_167 : i32
        %add3A_169 = arith.addi %mul3A_17, %mul3A_168 : i32
        %run_scoped3A_170 = arith.constant 1 : i32
        "tpu.region"() ({
          %run_scoped3A_575 = tpu.sem_alloc : memref<!tpu.dma_semaphore, #tpu.memory_space<semaphore_mem>>
          %dma_start3A_576 = arith.constant 0 : i32
          %dma_start3A_577 = arith.constant 0 : i32
          %dma_start3A_578 = tpu.memref_slice %arg9[%run_scoped3A_170, %dma_start3A_576, %dma_start3A_577] : memref<2x5x125xi32, #tpu.memory_space<vmem>> -> memref<1x5x125xi32, #tpu.memory_space<vmem>>
          %dma_start3A_579 = tpu.memref_squeeze %dma_start3A_578 : memref<1x5x125xi32, #tpu.memory_space<vmem>> -> memref<5x125xi32, #tpu.memory_space<vmem>>
          %dma_start3A_580 = arith.constant 0 : i32
          %dma_start3A_581 = tpu.memref_slice %arg4[%add3A_169, %dma_start3A_580] : memref<12800x125xi32, #tpu.memory_space<hbm>> -> memref<5x125xi32, #tpu.memory_space<hbm>>
          %dma_start3A_582 = arith.constant 0 : i32
          %dma_start3A_583 = arith.constant 0 : i32
          %dma_start3A_584 = tpu.memref_slice %arg9[%run_scoped3A_170, %dma_start3A_582, %dma_start3A_583] : memref<2x5x125xi32, #tpu.memory_space<vmem>> -> memref<1x5x125xi32, #tpu.memory_space<vmem>>
          %dma_start3A_585 = tpu.memref_squeeze %dma_start3A_584 : memref<1x5x125xi32, #tpu.memory_space<vmem>> -> memref<5x125xi32, #tpu.memory_space<vmem>>
          %dma_start3A_586 = arith.constant 0 : i32
          %dma_start3A_587 = tpu.memref_slice %arg4[%add3A_169, %dma_start3A_586] : memref<12800x125xi32, #tpu.memory_space<hbm>> -> memref<5x125xi32, #tpu.memory_space<hbm>>
          tpu.enqueue_dma source(%dma_start3A_587 : memref<5x125xi32, #tpu.memory_space<hbm>>) target(%dma_start3A_585 : memref<5x125xi32, #tpu.memory_space<vmem>>) target_semaphore(%run_scoped3A_575 : memref<!tpu.dma_semaphore, #tpu.memory_space<semaphore_mem>>)
          %dma_wait3A_588 = arith.constant 0 : i32
          %dma_wait3A_589 = arith.constant 0 : i32
          %dma_wait3A_590 = tpu.memref_slice %arg9[%run_scoped3A_170, %dma_wait3A_588, %dma_wait3A_589] : memref<2x5x125xi32, #tpu.memory_space<vmem>> -> memref<1x5x125xi32, #tpu.memory_space<vmem>>
          %dma_wait3A_591 = tpu.memref_squeeze %dma_wait3A_590 : memref<1x5x125xi32, #tpu.memory_space<vmem>> -> memref<5x125xi32, #tpu.memory_space<vmem>>
          %dma_wait3A_592 = arith.constant 0 : i32
          %dma_wait3A_593 = tpu.memref_slice %arg4[%add3A_169, %dma_wait3A_592] : memref<12800x125xi32, #tpu.memory_space<hbm>> -> memref<5x125xi32, #tpu.memory_space<hbm>>
          %dma_wait3A_594 = arith.constant 0 : i32
          %dma_wait3A_595 = arith.constant 0 : i32
          %dma_wait3A_596 = tpu.memref_slice %arg9[%run_scoped3A_170, %dma_wait3A_594, %dma_wait3A_595] : memref<2x5x125xi32, #tpu.memory_space<vmem>> -> memref<1x5x125xi32, #tpu.memory_space<vmem>>
          %dma_wait3A_597 = tpu.memref_squeeze %dma_wait3A_596 : memref<1x5x125xi32, #tpu.memory_space<vmem>> -> memref<5x125xi32, #tpu.memory_space<vmem>>
          %dma_wait3A_598 = arith.constant 0 : i32
          %dma_wait3A_599 = tpu.memref_slice %arg4[%add3A_169, %dma_wait3A_598] : memref<12800x125xi32, #tpu.memory_space<hbm>> -> memref<5x125xi32, #tpu.memory_space<hbm>>
          tpu.wait_dma2 semaphore(%run_scoped3A_575 : memref<!tpu.dma_semaphore, #tpu.memory_space<semaphore_mem>>) src(%dma_wait3A_599 : memref<5x125xi32, #tpu.memory_space<hbm>>) dst(%dma_wait3A_597 : memref<5x125xi32, #tpu.memory_space<vmem>>)
          tpu.yield
        }) : () -> ()
        %mul3A_171 = arith.constant 5 : i32
        %mul3A_172 = arith.muli %add3A_166, %mul3A_171 : i32
        %add3A_173 = arith.addi %mul3A_17, %mul3A_172 : i32
        %run_scoped3A_174 = arith.constant 1 : i32
        "tpu.region"() ({
          %run_scoped3A_575 = tpu.sem_alloc : memref<!tpu.dma_semaphore, #tpu.memory_space<semaphore_mem>>
          %dma_start3A_576 = arith.constant 0 : i32
          %dma_start3A_577 = arith.constant 0 : i32
          %dma_start3A_578 = tpu.memref_slice %arg10[%run_scoped3A_174, %dma_start3A_576, %dma_start3A_577] : memref<2x5x125xi32, #tpu.memory_space<vmem>> -> memref<1x5x125xi32, #tpu.memory_space<vmem>>
          %dma_start3A_579 = tpu.memref_squeeze %dma_start3A_578 : memref<1x5x125xi32, #tpu.memory_space<vmem>> -> memref<5x125xi32, #tpu.memory_space<vmem>>
          %dma_start3A_580 = arith.constant 0 : i32
          %dma_start3A_581 = tpu.memref_slice %arg5[%add3A_173, %dma_start3A_580] : memref<12800x125xi32, #tpu.memory_space<hbm>> -> memref<5x125xi32, #tpu.memory_space<hbm>>
          %dma_start3A_582 = arith.constant 0 : i32
          %dma_start3A_583 = arith.constant 0 : i32
          %dma_start3A_584 = tpu.memref_slice %arg10[%run_scoped3A_174, %dma_start3A_582, %dma_start3A_583] : memref<2x5x125xi32, #tpu.memory_space<vmem>> -> memref<1x5x125xi32, #tpu.memory_space<vmem>>
          %dma_start3A_585 = tpu.memref_squeeze %dma_start3A_584 : memref<1x5x125xi32, #tpu.memory_space<vmem>> -> memref<5x125xi32, #tpu.memory_space<vmem>>
          %dma_start3A_586 = arith.constant 0 : i32
          %dma_start3A_587 = tpu.memref_slice %arg5[%add3A_173, %dma_start3A_586] : memref<12800x125xi32, #tpu.memory_space<hbm>> -> memref<5x125xi32, #tpu.memory_space<hbm>>
          tpu.enqueue_dma source(%dma_start3A_587 : memref<5x125xi32, #tpu.memory_space<hbm>>) target(%dma_start3A_585 : memref<5x125xi32, #tpu.memory_space<vmem>>) target_semaphore(%run_scoped3A_575 : memref<!tpu.dma_semaphore, #tpu.memory_space<semaphore_mem>>)
          %dma_wait3A_588 = arith.constant 0 : i32
          %dma_wait3A_589 = arith.constant 0 : i32
          %dma_wait3A_590 = tpu.memref_slice %arg10[%run_scoped3A_174, %dma_wait3A_588, %dma_wait3A_589] : memref<2x5x125xi32, #tpu.memory_space<vmem>> -> memref<1x5x125xi32, #tpu.memory_space<vmem>>
          %dma_wait3A_591 = tpu.memref_squeeze %dma_wait3A_590 : memref<1x5x125xi32, #tpu.memory_space<vmem>> -> memref<5x125xi32, #tpu.memory_space<vmem>>
          %dma_wait3A_592 = arith.constant 0 : i32
          %dma_wait3A_593 = tpu.memref_slice %arg5[%add3A_173, %dma_wait3A_592] : memref<12800x125xi32, #tpu.memory_space<hbm>> -> memref<5x125xi32, #tpu.memory_space<hbm>>
          %dma_wait3A_594 = arith.constant 0 : i32
          %dma_wait3A_595 = arith.constant 0 : i32
          %dma_wait3A_596 = tpu.memref_slice %arg10[%run_scoped3A_174, %dma_wait3A_594, %dma_wait3A_595] : memref<2x5x125xi32, #tpu.memory_space<vmem>> -> memref<1x5x125xi32, #tpu.memory_space<vmem>>
          %dma_wait3A_597 = tpu.memref_squeeze %dma_wait3A_596 : memref<1x5x125xi32, #tpu.memory_space<vmem>> -> memref<5x125xi32, #tpu.memory_space<vmem>>
          %dma_wait3A_598 = arith.constant 0 : i32
          %dma_wait3A_599 = tpu.memref_slice %arg5[%add3A_173, %dma_wait3A_598] : memref<12800x125xi32, #tpu.memory_space<hbm>> -> memref<5x125xi32, #tpu.memory_space<hbm>>
          tpu.wait_dma2 semaphore(%run_scoped3A_575 : memref<!tpu.dma_semaphore, #tpu.memory_space<semaphore_mem>>) src(%dma_wait3A_599 : memref<5x125xi32, #tpu.memory_space<hbm>>) dst(%dma_wait3A_597 : memref<5x125xi32, #tpu.memory_space<vmem>>)
          tpu.yield
        }) : () -> ()
        %dma_wait3A_175 = arith.constant 0 : i32
        %dma_wait3A_176 = arith.constant 0 : i32
        %dma_wait3A_177 = arith.constant 0 : i32
        %dma_wait3A_178 = arith.constant 0 : i32
        %dma_wait3A_179 = arith.constant 0 : i32
        %dma_wait3A_180 = tpu.memref_slice %arg11[%dma_wait3A_177, %dma_wait3A_178, %dma_wait3A_179] : memref<2x625x16xf32, #tpu.memory_space<vmem>> -> memref<1x125x16xf32, #tpu.memory_space<vmem>>
        %dma_wait3A_181 = tpu.memref_squeeze %dma_wait3A_180 : memref<1x125x16xf32, #tpu.memory_space<vmem>> -> memref<125x16xf32, #tpu.memory_space<vmem>>
        %dma_wait3A_182 = arith.constant 0 : i32
        %dma_wait3A_183 = tpu.memref_slice %arg9[%dma_wait3A_175, %dma_wait3A_176, %dma_wait3A_182] : memref<2x5x125xi32, #tpu.memory_space<vmem>> -> memref<1x1x125xi32, #tpu.memory_space<vmem>>
        %dma_wait3A_184 = tpu.memref_squeeze %dma_wait3A_183 : memref<1x1x125xi32, #tpu.memory_space<vmem>> -> memref<125xi32, #tpu.memory_space<vmem>>
        %dma_wait3A_185 = arith.constant 0 : i32
        %dma_wait3A_186 = arith.constant 0 : i32
        %dma_wait3A_187 = tpu.memref_slice %arg2[%dma_wait3A_185, %dma_wait3A_186] : memref<100000x16xf32, #tpu.memory_space<hbm>> -> memref<100000x16xf32, #tpu.memory_space<hbm>>
        tpu.wait_indirect_dma semaphore(%arg12 : memref<!tpu.dma_semaphore, #tpu.memory_space<semaphore_mem>>) src(%dma_wait3A_187 : memref<100000x16xf32, #tpu.memory_space<hbm>>) dst(%dma_wait3A_181 : memref<125x16xf32, #tpu.memory_space<vmem>>)
        %dma_wait3A_188 = arith.constant 0 : i32
        %dma_wait3A_189 = arith.constant 1 : i32
        %dma_wait3A_190 = arith.constant 0 : i32
        %dma_wait3A_191 = arith.constant 125 : i32
        %dma_wait3A_192 = arith.constant 0 : i32
        %dma_wait3A_193 = tpu.memref_slice %arg11[%dma_wait3A_190, %dma_wait3A_191, %dma_wait3A_192] : memref<2x625x16xf32, #tpu.memory_space<vmem>> -> memref<1x125x16xf32, #tpu.memory_space<vmem>>
        %dma_wait3A_194 = tpu.memref_squeeze %dma_wait3A_193 : memref<1x125x16xf32, #tpu.memory_space<vmem>> -> memref<125x16xf32, #tpu.memory_space<vmem>>
        %dma_wait3A_195 = arith.constant 0 : i32
        %dma_wait3A_196 = tpu.memref_slice %arg9[%dma_wait3A_188, %dma_wait3A_189, %dma_wait3A_195] : memref<2x5x125xi32, #tpu.memory_space<vmem>> -> memref<1x1x125xi32, #tpu.memory_space<vmem>>
        %dma_wait3A_197 = tpu.memref_squeeze %dma_wait3A_196 : memref<1x1x125xi32, #tpu.memory_space<vmem>> -> memref<125xi32, #tpu.memory_space<vmem>>
        %dma_wait3A_198 = arith.constant 0 : i32
        %dma_wait3A_199 = arith.constant 0 : i32
        %dma_wait3A_200 = tpu.memref_slice %arg2[%dma_wait3A_198, %dma_wait3A_199] : memref<100000x16xf32, #tpu.memory_space<hbm>> -> memref<100000x16xf32, #tpu.memory_space<hbm>>
        tpu.wait_indirect_dma semaphore(%arg12 : memref<!tpu.dma_semaphore, #tpu.memory_space<semaphore_mem>>) src(%dma_wait3A_200 : memref<100000x16xf32, #tpu.memory_space<hbm>>) dst(%dma_wait3A_194 : memref<125x16xf32, #tpu.memory_space<vmem>>)
        %dma_wait3A_201 = arith.constant 0 : i32
        %dma_wait3A_202 = arith.constant 2 : i32
        %dma_wait3A_203 = arith.constant 0 : i32
        %dma_wait3A_204 = arith.constant 250 : i32
        %dma_wait3A_205 = arith.constant 0 : i32
        %dma_wait3A_206 = tpu.memref_slice %arg11[%dma_wait3A_203, %dma_wait3A_204, %dma_wait3A_205] : memref<2x625x16xf32, #tpu.memory_space<vmem>> -> memref<1x125x16xf32, #tpu.memory_space<vmem>>
        %dma_wait3A_207 = tpu.memref_squeeze %dma_wait3A_206 : memref<1x125x16xf32, #tpu.memory_space<vmem>> -> memref<125x16xf32, #tpu.memory_space<vmem>>
        %dma_wait3A_208 = arith.constant 0 : i32
        %dma_wait3A_209 = tpu.memref_slice %arg9[%dma_wait3A_201, %dma_wait3A_202, %dma_wait3A_208] : memref<2x5x125xi32, #tpu.memory_space<vmem>> -> memref<1x1x125xi32, #tpu.memory_space<vmem>>
        %dma_wait3A_210 = tpu.memref_squeeze %dma_wait3A_209 : memref<1x1x125xi32, #tpu.memory_space<vmem>> -> memref<125xi32, #tpu.memory_space<vmem>>
        %dma_wait3A_211 = arith.constant 0 : i32
        %dma_wait3A_212 = arith.constant 0 : i32
        %dma_wait3A_213 = tpu.memref_slice %arg2[%dma_wait3A_211, %dma_wait3A_212] : memref<100000x16xf32, #tpu.memory_space<hbm>> -> memref<100000x16xf32, #tpu.memory_space<hbm>>
        tpu.wait_indirect_dma semaphore(%arg12 : memref<!tpu.dma_semaphore, #tpu.memory_space<semaphore_mem>>) src(%dma_wait3A_213 : memref<100000x16xf32, #tpu.memory_space<hbm>>) dst(%dma_wait3A_207 : memref<125x16xf32, #tpu.memory_space<vmem>>)
        %dma_wait3A_214 = arith.constant 0 : i32
        %dma_wait3A_215 = arith.constant 3 : i32
        %dma_wait3A_216 = arith.constant 0 : i32
        %dma_wait3A_217 = arith.constant 375 : i32
        %dma_wait3A_218 = arith.constant 0 : i32
        %dma_wait3A_219 = tpu.memref_slice %arg11[%dma_wait3A_216, %dma_wait3A_217, %dma_wait3A_218] : memref<2x625x16xf32, #tpu.memory_space<vmem>> -> memref<1x125x16xf32, #tpu.memory_space<vmem>>
        %dma_wait3A_220 = tpu.memref_squeeze %dma_wait3A_219 : memref<1x125x16xf32, #tpu.memory_space<vmem>> -> memref<125x16xf32, #tpu.memory_space<vmem>>
        %dma_wait3A_221 = arith.constant 0 : i32
        %dma_wait3A_222 = tpu.memref_slice %arg9[%dma_wait3A_214, %dma_wait3A_215, %dma_wait3A_221] : memref<2x5x125xi32, #tpu.memory_space<vmem>> -> memref<1x1x125xi32, #tpu.memory_space<vmem>>
        %dma_wait3A_223 = tpu.memref_squeeze %dma_wait3A_222 : memref<1x1x125xi32, #tpu.memory_space<vmem>> -> memref<125xi32, #tpu.memory_space<vmem>>
        %dma_wait3A_224 = arith.constant 0 : i32
        %dma_wait3A_225 = arith.constant 0 : i32
        %dma_wait3A_226 = tpu.memref_slice %arg2[%dma_wait3A_224, %dma_wait3A_225] : memref<100000x16xf32, #tpu.memory_space<hbm>> -> memref<100000x16xf32, #tpu.memory_space<hbm>>
        tpu.wait_indirect_dma semaphore(%arg12 : memref<!tpu.dma_semaphore, #tpu.memory_space<semaphore_mem>>) src(%dma_wait3A_226 : memref<100000x16xf32, #tpu.memory_space<hbm>>) dst(%dma_wait3A_220 : memref<125x16xf32, #tpu.memory_space<vmem>>)
        %dma_wait3A_227 = arith.constant 0 : i32
        %dma_wait3A_228 = arith.constant 4 : i32
        %dma_wait3A_229 = arith.constant 0 : i32
        %dma_wait3A_230 = arith.constant 500 : i32
        %dma_wait3A_231 = arith.constant 0 : i32
        %dma_wait3A_232 = tpu.memref_slice %arg11[%dma_wait3A_229, %dma_wait3A_230, %dma_wait3A_231] : memref<2x625x16xf32, #tpu.memory_space<vmem>> -> memref<1x125x16xf32, #tpu.memory_space<vmem>>
        %dma_wait3A_233 = tpu.memref_squeeze %dma_wait3A_232 : memref<1x125x16xf32, #tpu.memory_space<vmem>> -> memref<125x16xf32, #tpu.memory_space<vmem>>
        %dma_wait3A_234 = arith.constant 0 : i32
        %dma_wait3A_235 = tpu.memref_slice %arg9[%dma_wait3A_227, %dma_wait3A_228, %dma_wait3A_234] : memref<2x5x125xi32, #tpu.memory_space<vmem>> -> memref<1x1x125xi32, #tpu.memory_space<vmem>>
        %dma_wait3A_236 = tpu.memref_squeeze %dma_wait3A_235 : memref<1x1x125xi32, #tpu.memory_space<vmem>> -> memref<125xi32, #tpu.memory_space<vmem>>
        %dma_wait3A_237 = arith.constant 0 : i32
        %dma_wait3A_238 = arith.constant 0 : i32
        %dma_wait3A_239 = tpu.memref_slice %arg2[%dma_wait3A_237, %dma_wait3A_238] : memref<100000x16xf32, #tpu.memory_space<hbm>> -> memref<100000x16xf32, #tpu.memory_space<hbm>>
        tpu.wait_indirect_dma semaphore(%arg12 : memref<!tpu.dma_semaphore, #tpu.memory_space<semaphore_mem>>) src(%dma_wait3A_239 : memref<100000x16xf32, #tpu.memory_space<hbm>>) dst(%dma_wait3A_233 : memref<125x16xf32, #tpu.memory_space<vmem>>)
        %dma_start3A_240 = arith.constant 1 : i32
        %dma_start3A_241 = arith.constant 0 : i32
        %dma_start3A_242 = arith.constant 1 : i32
        %dma_start3A_243 = arith.constant 0 : i32
        %dma_start3A_244 = arith.constant 0 : i32
        %dma_start3A_245 = tpu.memref_slice %arg11[%dma_start3A_242, %dma_start3A_243, %dma_start3A_244] : memref<2x625x16xf32, #tpu.memory_space<vmem>> -> memref<1x125x16xf32, #tpu.memory_space<vmem>>
        %dma_start3A_246 = tpu.memref_squeeze %dma_start3A_245 : memref<1x125x16xf32, #tpu.memory_space<vmem>> -> memref<125x16xf32, #tpu.memory_space<vmem>>
        %dma_start3A_247 = arith.constant 0 : i32
        %dma_start3A_248 = tpu.memref_slice %arg9[%dma_start3A_240, %dma_start3A_241, %dma_start3A_247] : memref<2x5x125xi32, #tpu.memory_space<vmem>> -> memref<1x1x125xi32, #tpu.memory_space<vmem>>
        %dma_start3A_249 = tpu.memref_squeeze %dma_start3A_248 : memref<1x1x125xi32, #tpu.memory_space<vmem>> -> memref<125xi32, #tpu.memory_space<vmem>>
        %dma_start3A_250 = arith.constant 0 : i32
        %dma_start3A_251 = arith.constant 0 : i32
        %dma_start3A_252 = tpu.memref_slice %arg2[%dma_start3A_250, %dma_start3A_251] : memref<100000x16xf32, #tpu.memory_space<hbm>> -> memref<100000x16xf32, #tpu.memory_space<hbm>>
        tpu.enqueue_indirect_dma source(%dma_start3A_252 : memref<100000x16xf32, #tpu.memory_space<hbm>>) target(%dma_start3A_246 : memref<125x16xf32, #tpu.memory_space<vmem>>) offsets(%dma_start3A_249 : memref<125xi32, #tpu.memory_space<vmem>>) semaphore(%arg12 : memref<!tpu.dma_semaphore, #tpu.memory_space<semaphore_mem>>)
        %dma_start3A_253 = arith.constant 1 : i32
        %dma_start3A_254 = arith.constant 1 : i32
        %dma_start3A_255 = arith.constant 1 : i32
        %dma_start3A_256 = arith.constant 125 : i32
        %dma_start3A_257 = arith.constant 0 : i32
        %dma_start3A_258 = tpu.memref_slice %arg11[%dma_start3A_255, %dma_start3A_256, %dma_start3A_257] : memref<2x625x16xf32, #tpu.memory_space<vmem>> -> memref<1x125x16xf32, #tpu.memory_space<vmem>>
        %dma_start3A_259 = tpu.memref_squeeze %dma_start3A_258 : memref<1x125x16xf32, #tpu.memory_space<vmem>> -> memref<125x16xf32, #tpu.memory_space<vmem>>
        %dma_start3A_260 = arith.constant 0 : i32
        %dma_start3A_261 = tpu.memref_slice %arg9[%dma_start3A_253, %dma_start3A_254, %dma_start3A_260] : memref<2x5x125xi32, #tpu.memory_space<vmem>> -> memref<1x1x125xi32, #tpu.memory_space<vmem>>
        %dma_start3A_262 = tpu.memref_squeeze %dma_start3A_261 : memref<1x1x125xi32, #tpu.memory_space<vmem>> -> memref<125xi32, #tpu.memory_space<vmem>>
        %dma_start3A_263 = arith.constant 0 : i32
        %dma_start3A_264 = arith.constant 0 : i32
        %dma_start3A_265 = tpu.memref_slice %arg2[%dma_start3A_263, %dma_start3A_264] : memref<100000x16xf32, #tpu.memory_space<hbm>> -> memref<100000x16xf32, #tpu.memory_space<hbm>>
        tpu.enqueue_indirect_dma source(%dma_start3A_265 : memref<100000x16xf32, #tpu.memory_space<hbm>>) target(%dma_start3A_259 : memref<125x16xf32, #tpu.memory_space<vmem>>) offsets(%dma_start3A_262 : memref<125xi32, #tpu.memory_space<vmem>>) semaphore(%arg12 : memref<!tpu.dma_semaphore, #tpu.memory_space<semaphore_mem>>)
        %dma_start3A_266 = arith.constant 1 : i32
        %dma_start3A_267 = arith.constant 2 : i32
        %dma_start3A_268 = arith.constant 1 : i32
        %dma_start3A_269 = arith.constant 250 : i32
        %dma_start3A_270 = arith.constant 0 : i32
        %dma_start3A_271 = tpu.memref_slice %arg11[%dma_start3A_268, %dma_start3A_269, %dma_start3A_270] : memref<2x625x16xf32, #tpu.memory_space<vmem>> -> memref<1x125x16xf32, #tpu.memory_space<vmem>>
        %dma_start3A_272 = tpu.memref_squeeze %dma_start3A_271 : memref<1x125x16xf32, #tpu.memory_space<vmem>> -> memref<125x16xf32, #tpu.memory_space<vmem>>
        %dma_start3A_273 = arith.constant 0 : i32
        %dma_start3A_274 = tpu.memref_slice %arg9[%dma_start3A_266, %dma_start3A_267, %dma_start3A_273] : memref<2x5x125xi32, #tpu.memory_space<vmem>> -> memref<1x1x125xi32, #tpu.memory_space<vmem>>
        %dma_start3A_275 = tpu.memref_squeeze %dma_start3A_274 : memref<1x1x125xi32, #tpu.memory_space<vmem>> -> memref<125xi32, #tpu.memory_space<vmem>>
        %dma_start3A_276 = arith.constant 0 : i32
        %dma_start3A_277 = arith.constant 0 : i32
        %dma_start3A_278 = tpu.memref_slice %arg2[%dma_start3A_276, %dma_start3A_277] : memref<100000x16xf32, #tpu.memory_space<hbm>> -> memref<100000x16xf32, #tpu.memory_space<hbm>>
        tpu.enqueue_indirect_dma source(%dma_start3A_278 : memref<100000x16xf32, #tpu.memory_space<hbm>>) target(%dma_start3A_272 : memref<125x16xf32, #tpu.memory_space<vmem>>) offsets(%dma_start3A_275 : memref<125xi32, #tpu.memory_space<vmem>>) semaphore(%arg12 : memref<!tpu.dma_semaphore, #tpu.memory_space<semaphore_mem>>)
        %dma_start3A_279 = arith.constant 1 : i32
        %dma_start3A_280 = arith.constant 3 : i32
        %dma_start3A_281 = arith.constant 1 : i32
        %dma_start3A_282 = arith.constant 375 : i32
        %dma_start3A_283 = arith.constant 0 : i32
        %dma_start3A_284 = tpu.memref_slice %arg11[%dma_start3A_281, %dma_start3A_282, %dma_start3A_283] : memref<2x625x16xf32, #tpu.memory_space<vmem>> -> memref<1x125x16xf32, #tpu.memory_space<vmem>>
        %dma_start3A_285 = tpu.memref_squeeze %dma_start3A_284 : memref<1x125x16xf32, #tpu.memory_space<vmem>> -> memref<125x16xf32, #tpu.memory_space<vmem>>
        %dma_start3A_286 = arith.constant 0 : i32
        %dma_start3A_287 = tpu.memref_slice %arg9[%dma_start3A_279, %dma_start3A_280, %dma_start3A_286] : memref<2x5x125xi32, #tpu.memory_space<vmem>> -> memref<1x1x125xi32, #tpu.memory_space<vmem>>
        %dma_start3A_288 = tpu.memref_squeeze %dma_start3A_287 : memref<1x1x125xi32, #tpu.memory_space<vmem>> -> memref<125xi32, #tpu.memory_space<vmem>>
        %dma_start3A_289 = arith.constant 0 : i32
        %dma_start3A_290 = arith.constant 0 : i32
        %dma_start3A_291 = tpu.memref_slice %arg2[%dma_start3A_289, %dma_start3A_290] : memref<100000x16xf32, #tpu.memory_space<hbm>> -> memref<100000x16xf32, #tpu.memory_space<hbm>>
        tpu.enqueue_indirect_dma source(%dma_start3A_291 : memref<100000x16xf32, #tpu.memory_space<hbm>>) target(%dma_start3A_285 : memref<125x16xf32, #tpu.memory_space<vmem>>) offsets(%dma_start3A_288 : memref<125xi32, #tpu.memory_space<vmem>>) semaphore(%arg12 : memref<!tpu.dma_semaphore, #tpu.memory_space<semaphore_mem>>)
        %dma_start3A_292 = arith.constant 1 : i32
        %dma_start3A_293 = arith.constant 4 : i32
        %dma_start3A_294 = arith.constant 1 : i32
        %dma_start3A_295 = arith.constant 500 : i32
        %dma_start3A_296 = arith.constant 0 : i32
        %dma_start3A_297 = tpu.memref_slice %arg11[%dma_start3A_294, %dma_start3A_295, %dma_start3A_296] : memref<2x625x16xf32, #tpu.memory_space<vmem>> -> memref<1x125x16xf32, #tpu.memory_space<vmem>>
        %dma_start3A_298 = tpu.memref_squeeze %dma_start3A_297 : memref<1x125x16xf32, #tpu.memory_space<vmem>> -> memref<125x16xf32, #tpu.memory_space<vmem>>
        %dma_start3A_299 = arith.constant 0 : i32
        %dma_start3A_300 = tpu.memref_slice %arg9[%dma_start3A_292, %dma_start3A_293, %dma_start3A_299] : memref<2x5x125xi32, #tpu.memory_space<vmem>> -> memref<1x1x125xi32, #tpu.memory_space<vmem>>
        %dma_start3A_301 = tpu.memref_squeeze %dma_start3A_300 : memref<1x1x125xi32, #tpu.memory_space<vmem>> -> memref<125xi32, #tpu.memory_space<vmem>>
        %dma_start3A_302 = arith.constant 0 : i32
        %dma_start3A_303 = arith.constant 0 : i32
        %dma_start3A_304 = tpu.memref_slice %arg2[%dma_start3A_302, %dma_start3A_303] : memref<100000x16xf32, #tpu.memory_space<hbm>> -> memref<100000x16xf32, #tpu.memory_space<hbm>>
        tpu.enqueue_indirect_dma source(%dma_start3A_304 : memref<100000x16xf32, #tpu.memory_space<hbm>>) target(%dma_start3A_298 : memref<125x16xf32, #tpu.memory_space<vmem>>) offsets(%dma_start3A_301 : memref<125xi32, #tpu.memory_space<vmem>>) semaphore(%arg12 : memref<!tpu.dma_semaphore, #tpu.memory_space<semaphore_mem>>)
        %dma_start3A_305 = arith.constant 0 : i32
        %dma_start3A_306 = arith.constant 0 : i32
        %dma_start3A_307 = arith.constant 0 : i32
        %dma_start3A_308 = arith.constant 0 : i32
        %dma_start3A_309 = arith.constant 0 : i32
        %dma_start3A_310 = tpu.memref_slice %arg11[%dma_start3A_305, %dma_start3A_308, %dma_start3A_309] : memref<2x625x16xf32, #tpu.memory_space<vmem>> -> memref<1x125x16xf32, #tpu.memory_space<vmem>>
        %dma_start3A_311 = tpu.memref_squeeze %dma_start3A_310 : memref<1x125x16xf32, #tpu.memory_space<vmem>> -> memref<125x16xf32, #tpu.memory_space<vmem>>
        %dma_start3A_312 = arith.constant 0 : i32
        %dma_start3A_313 = tpu.memref_slice %arg10[%dma_start3A_306, %dma_start3A_307, %dma_start3A_312] : memref<2x5x125xi32, #tpu.memory_space<vmem>> -> memref<1x1x125xi32, #tpu.memory_space<vmem>>
        %dma_start3A_314 = tpu.memref_squeeze %dma_start3A_313 : memref<1x1x125xi32, #tpu.memory_space<vmem>> -> memref<125xi32, #tpu.memory_space<vmem>>
        %dma_start3A_315 = arith.constant 0 : i32
        %dma_start3A_316 = arith.constant 0 : i32
        %dma_start3A_317 = tpu.memref_slice %arg8[%dma_start3A_315, %dma_start3A_316] : memref<100000x16xf32, #tpu.memory_space<vmem_shared>> -> memref<100000x16xf32, #tpu.memory_space<vmem_shared>>
        tpu.enqueue_indirect_dma source(%dma_start3A_311 : memref<125x16xf32, #tpu.memory_space<vmem>>) target(%dma_start3A_317 : memref<100000x16xf32, #tpu.memory_space<vmem_shared>>) offsets(%dma_start3A_314 : memref<125xi32, #tpu.memory_space<vmem>>) semaphore(%arg13 : memref<!tpu.dma_semaphore, #tpu.memory_space<semaphore_mem>>) {add = true}
        %dma_start3A_318 = arith.constant 0 : i32
        %dma_start3A_319 = arith.constant 0 : i32
        %dma_start3A_320 = arith.constant 1 : i32
        %dma_start3A_321 = arith.constant 125 : i32
        %dma_start3A_322 = arith.constant 0 : i32
        %dma_start3A_323 = tpu.memref_slice %arg11[%dma_start3A_318, %dma_start3A_321, %dma_start3A_322] : memref<2x625x16xf32, #tpu.memory_space<vmem>> -> memref<1x125x16xf32, #tpu.memory_space<vmem>>
        %dma_start3A_324 = tpu.memref_squeeze %dma_start3A_323 : memref<1x125x16xf32, #tpu.memory_space<vmem>> -> memref<125x16xf32, #tpu.memory_space<vmem>>
        %dma_start3A_325 = arith.constant 0 : i32
        %dma_start3A_326 = tpu.memref_slice %arg10[%dma_start3A_319, %dma_start3A_320, %dma_start3A_325] : memref<2x5x125xi32, #tpu.memory_space<vmem>> -> memref<1x1x125xi32, #tpu.memory_space<vmem>>
        %dma_start3A_327 = tpu.memref_squeeze %dma_start3A_326 : memref<1x1x125xi32, #tpu.memory_space<vmem>> -> memref<125xi32, #tpu.memory_space<vmem>>
        %dma_start3A_328 = arith.constant 0 : i32
        %dma_start3A_329 = arith.constant 0 : i32
        %dma_start3A_330 = tpu.memref_slice %arg8[%dma_start3A_328, %dma_start3A_329] : memref<100000x16xf32, #tpu.memory_space<vmem_shared>> -> memref<100000x16xf32, #tpu.memory_space<vmem_shared>>
        tpu.enqueue_indirect_dma source(%dma_start3A_324 : memref<125x16xf32, #tpu.memory_space<vmem>>) target(%dma_start3A_330 : memref<100000x16xf32, #tpu.memory_space<vmem_shared>>) offsets(%dma_start3A_327 : memref<125xi32, #tpu.memory_space<vmem>>) semaphore(%arg13 : memref<!tpu.dma_semaphore, #tpu.memory_space<semaphore_mem>>) {add = true}
        %dma_start3A_331 = arith.constant 0 : i32
        %dma_start3A_332 = arith.constant 0 : i32
        %dma_start3A_333 = arith.constant 2 : i32
        %dma_start3A_334 = arith.constant 250 : i32
        %dma_start3A_335 = arith.constant 0 : i32
        %dma_start3A_336 = tpu.memref_slice %arg11[%dma_start3A_331, %dma_start3A_334, %dma_start3A_335] : memref<2x625x16xf32, #tpu.memory_space<vmem>> -> memref<1x125x16xf32, #tpu.memory_space<vmem>>
        %dma_start3A_337 = tpu.memref_squeeze %dma_start3A_336 : memref<1x125x16xf32, #tpu.memory_space<vmem>> -> memref<125x16xf32, #tpu.memory_space<vmem>>
        %dma_start3A_338 = arith.constant 0 : i32
        %dma_start3A_339 = tpu.memref_slice %arg10[%dma_start3A_332, %dma_start3A_333, %dma_start3A_338] : memref<2x5x125xi32, #tpu.memory_space<vmem>> -> memref<1x1x125xi32, #tpu.memory_space<vmem>>
        %dma_start3A_340 = tpu.memref_squeeze %dma_start3A_339 : memref<1x1x125xi32, #tpu.memory_space<vmem>> -> memref<125xi32, #tpu.memory_space<vmem>>
        %dma_start3A_341 = arith.constant 0 : i32
        %dma_start3A_342 = arith.constant 0 : i32
        %dma_start3A_343 = tpu.memref_slice %arg8[%dma_start3A_341, %dma_start3A_342] : memref<100000x16xf32, #tpu.memory_space<vmem_shared>> -> memref<100000x16xf32, #tpu.memory_space<vmem_shared>>
        tpu.enqueue_indirect_dma source(%dma_start3A_337 : memref<125x16xf32, #tpu.memory_space<vmem>>) target(%dma_start3A_343 : memref<100000x16xf32, #tpu.memory_space<vmem_shared>>) offsets(%dma_start3A_340 : memref<125xi32, #tpu.memory_space<vmem>>) semaphore(%arg13 : memref<!tpu.dma_semaphore, #tpu.memory_space<semaphore_mem>>) {add = true}
        %dma_start3A_344 = arith.constant 0 : i32
        %dma_start3A_345 = arith.constant 0 : i32
        %dma_start3A_346 = arith.constant 3 : i32
        %dma_start3A_347 = arith.constant 375 : i32
        %dma_start3A_348 = arith.constant 0 : i32
        %dma_start3A_349 = tpu.memref_slice %arg11[%dma_start3A_344, %dma_start3A_347, %dma_start3A_348] : memref<2x625x16xf32, #tpu.memory_space<vmem>> -> memref<1x125x16xf32, #tpu.memory_space<vmem>>
        %dma_start3A_350 = tpu.memref_squeeze %dma_start3A_349 : memref<1x125x16xf32, #tpu.memory_space<vmem>> -> memref<125x16xf32, #tpu.memory_space<vmem>>
        %dma_start3A_351 = arith.constant 0 : i32
        %dma_start3A_352 = tpu.memref_slice %arg10[%dma_start3A_345, %dma_start3A_346, %dma_start3A_351] : memref<2x5x125xi32, #tpu.memory_space<vmem>> -> memref<1x1x125xi32, #tpu.memory_space<vmem>>
        %dma_start3A_353 = tpu.memref_squeeze %dma_start3A_352 : memref<1x1x125xi32, #tpu.memory_space<vmem>> -> memref<125xi32, #tpu.memory_space<vmem>>
        %dma_start3A_354 = arith.constant 0 : i32
        %dma_start3A_355 = arith.constant 0 : i32
        %dma_start3A_356 = tpu.memref_slice %arg8[%dma_start3A_354, %dma_start3A_355] : memref<100000x16xf32, #tpu.memory_space<vmem_shared>> -> memref<100000x16xf32, #tpu.memory_space<vmem_shared>>
        tpu.enqueue_indirect_dma source(%dma_start3A_350 : memref<125x16xf32, #tpu.memory_space<vmem>>) target(%dma_start3A_356 : memref<100000x16xf32, #tpu.memory_space<vmem_shared>>) offsets(%dma_start3A_353 : memref<125xi32, #tpu.memory_space<vmem>>) semaphore(%arg13 : memref<!tpu.dma_semaphore, #tpu.memory_space<semaphore_mem>>) {add = true}
        %dma_start3A_357 = arith.constant 0 : i32
        %dma_start3A_358 = arith.constant 0 : i32
        %dma_start3A_359 = arith.constant 4 : i32
        %dma_start3A_360 = arith.constant 500 : i32
        %dma_start3A_361 = arith.constant 0 : i32
        %dma_start3A_362 = tpu.memref_slice %arg11[%dma_start3A_357, %dma_start3A_360, %dma_start3A_361] : memref<2x625x16xf32, #tpu.memory_space<vmem>> -> memref<1x125x16xf32, #tpu.memory_space<vmem>>
        %dma_start3A_363 = tpu.memref_squeeze %dma_start3A_362 : memref<1x125x16xf32, #tpu.memory_space<vmem>> -> memref<125x16xf32, #tpu.memory_space<vmem>>
        %dma_start3A_364 = arith.constant 0 : i32
        %dma_start3A_365 = tpu.memref_slice %arg10[%dma_start3A_358, %dma_start3A_359, %dma_start3A_364] : memref<2x5x125xi32, #tpu.memory_space<vmem>> -> memref<1x1x125xi32, #tpu.memory_space<vmem>>
        %dma_start3A_366 = tpu.memref_squeeze %dma_start3A_365 : memref<1x1x125xi32, #tpu.memory_space<vmem>> -> memref<125xi32, #tpu.memory_space<vmem>>
        %dma_start3A_367 = arith.constant 0 : i32
        %dma_start3A_368 = arith.constant 0 : i32
        %dma_start3A_369 = tpu.memref_slice %arg8[%dma_start3A_367, %dma_start3A_368] : memref<100000x16xf32, #tpu.memory_space<vmem_shared>> -> memref<100000x16xf32, #tpu.memory_space<vmem_shared>>
        tpu.enqueue_indirect_dma source(%dma_start3A_363 : memref<125x16xf32, #tpu.memory_space<vmem>>) target(%dma_start3A_369 : memref<100000x16xf32, #tpu.memory_space<vmem_shared>>) offsets(%dma_start3A_366 : memref<125xi32, #tpu.memory_space<vmem>>) semaphore(%arg13 : memref<!tpu.dma_semaphore, #tpu.memory_space<semaphore_mem>>) {add = true}
        %dma_wait3A_370 = arith.constant 0 : i32
        %dma_wait3A_371 = arith.constant 0 : i32
        %dma_wait3A_372 = arith.constant 0 : i32
        %dma_wait3A_373 = arith.constant 0 : i32
        %dma_wait3A_374 = arith.constant 0 : i32
        %dma_wait3A_375 = tpu.memref_slice %arg11[%dma_wait3A_370, %dma_wait3A_373, %dma_wait3A_374] : memref<2x625x16xf32, #tpu.memory_space<vmem>> -> memref<1x125x16xf32, #tpu.memory_space<vmem>>
        %dma_wait3A_376 = tpu.memref_squeeze %dma_wait3A_375 : memref<1x125x16xf32, #tpu.memory_space<vmem>> -> memref<125x16xf32, #tpu.memory_space<vmem>>
        %dma_wait3A_377 = arith.constant 0 : i32
        %dma_wait3A_378 = tpu.memref_slice %arg10[%dma_wait3A_371, %dma_wait3A_372, %dma_wait3A_377] : memref<2x5x125xi32, #tpu.memory_space<vmem>> -> memref<1x1x125xi32, #tpu.memory_space<vmem>>
        %dma_wait3A_379 = tpu.memref_squeeze %dma_wait3A_378 : memref<1x1x125xi32, #tpu.memory_space<vmem>> -> memref<125xi32, #tpu.memory_space<vmem>>
        %dma_wait3A_380 = arith.constant 0 : i32
        %dma_wait3A_381 = arith.constant 0 : i32
        %dma_wait3A_382 = tpu.memref_slice %arg8[%dma_wait3A_380, %dma_wait3A_381] : memref<100000x16xf32, #tpu.memory_space<vmem_shared>> -> memref<100000x16xf32, #tpu.memory_space<vmem_shared>>
        tpu.wait_indirect_dma semaphore(%arg13 : memref<!tpu.dma_semaphore, #tpu.memory_space<semaphore_mem>>) src(%dma_wait3A_376 : memref<125x16xf32, #tpu.memory_space<vmem>>) dst(%dma_wait3A_382 : memref<100000x16xf32, #tpu.memory_space<vmem_shared>>)
        %dma_wait3A_383 = arith.constant 0 : i32
        %dma_wait3A_384 = arith.constant 0 : i32
        %dma_wait3A_385 = arith.constant 1 : i32
        %dma_wait3A_386 = arith.constant 125 : i32
        %dma_wait3A_387 = arith.constant 0 : i32
        %dma_wait3A_388 = tpu.memref_slice %arg11[%dma_wait3A_383, %dma_wait3A_386, %dma_wait3A_387] : memref<2x625x16xf32, #tpu.memory_space<vmem>> -> memref<1x125x16xf32, #tpu.memory_space<vmem>>
        %dma_wait3A_389 = tpu.memref_squeeze %dma_wait3A_388 : memref<1x125x16xf32, #tpu.memory_space<vmem>> -> memref<125x16xf32, #tpu.memory_space<vmem>>
        %dma_wait3A_390 = arith.constant 0 : i32
        %dma_wait3A_391 = tpu.memref_slice %arg10[%dma_wait3A_384, %dma_wait3A_385, %dma_wait3A_390] : memref<2x5x125xi32, #tpu.memory_space<vmem>> -> memref<1x1x125xi32, #tpu.memory_space<vmem>>
        %dma_wait3A_392 = tpu.memref_squeeze %dma_wait3A_391 : memref<1x1x125xi32, #tpu.memory_space<vmem>> -> memref<125xi32, #tpu.memory_space<vmem>>
        %dma_wait3A_393 = arith.constant 0 : i32
        %dma_wait3A_394 = arith.constant 0 : i32
        %dma_wait3A_395 = tpu.memref_slice %arg8[%dma_wait3A_393, %dma_wait3A_394] : memref<100000x16xf32, #tpu.memory_space<vmem_shared>> -> memref<100000x16xf32, #tpu.memory_space<vmem_shared>>
        tpu.wait_indirect_dma semaphore(%arg13 : memref<!tpu.dma_semaphore, #tpu.memory_space<semaphore_mem>>) src(%dma_wait3A_389 : memref<125x16xf32, #tpu.memory_space<vmem>>) dst(%dma_wait3A_395 : memref<100000x16xf32, #tpu.memory_space<vmem_shared>>)
        %dma_wait3A_396 = arith.constant 0 : i32
        %dma_wait3A_397 = arith.constant 0 : i32
        %dma_wait3A_398 = arith.constant 2 : i32
        %dma_wait3A_399 = arith.constant 250 : i32
        %dma_wait3A_400 = arith.constant 0 : i32
        %dma_wait3A_401 = tpu.memref_slice %arg11[%dma_wait3A_396, %dma_wait3A_399, %dma_wait3A_400] : memref<2x625x16xf32, #tpu.memory_space<vmem>> -> memref<1x125x16xf32, #tpu.memory_space<vmem>>
        %dma_wait3A_402 = tpu.memref_squeeze %dma_wait3A_401 : memref<1x125x16xf32, #tpu.memory_space<vmem>> -> memref<125x16xf32, #tpu.memory_space<vmem>>
        %dma_wait3A_403 = arith.constant 0 : i32
        %dma_wait3A_404 = tpu.memref_slice %arg10[%dma_wait3A_397, %dma_wait3A_398, %dma_wait3A_403] : memref<2x5x125xi32, #tpu.memory_space<vmem>> -> memref<1x1x125xi32, #tpu.memory_space<vmem>>
        %dma_wait3A_405 = tpu.memref_squeeze %dma_wait3A_404 : memref<1x1x125xi32, #tpu.memory_space<vmem>> -> memref<125xi32, #tpu.memory_space<vmem>>
        %dma_wait3A_406 = arith.constant 0 : i32
        %dma_wait3A_407 = arith.constant 0 : i32
        %dma_wait3A_408 = tpu.memref_slice %arg8[%dma_wait3A_406, %dma_wait3A_407] : memref<100000x16xf32, #tpu.memory_space<vmem_shared>> -> memref<100000x16xf32, #tpu.memory_space<vmem_shared>>
        tpu.wait_indirect_dma semaphore(%arg13 : memref<!tpu.dma_semaphore, #tpu.memory_space<semaphore_mem>>) src(%dma_wait3A_402 : memref<125x16xf32, #tpu.memory_space<vmem>>) dst(%dma_wait3A_408 : memref<100000x16xf32, #tpu.memory_space<vmem_shared>>)
        %dma_wait3A_409 = arith.constant 0 : i32
        %dma_wait3A_410 = arith.constant 0 : i32
        %dma_wait3A_411 = arith.constant 3 : i32
        %dma_wait3A_412 = arith.constant 375 : i32
        %dma_wait3A_413 = arith.constant 0 : i32
        %dma_wait3A_414 = tpu.memref_slice %arg11[%dma_wait3A_409, %dma_wait3A_412, %dma_wait3A_413] : memref<2x625x16xf32, #tpu.memory_space<vmem>> -> memref<1x125x16xf32, #tpu.memory_space<vmem>>
        %dma_wait3A_415 = tpu.memref_squeeze %dma_wait3A_414 : memref<1x125x16xf32, #tpu.memory_space<vmem>> -> memref<125x16xf32, #tpu.memory_space<vmem>>
        %dma_wait3A_416 = arith.constant 0 : i32
        %dma_wait3A_417 = tpu.memref_slice %arg10[%dma_wait3A_410, %dma_wait3A_411, %dma_wait3A_416] : memref<2x5x125xi32, #tpu.memory_space<vmem>> -> memref<1x1x125xi32, #tpu.memory_space<vmem>>
        %dma_wait3A_418 = tpu.memref_squeeze %dma_wait3A_417 : memref<1x1x125xi32, #tpu.memory_space<vmem>> -> memref<125xi32, #tpu.memory_space<vmem>>
        %dma_wait3A_419 = arith.constant 0 : i32
        %dma_wait3A_420 = arith.constant 0 : i32
        %dma_wait3A_421 = tpu.memref_slice %arg8[%dma_wait3A_419, %dma_wait3A_420] : memref<100000x16xf32, #tpu.memory_space<vmem_shared>> -> memref<100000x16xf32, #tpu.memory_space<vmem_shared>>
        tpu.wait_indirect_dma semaphore(%arg13 : memref<!tpu.dma_semaphore, #tpu.memory_space<semaphore_mem>>) src(%dma_wait3A_415 : memref<125x16xf32, #tpu.memory_space<vmem>>) dst(%dma_wait3A_421 : memref<100000x16xf32, #tpu.memory_space<vmem_shared>>)
        %dma_wait3A_422 = arith.constant 0 : i32
        %dma_wait3A_423 = arith.constant 0 : i32
        %dma_wait3A_424 = arith.constant 4 : i32
        %dma_wait3A_425 = arith.constant 500 : i32
        %dma_wait3A_426 = arith.constant 0 : i32
        %dma_wait3A_427 = tpu.memref_slice %arg11[%dma_wait3A_422, %dma_wait3A_425, %dma_wait3A_426] : memref<2x625x16xf32, #tpu.memory_space<vmem>> -> memref<1x125x16xf32, #tpu.memory_space<vmem>>
        %dma_wait3A_428 = tpu.memref_squeeze %dma_wait3A_427 : memref<1x125x16xf32, #tpu.memory_space<vmem>> -> memref<125x16xf32, #tpu.memory_space<vmem>>
        %dma_wait3A_429 = arith.constant 0 : i32
        %dma_wait3A_430 = tpu.memref_slice %arg10[%dma_wait3A_423, %dma_wait3A_424, %dma_wait3A_429] : memref<2x5x125xi32, #tpu.memory_space<vmem>> -> memref<1x1x125xi32, #tpu.memory_space<vmem>>
        %dma_wait3A_431 = tpu.memref_squeeze %dma_wait3A_430 : memref<1x1x125xi32, #tpu.memory_space<vmem>> -> memref<125xi32, #tpu.memory_space<vmem>>
        %dma_wait3A_432 = arith.constant 0 : i32
        %dma_wait3A_433 = arith.constant 0 : i32
        %dma_wait3A_434 = tpu.memref_slice %arg8[%dma_wait3A_432, %dma_wait3A_433] : memref<100000x16xf32, #tpu.memory_space<vmem_shared>> -> memref<100000x16xf32, #tpu.memory_space<vmem_shared>>
        tpu.wait_indirect_dma semaphore(%arg13 : memref<!tpu.dma_semaphore, #tpu.memory_space<semaphore_mem>>) src(%dma_wait3A_428 : memref<125x16xf32, #tpu.memory_space<vmem>>) dst(%dma_wait3A_434 : memref<100000x16xf32, #tpu.memory_space<vmem_shared>>)
        %lt3A_435 = arith.constant 79 : i32
        %lt3A_436 = arith.cmpi slt, %add3A_158, %lt3A_435 : i32
        %convert_element_type3A_437 = arith.extui %lt3A_436 : i1 to i32
        %cond3A_438 = arith.constant 0 : i32
        %cond3A_439 = arith.cmpi ne, %convert_element_type3A_437, %cond3A_438 : i32
        scf.if %cond3A_439 {
          %add3A_575 = arith.constant 2 : i32
          %add3A_576 = arith.addi %mul3A_160, %add3A_575 : i32
          %mul3A_577 = arith.constant 5 : i32
          %mul3A_578 = arith.muli %add3A_576, %mul3A_577 : i32
          %add3A_579 = arith.addi %mul3A_17, %mul3A_578 : i32
          %run_scoped3A_580 = arith.constant 0 : i32
          "tpu.region"() ({
            %run_scoped3A_585 = tpu.sem_alloc : memref<!tpu.dma_semaphore, #tpu.memory_space<semaphore_mem>>
            %dma_start3A_586 = arith.constant 0 : i32
            %dma_start3A_587 = arith.constant 0 : i32
            %dma_start3A_588 = tpu.memref_slice %arg9[%run_scoped3A_580, %dma_start3A_586, %dma_start3A_587] : memref<2x5x125xi32, #tpu.memory_space<vmem>> -> memref<1x5x125xi32, #tpu.memory_space<vmem>>
            %dma_start3A_589 = tpu.memref_squeeze %dma_start3A_588 : memref<1x5x125xi32, #tpu.memory_space<vmem>> -> memref<5x125xi32, #tpu.memory_space<vmem>>
            %dma_start3A_590 = arith.constant 0 : i32
            %dma_start3A_591 = tpu.memref_slice %arg4[%add3A_579, %dma_start3A_590] : memref<12800x125xi32, #tpu.memory_space<hbm>> -> memref<5x125xi32, #tpu.memory_space<hbm>>
            %dma_start3A_592 = arith.constant 0 : i32
            %dma_start3A_593 = arith.constant 0 : i32
            %dma_start3A_594 = tpu.memref_slice %arg9[%run_scoped3A_580, %dma_start3A_592, %dma_start3A_593] : memref<2x5x125xi32, #tpu.memory_space<vmem>> -> memref<1x5x125xi32, #tpu.memory_space<vmem>>
            %dma_start3A_595 = tpu.memref_squeeze %dma_start3A_594 : memref<1x5x125xi32, #tpu.memory_space<vmem>> -> memref<5x125xi32, #tpu.memory_space<vmem>>
            %dma_start3A_596 = arith.constant 0 : i32
            %dma_start3A_597 = tpu.memref_slice %arg4[%add3A_579, %dma_start3A_596] : memref<12800x125xi32, #tpu.memory_space<hbm>> -> memref<5x125xi32, #tpu.memory_space<hbm>>
            tpu.enqueue_dma source(%dma_start3A_597 : memref<5x125xi32, #tpu.memory_space<hbm>>) target(%dma_start3A_595 : memref<5x125xi32, #tpu.memory_space<vmem>>) target_semaphore(%run_scoped3A_585 : memref<!tpu.dma_semaphore, #tpu.memory_space<semaphore_mem>>)
            %dma_wait3A_598 = arith.constant 0 : i32
            %dma_wait3A_599 = arith.constant 0 : i32
            %dma_wait3A_600 = tpu.memref_slice %arg9[%run_scoped3A_580, %dma_wait3A_598, %dma_wait3A_599] : memref<2x5x125xi32, #tpu.memory_space<vmem>> -> memref<1x5x125xi32, #tpu.memory_space<vmem>>
            %dma_wait3A_601 = tpu.memref_squeeze %dma_wait3A_600 : memref<1x5x125xi32, #tpu.memory_space<vmem>> -> memref<5x125xi32, #tpu.memory_space<vmem>>
            %dma_wait3A_602 = arith.constant 0 : i32
            %dma_wait3A_603 = tpu.memref_slice %arg4[%add3A_579, %dma_wait3A_602] : memref<12800x125xi32, #tpu.memory_space<hbm>> -> memref<5x125xi32, #tpu.memory_space<hbm>>
            %dma_wait3A_604 = arith.constant 0 : i32
            %dma_wait3A_605 = arith.constant 0 : i32
            %dma_wait3A_606 = tpu.memref_slice %arg9[%run_scoped3A_580, %dma_wait3A_604, %dma_wait3A_605] : memref<2x5x125xi32, #tpu.memory_space<vmem>> -> memref<1x5x125xi32, #tpu.memory_space<vmem>>
            %dma_wait3A_607 = tpu.memref_squeeze %dma_wait3A_606 : memref<1x5x125xi32, #tpu.memory_space<vmem>> -> memref<5x125xi32, #tpu.memory_space<vmem>>
            %dma_wait3A_608 = arith.constant 0 : i32
            %dma_wait3A_609 = tpu.memref_slice %arg4[%add3A_579, %dma_wait3A_608] : memref<12800x125xi32, #tpu.memory_space<hbm>> -> memref<5x125xi32, #tpu.memory_space<hbm>>
            tpu.wait_dma2 semaphore(%run_scoped3A_585 : memref<!tpu.dma_semaphore, #tpu.memory_space<semaphore_mem>>) src(%dma_wait3A_609 : memref<5x125xi32, #tpu.memory_space<hbm>>) dst(%dma_wait3A_607 : memref<5x125xi32, #tpu.memory_space<vmem>>)
            tpu.yield
          }) : () -> ()
          %mul3A_581 = arith.constant 5 : i32
          %mul3A_582 = arith.muli %add3A_576, %mul3A_581 : i32
          %add3A_583 = arith.addi %mul3A_17, %mul3A_582 : i32
          %run_scoped3A_584 = arith.constant 0 : i32
          "tpu.region"() ({
            %run_scoped3A_585 = tpu.sem_alloc : memref<!tpu.dma_semaphore, #tpu.memory_space<semaphore_mem>>
            %dma_start3A_586 = arith.constant 0 : i32
            %dma_start3A_587 = arith.constant 0 : i32
            %dma_start3A_588 = tpu.memref_slice %arg10[%run_scoped3A_584, %dma_start3A_586, %dma_start3A_587] : memref<2x5x125xi32, #tpu.memory_space<vmem>> -> memref<1x5x125xi32, #tpu.memory_space<vmem>>
            %dma_start3A_589 = tpu.memref_squeeze %dma_start3A_588 : memref<1x5x125xi32, #tpu.memory_space<vmem>> -> memref<5x125xi32, #tpu.memory_space<vmem>>
            %dma_start3A_590 = arith.constant 0 : i32
            %dma_start3A_591 = tpu.memref_slice %arg5[%add3A_583, %dma_start3A_590] : memref<12800x125xi32, #tpu.memory_space<hbm>> -> memref<5x125xi32, #tpu.memory_space<hbm>>
            %dma_start3A_592 = arith.constant 0 : i32
            %dma_start3A_593 = arith.constant 0 : i32
            %dma_start3A_594 = tpu.memref_slice %arg10[%run_scoped3A_584, %dma_start3A_592, %dma_start3A_593] : memref<2x5x125xi32, #tpu.memory_space<vmem>> -> memref<1x5x125xi32, #tpu.memory_space<vmem>>
            %dma_start3A_595 = tpu.memref_squeeze %dma_start3A_594 : memref<1x5x125xi32, #tpu.memory_space<vmem>> -> memref<5x125xi32, #tpu.memory_space<vmem>>
            %dma_start3A_596 = arith.constant 0 : i32
            %dma_start3A_597 = tpu.memref_slice %arg5[%add3A_583, %dma_start3A_596] : memref<12800x125xi32, #tpu.memory_space<hbm>> -> memref<5x125xi32, #tpu.memory_space<hbm>>
            tpu.enqueue_dma source(%dma_start3A_597 : memref<5x125xi32, #tpu.memory_space<hbm>>) target(%dma_start3A_595 : memref<5x125xi32, #tpu.memory_space<vmem>>) target_semaphore(%run_scoped3A_585 : memref<!tpu.dma_semaphore, #tpu.memory_space<semaphore_mem>>)
            %dma_wait3A_598 = arith.constant 0 : i32
            %dma_wait3A_599 = arith.constant 0 : i32
            %dma_wait3A_600 = tpu.memref_slice %arg10[%run_scoped3A_584, %dma_wait3A_598, %dma_wait3A_599] : memref<2x5x125xi32, #tpu.memory_space<vmem>> -> memref<1x5x125xi32, #tpu.memory_space<vmem>>
            %dma_wait3A_601 = tpu.memref_squeeze %dma_wait3A_600 : memref<1x5x125xi32, #tpu.memory_space<vmem>> -> memref<5x125xi32, #tpu.memory_space<vmem>>
            %dma_wait3A_602 = arith.constant 0 : i32
            %dma_wait3A_603 = tpu.memref_slice %arg5[%add3A_583, %dma_wait3A_602] : memref<12800x125xi32, #tpu.memory_space<hbm>> -> memref<5x125xi32, #tpu.memory_space<hbm>>
            %dma_wait3A_604 = arith.constant 0 : i32
            %dma_wait3A_605 = arith.constant 0 : i32
            %dma_wait3A_606 = tpu.memref_slice %arg10[%run_scoped3A_584, %dma_wait3A_604, %dma_wait3A_605] : memref<2x5x125xi32, #tpu.memory_space<vmem>> -> memref<1x5x125xi32, #tpu.memory_space<vmem>>
            %dma_wait3A_607 = tpu.memref_squeeze %dma_wait3A_606 : memref<1x5x125xi32, #tpu.memory_space<vmem>> -> memref<5x125xi32, #tpu.memory_space<vmem>>
            %dma_wait3A_608 = arith.constant 0 : i32
            %dma_wait3A_609 = tpu.memref_slice %arg5[%add3A_583, %dma_wait3A_608] : memref<12800x125xi32, #tpu.memory_space<hbm>> -> memref<5x125xi32, #tpu.memory_space<hbm>>
            tpu.wait_dma2 semaphore(%run_scoped3A_585 : memref<!tpu.dma_semaphore, #tpu.memory_space<semaphore_mem>>) src(%dma_wait3A_609 : memref<5x125xi32, #tpu.memory_space<hbm>>) dst(%dma_wait3A_607 : memref<5x125xi32, #tpu.memory_space<vmem>>)
            tpu.yield
          }) : () -> ()
        } else {
        }
        %dma_wait3A_440 = arith.constant 1 : i32
        %dma_wait3A_441 = arith.constant 0 : i32
        %dma_wait3A_442 = arith.constant 1 : i32
        %dma_wait3A_443 = arith.constant 0 : i32
        %dma_wait3A_444 = arith.constant 0 : i32
        %dma_wait3A_445 = tpu.memref_slice %arg11[%dma_wait3A_442, %dma_wait3A_443, %dma_wait3A_444] : memref<2x625x16xf32, #tpu.memory_space<vmem>> -> memref<1x125x16xf32, #tpu.memory_space<vmem>>
        %dma_wait3A_446 = tpu.memref_squeeze %dma_wait3A_445 : memref<1x125x16xf32, #tpu.memory_space<vmem>> -> memref<125x16xf32, #tpu.memory_space<vmem>>
        %dma_wait3A_447 = arith.constant 0 : i32
        %dma_wait3A_448 = tpu.memref_slice %arg9[%dma_wait3A_440, %dma_wait3A_441, %dma_wait3A_447] : memref<2x5x125xi32, #tpu.memory_space<vmem>> -> memref<1x1x125xi32, #tpu.memory_space<vmem>>
        %dma_wait3A_449 = tpu.memref_squeeze %dma_wait3A_448 : memref<1x1x125xi32, #tpu.memory_space<vmem>> -> memref<125xi32, #tpu.memory_space<vmem>>
        %dma_wait3A_450 = arith.constant 0 : i32
        %dma_wait3A_451 = arith.constant 0 : i32
        %dma_wait3A_452 = tpu.memref_slice %arg2[%dma_wait3A_450, %dma_wait3A_451] : memref<100000x16xf32, #tpu.memory_space<hbm>> -> memref<100000x16xf32, #tpu.memory_space<hbm>>
        tpu.wait_indirect_dma semaphore(%arg12 : memref<!tpu.dma_semaphore, #tpu.memory_space<semaphore_mem>>) src(%dma_wait3A_452 : memref<100000x16xf32, #tpu.memory_space<hbm>>) dst(%dma_wait3A_446 : memref<125x16xf32, #tpu.memory_space<vmem>>)
        %dma_wait3A_453 = arith.constant 1 : i32
        %dma_wait3A_454 = arith.constant 1 : i32
        %dma_wait3A_455 = arith.constant 1 : i32
        %dma_wait3A_456 = arith.constant 125 : i32
        %dma_wait3A_457 = arith.constant 0 : i32
        %dma_wait3A_458 = tpu.memref_slice %arg11[%dma_wait3A_455, %dma_wait3A_456, %dma_wait3A_457] : memref<2x625x16xf32, #tpu.memory_space<vmem>> -> memref<1x125x16xf32, #tpu.memory_space<vmem>>
        %dma_wait3A_459 = tpu.memref_squeeze %dma_wait3A_458 : memref<1x125x16xf32, #tpu.memory_space<vmem>> -> memref<125x16xf32, #tpu.memory_space<vmem>>
        %dma_wait3A_460 = arith.constant 0 : i32
        %dma_wait3A_461 = tpu.memref_slice %arg9[%dma_wait3A_453, %dma_wait3A_454, %dma_wait3A_460] : memref<2x5x125xi32, #tpu.memory_space<vmem>> -> memref<1x1x125xi32, #tpu.memory_space<vmem>>
        %dma_wait3A_462 = tpu.memref_squeeze %dma_wait3A_461 : memref<1x1x125xi32, #tpu.memory_space<vmem>> -> memref<125xi32, #tpu.memory_space<vmem>>
        %dma_wait3A_463 = arith.constant 0 : i32
        %dma_wait3A_464 = arith.constant 0 : i32
        %dma_wait3A_465 = tpu.memref_slice %arg2[%dma_wait3A_463, %dma_wait3A_464] : memref<100000x16xf32, #tpu.memory_space<hbm>> -> memref<100000x16xf32, #tpu.memory_space<hbm>>
        tpu.wait_indirect_dma semaphore(%arg12 : memref<!tpu.dma_semaphore, #tpu.memory_space<semaphore_mem>>) src(%dma_wait3A_465 : memref<100000x16xf32, #tpu.memory_space<hbm>>) dst(%dma_wait3A_459 : memref<125x16xf32, #tpu.memory_space<vmem>>)
        %dma_wait3A_466 = arith.constant 1 : i32
        %dma_wait3A_467 = arith.constant 2 : i32
        %dma_wait3A_468 = arith.constant 1 : i32
        %dma_wait3A_469 = arith.constant 250 : i32
        %dma_wait3A_470 = arith.constant 0 : i32
        %dma_wait3A_471 = tpu.memref_slice %arg11[%dma_wait3A_468, %dma_wait3A_469, %dma_wait3A_470] : memref<2x625x16xf32, #tpu.memory_space<vmem>> -> memref<1x125x16xf32, #tpu.memory_space<vmem>>
        %dma_wait3A_472 = tpu.memref_squeeze %dma_wait3A_471 : memref<1x125x16xf32, #tpu.memory_space<vmem>> -> memref<125x16xf32, #tpu.memory_space<vmem>>
        %dma_wait3A_473 = arith.constant 0 : i32
        %dma_wait3A_474 = tpu.memref_slice %arg9[%dma_wait3A_466, %dma_wait3A_467, %dma_wait3A_473] : memref<2x5x125xi32, #tpu.memory_space<vmem>> -> memref<1x1x125xi32, #tpu.memory_space<vmem>>
        %dma_wait3A_475 = tpu.memref_squeeze %dma_wait3A_474 : memref<1x1x125xi32, #tpu.memory_space<vmem>> -> memref<125xi32, #tpu.memory_space<vmem>>
        %dma_wait3A_476 = arith.constant 0 : i32
        %dma_wait3A_477 = arith.constant 0 : i32
        %dma_wait3A_478 = tpu.memref_slice %arg2[%dma_wait3A_476, %dma_wait3A_477] : memref<100000x16xf32, #tpu.memory_space<hbm>> -> memref<100000x16xf32, #tpu.memory_space<hbm>>
        tpu.wait_indirect_dma semaphore(%arg12 : memref<!tpu.dma_semaphore, #tpu.memory_space<semaphore_mem>>) src(%dma_wait3A_478 : memref<100000x16xf32, #tpu.memory_space<hbm>>) dst(%dma_wait3A_472 : memref<125x16xf32, #tpu.memory_space<vmem>>)
        %dma_wait3A_479 = arith.constant 1 : i32
        %dma_wait3A_480 = arith.constant 3 : i32
        %dma_wait3A_481 = arith.constant 1 : i32
        %dma_wait3A_482 = arith.constant 375 : i32
        %dma_wait3A_483 = arith.constant 0 : i32
        %dma_wait3A_484 = tpu.memref_slice %arg11[%dma_wait3A_481, %dma_wait3A_482, %dma_wait3A_483] : memref<2x625x16xf32, #tpu.memory_space<vmem>> -> memref<1x125x16xf32, #tpu.memory_space<vmem>>
        %dma_wait3A_485 = tpu.memref_squeeze %dma_wait3A_484 : memref<1x125x16xf32, #tpu.memory_space<vmem>> -> memref<125x16xf32, #tpu.memory_space<vmem>>
        %dma_wait3A_486 = arith.constant 0 : i32
        %dma_wait3A_487 = tpu.memref_slice %arg9[%dma_wait3A_479, %dma_wait3A_480, %dma_wait3A_486] : memref<2x5x125xi32, #tpu.memory_space<vmem>> -> memref<1x1x125xi32, #tpu.memory_space<vmem>>
        %dma_wait3A_488 = tpu.memref_squeeze %dma_wait3A_487 : memref<1x1x125xi32, #tpu.memory_space<vmem>> -> memref<125xi32, #tpu.memory_space<vmem>>
        %dma_wait3A_489 = arith.constant 0 : i32
        %dma_wait3A_490 = arith.constant 0 : i32
        %dma_wait3A_491 = tpu.memref_slice %arg2[%dma_wait3A_489, %dma_wait3A_490] : memref<100000x16xf32, #tpu.memory_space<hbm>> -> memref<100000x16xf32, #tpu.memory_space<hbm>>
        tpu.wait_indirect_dma semaphore(%arg12 : memref<!tpu.dma_semaphore, #tpu.memory_space<semaphore_mem>>) src(%dma_wait3A_491 : memref<100000x16xf32, #tpu.memory_space<hbm>>) dst(%dma_wait3A_485 : memref<125x16xf32, #tpu.memory_space<vmem>>)
        %dma_wait3A_492 = arith.constant 1 : i32
        %dma_wait3A_493 = arith.constant 4 : i32
        %dma_wait3A_494 = arith.constant 1 : i32
        %dma_wait3A_495 = arith.constant 500 : i32
        %dma_wait3A_496 = arith.constant 0 : i32
        %dma_wait3A_497 = tpu.memref_slice %arg11[%dma_wait3A_494, %dma_wait3A_495, %dma_wait3A_496] : memref<2x625x16xf32, #tpu.memory_space<vmem>> -> memref<1x125x16xf32, #tpu.memory_space<vmem>>
        %dma_wait3A_498 = tpu.memref_squeeze %dma_wait3A_497 : memref<1x125x16xf32, #tpu.memory_space<vmem>> -> memref<125x16xf32, #tpu.memory_space<vmem>>
        %dma_wait3A_499 = arith.constant 0 : i32
        %dma_wait3A_500 = tpu.memref_slice %arg9[%dma_wait3A_492, %dma_wait3A_493, %dma_wait3A_499] : memref<2x5x125xi32, #tpu.memory_space<vmem>> -> memref<1x1x125xi32, #tpu.memory_space<vmem>>
        %dma_wait3A_501 = tpu.memref_squeeze %dma_wait3A_500 : memref<1x1x125xi32, #tpu.memory_space<vmem>> -> memref<125xi32, #tpu.memory_space<vmem>>
        %dma_wait3A_502 = arith.constant 0 : i32
        %dma_wait3A_503 = arith.constant 0 : i32
        %dma_wait3A_504 = tpu.memref_slice %arg2[%dma_wait3A_502, %dma_wait3A_503] : memref<100000x16xf32, #tpu.memory_space<hbm>> -> memref<100000x16xf32, #tpu.memory_space<hbm>>
        tpu.wait_indirect_dma semaphore(%arg12 : memref<!tpu.dma_semaphore, #tpu.memory_space<semaphore_mem>>) src(%dma_wait3A_504 : memref<100000x16xf32, #tpu.memory_space<hbm>>) dst(%dma_wait3A_498 : memref<125x16xf32, #tpu.memory_space<vmem>>)
        %lt3A_505 = arith.constant 79 : i32
        %lt3A_506 = arith.cmpi slt, %add3A_158, %lt3A_505 : i32
        %convert_element_type3A_507 = arith.extui %lt3A_506 : i1 to i32
        %cond3A_508 = arith.constant 0 : i32
        %cond3A_509 = arith.cmpi ne, %convert_element_type3A_507, %cond3A_508 : i32
        scf.if %cond3A_509 {
          %dma_start3A_575 = arith.constant 0 : i32
          %dma_start3A_576 = arith.constant 0 : i32
          %dma_start3A_577 = arith.constant 0 : i32
          %dma_start3A_578 = arith.constant 0 : i32
          %dma_start3A_579 = arith.constant 0 : i32
          %dma_start3A_580 = tpu.memref_slice %arg11[%dma_start3A_577, %dma_start3A_578, %dma_start3A_579] : memref<2x625x16xf32, #tpu.memory_space<vmem>> -> memref<1x125x16xf32, #tpu.memory_space<vmem>>
          %dma_start3A_581 = tpu.memref_squeeze %dma_start3A_580 : memref<1x125x16xf32, #tpu.memory_space<vmem>> -> memref<125x16xf32, #tpu.memory_space<vmem>>
          %dma_start3A_582 = arith.constant 0 : i32
          %dma_start3A_583 = tpu.memref_slice %arg9[%dma_start3A_575, %dma_start3A_576, %dma_start3A_582] : memref<2x5x125xi32, #tpu.memory_space<vmem>> -> memref<1x1x125xi32, #tpu.memory_space<vmem>>
          %dma_start3A_584 = tpu.memref_squeeze %dma_start3A_583 : memref<1x1x125xi32, #tpu.memory_space<vmem>> -> memref<125xi32, #tpu.memory_space<vmem>>
          %dma_start3A_585 = arith.constant 0 : i32
          %dma_start3A_586 = arith.constant 0 : i32
          %dma_start3A_587 = tpu.memref_slice %arg2[%dma_start3A_585, %dma_start3A_586] : memref<100000x16xf32, #tpu.memory_space<hbm>> -> memref<100000x16xf32, #tpu.memory_space<hbm>>
          tpu.enqueue_indirect_dma source(%dma_start3A_587 : memref<100000x16xf32, #tpu.memory_space<hbm>>) target(%dma_start3A_581 : memref<125x16xf32, #tpu.memory_space<vmem>>) offsets(%dma_start3A_584 : memref<125xi32, #tpu.memory_space<vmem>>) semaphore(%arg12 : memref<!tpu.dma_semaphore, #tpu.memory_space<semaphore_mem>>)
          %dma_start3A_588 = arith.constant 0 : i32
          %dma_start3A_589 = arith.constant 1 : i32
          %dma_start3A_590 = arith.constant 0 : i32
          %dma_start3A_591 = arith.constant 125 : i32
          %dma_start3A_592 = arith.constant 0 : i32
          %dma_start3A_593 = tpu.memref_slice %arg11[%dma_start3A_590, %dma_start3A_591, %dma_start3A_592] : memref<2x625x16xf32, #tpu.memory_space<vmem>> -> memref<1x125x16xf32, #tpu.memory_space<vmem>>
          %dma_start3A_594 = tpu.memref_squeeze %dma_start3A_593 : memref<1x125x16xf32, #tpu.memory_space<vmem>> -> memref<125x16xf32, #tpu.memory_space<vmem>>
          %dma_start3A_595 = arith.constant 0 : i32
          %dma_start3A_596 = tpu.memref_slice %arg9[%dma_start3A_588, %dma_start3A_589, %dma_start3A_595] : memref<2x5x125xi32, #tpu.memory_space<vmem>> -> memref<1x1x125xi32, #tpu.memory_space<vmem>>
          %dma_start3A_597 = tpu.memref_squeeze %dma_start3A_596 : memref<1x1x125xi32, #tpu.memory_space<vmem>> -> memref<125xi32, #tpu.memory_space<vmem>>
          %dma_start3A_598 = arith.constant 0 : i32
          %dma_start3A_599 = arith.constant 0 : i32
          %dma_start3A_600 = tpu.memref_slice %arg2[%dma_start3A_598, %dma_start3A_599] : memref<100000x16xf32, #tpu.memory_space<hbm>> -> memref<100000x16xf32, #tpu.memory_space<hbm>>
          tpu.enqueue_indirect_dma source(%dma_start3A_600 : memref<100000x16xf32, #tpu.memory_space<hbm>>) target(%dma_start3A_594 : memref<125x16xf32, #tpu.memory_space<vmem>>) offsets(%dma_start3A_597 : memref<125xi32, #tpu.memory_space<vmem>>) semaphore(%arg12 : memref<!tpu.dma_semaphore, #tpu.memory_space<semaphore_mem>>)
          %dma_start3A_601 = arith.constant 0 : i32
          %dma_start3A_602 = arith.constant 2 : i32
          %dma_start3A_603 = arith.constant 0 : i32
          %dma_start3A_604 = arith.constant 250 : i32
          %dma_start3A_605 = arith.constant 0 : i32
          %dma_start3A_606 = tpu.memref_slice %arg11[%dma_start3A_603, %dma_start3A_604, %dma_start3A_605] : memref<2x625x16xf32, #tpu.memory_space<vmem>> -> memref<1x125x16xf32, #tpu.memory_space<vmem>>
          %dma_start3A_607 = tpu.memref_squeeze %dma_start3A_606 : memref<1x125x16xf32, #tpu.memory_space<vmem>> -> memref<125x16xf32, #tpu.memory_space<vmem>>
          %dma_start3A_608 = arith.constant 0 : i32
          %dma_start3A_609 = tpu.memref_slice %arg9[%dma_start3A_601, %dma_start3A_602, %dma_start3A_608] : memref<2x5x125xi32, #tpu.memory_space<vmem>> -> memref<1x1x125xi32, #tpu.memory_space<vmem>>
          %dma_start3A_610 = tpu.memref_squeeze %dma_start3A_609 : memref<1x1x125xi32, #tpu.memory_space<vmem>> -> memref<125xi32, #tpu.memory_space<vmem>>
          %dma_start3A_611 = arith.constant 0 : i32
          %dma_start3A_612 = arith.constant 0 : i32
          %dma_start3A_613 = tpu.memref_slice %arg2[%dma_start3A_611, %dma_start3A_612] : memref<100000x16xf32, #tpu.memory_space<hbm>> -> memref<100000x16xf32, #tpu.memory_space<hbm>>
          tpu.enqueue_indirect_dma source(%dma_start3A_613 : memref<100000x16xf32, #tpu.memory_space<hbm>>) target(%dma_start3A_607 : memref<125x16xf32, #tpu.memory_space<vmem>>) offsets(%dma_start3A_610 : memref<125xi32, #tpu.memory_space<vmem>>) semaphore(%arg12 : memref<!tpu.dma_semaphore, #tpu.memory_space<semaphore_mem>>)
          %dma_start3A_614 = arith.constant 0 : i32
          %dma_start3A_615 = arith.constant 3 : i32
          %dma_start3A_616 = arith.constant 0 : i32
          %dma_start3A_617 = arith.constant 375 : i32
          %dma_start3A_618 = arith.constant 0 : i32
          %dma_start3A_619 = tpu.memref_slice %arg11[%dma_start3A_616, %dma_start3A_617, %dma_start3A_618] : memref<2x625x16xf32, #tpu.memory_space<vmem>> -> memref<1x125x16xf32, #tpu.memory_space<vmem>>
          %dma_start3A_620 = tpu.memref_squeeze %dma_start3A_619 : memref<1x125x16xf32, #tpu.memory_space<vmem>> -> memref<125x16xf32, #tpu.memory_space<vmem>>
          %dma_start3A_621 = arith.constant 0 : i32
          %dma_start3A_622 = tpu.memref_slice %arg9[%dma_start3A_614, %dma_start3A_615, %dma_start3A_621] : memref<2x5x125xi32, #tpu.memory_space<vmem>> -> memref<1x1x125xi32, #tpu.memory_space<vmem>>
          %dma_start3A_623 = tpu.memref_squeeze %dma_start3A_622 : memref<1x1x125xi32, #tpu.memory_space<vmem>> -> memref<125xi32, #tpu.memory_space<vmem>>
          %dma_start3A_624 = arith.constant 0 : i32
          %dma_start3A_625 = arith.constant 0 : i32
          %dma_start3A_626 = tpu.memref_slice %arg2[%dma_start3A_624, %dma_start3A_625] : memref<100000x16xf32, #tpu.memory_space<hbm>> -> memref<100000x16xf32, #tpu.memory_space<hbm>>
          tpu.enqueue_indirect_dma source(%dma_start3A_626 : memref<100000x16xf32, #tpu.memory_space<hbm>>) target(%dma_start3A_620 : memref<125x16xf32, #tpu.memory_space<vmem>>) offsets(%dma_start3A_623 : memref<125xi32, #tpu.memory_space<vmem>>) semaphore(%arg12 : memref<!tpu.dma_semaphore, #tpu.memory_space<semaphore_mem>>)
          %dma_start3A_627 = arith.constant 0 : i32
          %dma_start3A_628 = arith.constant 4 : i32
          %dma_start3A_629 = arith.constant 0 : i32
          %dma_start3A_630 = arith.constant 500 : i32
          %dma_start3A_631 = arith.constant 0 : i32
          %dma_start3A_632 = tpu.memref_slice %arg11[%dma_start3A_629, %dma_start3A_630, %dma_start3A_631] : memref<2x625x16xf32, #tpu.memory_space<vmem>> -> memref<1x125x16xf32, #tpu.memory_space<vmem>>
          %dma_start3A_633 = tpu.memref_squeeze %dma_start3A_632 : memref<1x125x16xf32, #tpu.memory_space<vmem>> -> memref<125x16xf32, #tpu.memory_space<vmem>>
          %dma_start3A_634 = arith.constant 0 : i32
          %dma_start3A_635 = tpu.memref_slice %arg9[%dma_start3A_627, %dma_start3A_628, %dma_start3A_634] : memref<2x5x125xi32, #tpu.memory_space<vmem>> -> memref<1x1x125xi32, #tpu.memory_space<vmem>>
          %dma_start3A_636 = tpu.memref_squeeze %dma_start3A_635 : memref<1x1x125xi32, #tpu.memory_space<vmem>> -> memref<125xi32, #tpu.memory_space<vmem>>
          %dma_start3A_637 = arith.constant 0 : i32
          %dma_start3A_638 = arith.constant 0 : i32
          %dma_start3A_639 = tpu.memref_slice %arg2[%dma_start3A_637, %dma_start3A_638] : memref<100000x16xf32, #tpu.memory_space<hbm>> -> memref<100000x16xf32, #tpu.memory_space<hbm>>
          tpu.enqueue_indirect_dma source(%dma_start3A_639 : memref<100000x16xf32, #tpu.memory_space<hbm>>) target(%dma_start3A_633 : memref<125x16xf32, #tpu.memory_space<vmem>>) offsets(%dma_start3A_636 : memref<125xi32, #tpu.memory_space<vmem>>) semaphore(%arg12 : memref<!tpu.dma_semaphore, #tpu.memory_space<semaphore_mem>>)
        } else {
        }
        %dma_start3A_510 = arith.constant 1 : i32
        %dma_start3A_511 = arith.constant 1 : i32
        %dma_start3A_512 = arith.constant 0 : i32
        %dma_start3A_513 = arith.constant 0 : i32
        %dma_start3A_514 = arith.constant 0 : i32
        %dma_start3A_515 = tpu.memref_slice %arg11[%dma_start3A_510, %dma_start3A_513, %dma_start3A_514] : memref<2x625x16xf32, #tpu.memory_space<vmem>> -> memref<1x125x16xf32, #tpu.memory_space<vmem>>
        %dma_start3A_516 = tpu.memref_squeeze %dma_start3A_515 : memref<1x125x16xf32, #tpu.memory_space<vmem>> -> memref<125x16xf32, #tpu.memory_space<vmem>>
        %dma_start3A_517 = arith.constant 0 : i32
        %dma_start3A_518 = tpu.memref_slice %arg10[%dma_start3A_511, %dma_start3A_512, %dma_start3A_517] : memref<2x5x125xi32, #tpu.memory_space<vmem>> -> memref<1x1x125xi32, #tpu.memory_space<vmem>>
        %dma_start3A_519 = tpu.memref_squeeze %dma_start3A_518 : memref<1x1x125xi32, #tpu.memory_space<vmem>> -> memref<125xi32, #tpu.memory_space<vmem>>
        %dma_start3A_520 = arith.constant 0 : i32
        %dma_start3A_521 = arith.constant 0 : i32
        %dma_start3A_522 = tpu.memref_slice %arg8[%dma_start3A_520, %dma_start3A_521] : memref<100000x16xf32, #tpu.memory_space<vmem_shared>> -> memref<100000x16xf32, #tpu.memory_space<vmem_shared>>
        tpu.enqueue_indirect_dma source(%dma_start3A_516 : memref<125x16xf32, #tpu.memory_space<vmem>>) target(%dma_start3A_522 : memref<100000x16xf32, #tpu.memory_space<vmem_shared>>) offsets(%dma_start3A_519 : memref<125xi32, #tpu.memory_space<vmem>>) semaphore(%arg13 : memref<!tpu.dma_semaphore, #tpu.memory_space<semaphore_mem>>) {add = true}
        %dma_start3A_523 = arith.constant 1 : i32
        %dma_start3A_524 = arith.constant 1 : i32
        %dma_start3A_525 = arith.constant 1 : i32
        %dma_start3A_526 = arith.constant 125 : i32
        %dma_start3A_527 = arith.constant 0 : i32
        %dma_start3A_528 = tpu.memref_slice %arg11[%dma_start3A_523, %dma_start3A_526, %dma_start3A_527] : memref<2x625x16xf32, #tpu.memory_space<vmem>> -> memref<1x125x16xf32, #tpu.memory_space<vmem>>
        %dma_start3A_529 = tpu.memref_squeeze %dma_start3A_528 : memref<1x125x16xf32, #tpu.memory_space<vmem>> -> memref<125x16xf32, #tpu.memory_space<vmem>>
        %dma_start3A_530 = arith.constant 0 : i32
        %dma_start3A_531 = tpu.memref_slice %arg10[%dma_start3A_524, %dma_start3A_525, %dma_start3A_530] : memref<2x5x125xi32, #tpu.memory_space<vmem>> -> memref<1x1x125xi32, #tpu.memory_space<vmem>>
        %dma_start3A_532 = tpu.memref_squeeze %dma_start3A_531 : memref<1x1x125xi32, #tpu.memory_space<vmem>> -> memref<125xi32, #tpu.memory_space<vmem>>
        %dma_start3A_533 = arith.constant 0 : i32
        %dma_start3A_534 = arith.constant 0 : i32
        %dma_start3A_535 = tpu.memref_slice %arg8[%dma_start3A_533, %dma_start3A_534] : memref<100000x16xf32, #tpu.memory_space<vmem_shared>> -> memref<100000x16xf32, #tpu.memory_space<vmem_shared>>
        tpu.enqueue_indirect_dma source(%dma_start3A_529 : memref<125x16xf32, #tpu.memory_space<vmem>>) target(%dma_start3A_535 : memref<100000x16xf32, #tpu.memory_space<vmem_shared>>) offsets(%dma_start3A_532 : memref<125xi32, #tpu.memory_space<vmem>>) semaphore(%arg13 : memref<!tpu.dma_semaphore, #tpu.memory_space<semaphore_mem>>) {add = true}
        %dma_start3A_536 = arith.constant 1 : i32
        %dma_start3A_537 = arith.constant 1 : i32
        %dma_start3A_538 = arith.constant 2 : i32
        %dma_start3A_539 = arith.constant 250 : i32
        %dma_start3A_540 = arith.constant 0 : i32
        %dma_start3A_541 = tpu.memref_slice %arg11[%dma_start3A_536, %dma_start3A_539, %dma_start3A_540] : memref<2x625x16xf32, #tpu.memory_space<vmem>> -> memref<1x125x16xf32, #tpu.memory_space<vmem>>
        %dma_start3A_542 = tpu.memref_squeeze %dma_start3A_541 : memref<1x125x16xf32, #tpu.memory_space<vmem>> -> memref<125x16xf32, #tpu.memory_space<vmem>>
        %dma_start3A_543 = arith.constant 0 : i32
        %dma_start3A_544 = tpu.memref_slice %arg10[%dma_start3A_537, %dma_start3A_538, %dma_start3A_543] : memref<2x5x125xi32, #tpu.memory_space<vmem>> -> memref<1x1x125xi32, #tpu.memory_space<vmem>>
        %dma_start3A_545 = tpu.memref_squeeze %dma_start3A_544 : memref<1x1x125xi32, #tpu.memory_space<vmem>> -> memref<125xi32, #tpu.memory_space<vmem>>
        %dma_start3A_546 = arith.constant 0 : i32
        %dma_start3A_547 = arith.constant 0 : i32
        %dma_start3A_548 = tpu.memref_slice %arg8[%dma_start3A_546, %dma_start3A_547] : memref<100000x16xf32, #tpu.memory_space<vmem_shared>> -> memref<100000x16xf32, #tpu.memory_space<vmem_shared>>
        tpu.enqueue_indirect_dma source(%dma_start3A_542 : memref<125x16xf32, #tpu.memory_space<vmem>>) target(%dma_start3A_548 : memref<100000x16xf32, #tpu.memory_space<vmem_shared>>) offsets(%dma_start3A_545 : memref<125xi32, #tpu.memory_space<vmem>>) semaphore(%arg13 : memref<!tpu.dma_semaphore, #tpu.memory_space<semaphore_mem>>) {add = true}
        %dma_start3A_549 = arith.constant 1 : i32
        %dma_start3A_550 = arith.constant 1 : i32
        %dma_start3A_551 = arith.constant 3 : i32
        %dma_start3A_552 = arith.constant 375 : i32
        %dma_start3A_553 = arith.constant 0 : i32
        %dma_start3A_554 = tpu.memref_slice %arg11[%dma_start3A_549, %dma_start3A_552, %dma_start3A_553] : memref<2x625x16xf32, #tpu.memory_space<vmem>> -> memref<1x125x16xf32, #tpu.memory_space<vmem>>
        %dma_start3A_555 = tpu.memref_squeeze %dma_start3A_554 : memref<1x125x16xf32, #tpu.memory_space<vmem>> -> memref<125x16xf32, #tpu.memory_space<vmem>>
        %dma_start3A_556 = arith.constant 0 : i32
        %dma_start3A_557 = tpu.memref_slice %arg10[%dma_start3A_550, %dma_start3A_551, %dma_start3A_556] : memref<2x5x125xi32, #tpu.memory_space<vmem>> -> memref<1x1x125xi32, #tpu.memory_space<vmem>>
        %dma_start3A_558 = tpu.memref_squeeze %dma_start3A_557 : memref<1x1x125xi32, #tpu.memory_space<vmem>> -> memref<125xi32, #tpu.memory_space<vmem>>
        %dma_start3A_559 = arith.constant 0 : i32
        %dma_start3A_560 = arith.constant 0 : i32
        %dma_start3A_561 = tpu.memref_slice %arg8[%dma_start3A_559, %dma_start3A_560] : memref<100000x16xf32, #tpu.memory_space<vmem_shared>> -> memref<100000x16xf32, #tpu.memory_space<vmem_shared>>
        tpu.enqueue_indirect_dma source(%dma_start3A_555 : memref<125x16xf32, #tpu.memory_space<vmem>>) target(%dma_start3A_561 : memref<100000x16xf32, #tpu.memory_space<vmem_shared>>) offsets(%dma_start3A_558 : memref<125xi32, #tpu.memory_space<vmem>>) semaphore(%arg13 : memref<!tpu.dma_semaphore, #tpu.memory_space<semaphore_mem>>) {add = true}
        %dma_start3A_562 = arith.constant 1 : i32
        %dma_start3A_563 = arith.constant 1 : i32
        %dma_start3A_564 = arith.constant 4 : i32
        %dma_start3A_565 = arith.constant 500 : i32
        %dma_start3A_566 = arith.constant 0 : i32
        %dma_start3A_567 = tpu.memref_slice %arg11[%dma_start3A_562, %dma_start3A_565, %dma_start3A_566] : memref<2x625x16xf32, #tpu.memory_space<vmem>> -> memref<1x125x16xf32, #tpu.memory_space<vmem>>
        %dma_start3A_568 = tpu.memref_squeeze %dma_start3A_567 : memref<1x125x16xf32, #tpu.memory_space<vmem>> -> memref<125x16xf32, #tpu.memory_space<vmem>>
        %dma_start3A_569 = arith.constant 0 : i32
        %dma_start3A_570 = tpu.memref_slice %arg10[%dma_start3A_563, %dma_start3A_564, %dma_start3A_569] : memref<2x5x125xi32, #tpu.memory_space<vmem>> -> memref<1x1x125xi32, #tpu.memory_space<vmem>>
        %dma_start3A_571 = tpu.memref_squeeze %dma_start3A_570 : memref<1x1x125xi32, #tpu.memory_space<vmem>> -> memref<125xi32, #tpu.memory_space<vmem>>
        %dma_start3A_572 = arith.constant 0 : i32
        %dma_start3A_573 = arith.constant 0 : i32
        %dma_start3A_574 = tpu.memref_slice %arg8[%dma_start3A_572, %dma_start3A_573] : memref<100000x16xf32, #tpu.memory_space<vmem_shared>> -> memref<100000x16xf32, #tpu.memory_space<vmem_shared>>
        tpu.enqueue_indirect_dma source(%dma_start3A_568 : memref<125x16xf32, #tpu.memory_space<vmem>>) target(%dma_start3A_574 : memref<100000x16xf32, #tpu.memory_space<vmem_shared>>) offsets(%dma_start3A_571 : memref<125xi32, #tpu.memory_space<vmem>>) semaphore(%arg13 : memref<!tpu.dma_semaphore, #tpu.memory_space<semaphore_mem>>) {add = true}
      }
      %scan3A_89 = arith.constant 80 : i32
      %dma_wait3A = arith.constant 1 : i32
      %dma_wait3A_90 = arith.constant 1 : i32
      %dma_wait3A_91 = arith.constant 0 : i32
      %dma_wait3A_92 = arith.constant 0 : i32
      %dma_wait3A_93 = arith.constant 0 : i32
      %dma_wait3A_94 = tpu.memref_slice %arg11[%dma_wait3A, %dma_wait3A_92, %dma_wait3A_93] : memref<2x625x16xf32, #tpu.memory_space<vmem>> -> memref<1x125x16xf32, #tpu.memory_space<vmem>>
      %dma_wait3A_95 = tpu.memref_squeeze %dma_wait3A_94 : memref<1x125x16xf32, #tpu.memory_space<vmem>> -> memref<125x16xf32, #tpu.memory_space<vmem>>
      %dma_wait3A_96 = arith.constant 0 : i32
      %dma_wait3A_97 = tpu.memref_slice %arg10[%dma_wait3A_90, %dma_wait3A_91, %dma_wait3A_96] : memref<2x5x125xi32, #tpu.memory_space<vmem>> -> memref<1x1x125xi32, #tpu.memory_space<vmem>>
      %dma_wait3A_98 = tpu.memref_squeeze %dma_wait3A_97 : memref<1x1x125xi32, #tpu.memory_space<vmem>> -> memref<125xi32, #tpu.memory_space<vmem>>
      %dma_wait3A_99 = arith.constant 0 : i32
      %dma_wait3A_100 = arith.constant 0 : i32
      %dma_wait3A_101 = tpu.memref_slice %arg8[%dma_wait3A_99, %dma_wait3A_100] : memref<100000x16xf32, #tpu.memory_space<vmem_shared>> -> memref<100000x16xf32, #tpu.memory_space<vmem_shared>>
      tpu.wait_indirect_dma semaphore(%arg13 : memref<!tpu.dma_semaphore, #tpu.memory_space<semaphore_mem>>) src(%dma_wait3A_95 : memref<125x16xf32, #tpu.memory_space<vmem>>) dst(%dma_wait3A_101 : memref<100000x16xf32, #tpu.memory_space<vmem_shared>>)
      %dma_wait3A_102 = arith.constant 1 : i32
      %dma_wait3A_103 = arith.constant 1 : i32
      %dma_wait3A_104 = arith.constant 1 : i32
      %dma_wait3A_105 = arith.constant 125 : i32
      %dma_wait3A_106 = arith.constant 0 : i32
      %dma_wait3A_107 = tpu.memref_slice %arg11[%dma_wait3A_102, %dma_wait3A_105, %dma_wait3A_106] : memref<2x625x16xf32, #tpu.memory_space<vmem>> -> memref<1x125x16xf32, #tpu.memory_space<vmem>>
      %dma_wait3A_108 = tpu.memref_squeeze %dma_wait3A_107 : memref<1x125x16xf32, #tpu.memory_space<vmem>> -> memref<125x16xf32, #tpu.memory_space<vmem>>
      %dma_wait3A_109 = arith.constant 0 : i32
      %dma_wait3A_110 = tpu.memref_slice %arg10[%dma_wait3A_103, %dma_wait3A_104, %dma_wait3A_109] : memref<2x5x125xi32, #tpu.memory_space<vmem>> -> memref<1x1x125xi32, #tpu.memory_space<vmem>>
      %dma_wait3A_111 = tpu.memref_squeeze %dma_wait3A_110 : memref<1x1x125xi32, #tpu.memory_space<vmem>> -> memref<125xi32, #tpu.memory_space<vmem>>
      %dma_wait3A_112 = arith.constant 0 : i32
      %dma_wait3A_113 = arith.constant 0 : i32
      %dma_wait3A_114 = tpu.memref_slice %arg8[%dma_wait3A_112, %dma_wait3A_113] : memref<100000x16xf32, #tpu.memory_space<vmem_shared>> -> memref<100000x16xf32, #tpu.memory_space<vmem_shared>>
      tpu.wait_indirect_dma semaphore(%arg13 : memref<!tpu.dma_semaphore, #tpu.memory_space<semaphore_mem>>) src(%dma_wait3A_108 : memref<125x16xf32, #tpu.memory_space<vmem>>) dst(%dma_wait3A_114 : memref<100000x16xf32, #tpu.memory_space<vmem_shared>>)
      %dma_wait3A_115 = arith.constant 1 : i32
      %dma_wait3A_116 = arith.constant 1 : i32
      %dma_wait3A_117 = arith.constant 2 : i32
      %dma_wait3A_118 = arith.constant 250 : i32
      %dma_wait3A_119 = arith.constant 0 : i32
      %dma_wait3A_120 = tpu.memref_slice %arg11[%dma_wait3A_115, %dma_wait3A_118, %dma_wait3A_119] : memref<2x625x16xf32, #tpu.memory_space<vmem>> -> memref<1x125x16xf32, #tpu.memory_space<vmem>>
      %dma_wait3A_121 = tpu.memref_squeeze %dma_wait3A_120 : memref<1x125x16xf32, #tpu.memory_space<vmem>> -> memref<125x16xf32, #tpu.memory_space<vmem>>
      %dma_wait3A_122 = arith.constant 0 : i32
      %dma_wait3A_123 = tpu.memref_slice %arg10[%dma_wait3A_116, %dma_wait3A_117, %dma_wait3A_122] : memref<2x5x125xi32, #tpu.memory_space<vmem>> -> memref<1x1x125xi32, #tpu.memory_space<vmem>>
      %dma_wait3A_124 = tpu.memref_squeeze %dma_wait3A_123 : memref<1x1x125xi32, #tpu.memory_space<vmem>> -> memref<125xi32, #tpu.memory_space<vmem>>
      %dma_wait3A_125 = arith.constant 0 : i32
      %dma_wait3A_126 = arith.constant 0 : i32
      %dma_wait3A_127 = tpu.memref_slice %arg8[%dma_wait3A_125, %dma_wait3A_126] : memref<100000x16xf32, #tpu.memory_space<vmem_shared>> -> memref<100000x16xf32, #tpu.memory_space<vmem_shared>>
      tpu.wait_indirect_dma semaphore(%arg13 : memref<!tpu.dma_semaphore, #tpu.memory_space<semaphore_mem>>) src(%dma_wait3A_121 : memref<125x16xf32, #tpu.memory_space<vmem>>) dst(%dma_wait3A_127 : memref<100000x16xf32, #tpu.memory_space<vmem_shared>>)
      %dma_wait3A_128 = arith.constant 1 : i32
      %dma_wait3A_129 = arith.constant 1 : i32
      %dma_wait3A_130 = arith.constant 3 : i32
      %dma_wait3A_131 = arith.constant 375 : i32
      %dma_wait3A_132 = arith.constant 0 : i32
      %dma_wait3A_133 = tpu.memref_slice %arg11[%dma_wait3A_128, %dma_wait3A_131, %dma_wait3A_132] : memref<2x625x16xf32, #tpu.memory_space<vmem>> -> memref<1x125x16xf32, #tpu.memory_space<vmem>>
      %dma_wait3A_134 = tpu.memref_squeeze %dma_wait3A_133 : memref<1x125x16xf32, #tpu.memory_space<vmem>> -> memref<125x16xf32, #tpu.memory_space<vmem>>
      %dma_wait3A_135 = arith.constant 0 : i32
      %dma_wait3A_136 = tpu.memref_slice %arg10[%dma_wait3A_129, %dma_wait3A_130, %dma_wait3A_135] : memref<2x5x125xi32, #tpu.memory_space<vmem>> -> memref<1x1x125xi32, #tpu.memory_space<vmem>>
      %dma_wait3A_137 = tpu.memref_squeeze %dma_wait3A_136 : memref<1x1x125xi32, #tpu.memory_space<vmem>> -> memref<125xi32, #tpu.memory_space<vmem>>
      %dma_wait3A_138 = arith.constant 0 : i32
      %dma_wait3A_139 = arith.constant 0 : i32
      %dma_wait3A_140 = tpu.memref_slice %arg8[%dma_wait3A_138, %dma_wait3A_139] : memref<100000x16xf32, #tpu.memory_space<vmem_shared>> -> memref<100000x16xf32, #tpu.memory_space<vmem_shared>>
      tpu.wait_indirect_dma semaphore(%arg13 : memref<!tpu.dma_semaphore, #tpu.memory_space<semaphore_mem>>) src(%dma_wait3A_134 : memref<125x16xf32, #tpu.memory_space<vmem>>) dst(%dma_wait3A_140 : memref<100000x16xf32, #tpu.memory_space<vmem_shared>>)
      %dma_wait3A_141 = arith.constant 1 : i32
      %dma_wait3A_142 = arith.constant 1 : i32
      %dma_wait3A_143 = arith.constant 4 : i32
      %dma_wait3A_144 = arith.constant 500 : i32
      %dma_wait3A_145 = arith.constant 0 : i32
      %dma_wait3A_146 = tpu.memref_slice %arg11[%dma_wait3A_141, %dma_wait3A_144, %dma_wait3A_145] : memref<2x625x16xf32, #tpu.memory_space<vmem>> -> memref<1x125x16xf32, #tpu.memory_space<vmem>>
      %dma_wait3A_147 = tpu.memref_squeeze %dma_wait3A_146 : memref<1x125x16xf32, #tpu.memory_space<vmem>> -> memref<125x16xf32, #tpu.memory_space<vmem>>
      %dma_wait3A_148 = arith.constant 0 : i32
      %dma_wait3A_149 = tpu.memref_slice %arg10[%dma_wait3A_142, %dma_wait3A_143, %dma_wait3A_148] : memref<2x5x125xi32, #tpu.memory_space<vmem>> -> memref<1x1x125xi32, #tpu.memory_space<vmem>>
      %dma_wait3A_150 = tpu.memref_squeeze %dma_wait3A_149 : memref<1x1x125xi32, #tpu.memory_space<vmem>> -> memref<125xi32, #tpu.memory_space<vmem>>
      %dma_wait3A_151 = arith.constant 0 : i32
      %dma_wait3A_152 = arith.constant 0 : i32
      %dma_wait3A_153 = tpu.memref_slice %arg8[%dma_wait3A_151, %dma_wait3A_152] : memref<100000x16xf32, #tpu.memory_space<vmem_shared>> -> memref<100000x16xf32, #tpu.memory_space<vmem_shared>>
      tpu.wait_indirect_dma semaphore(%arg13 : memref<!tpu.dma_semaphore, #tpu.memory_space<semaphore_mem>>) src(%dma_wait3A_147 : memref<125x16xf32, #tpu.memory_space<vmem>>) dst(%dma_wait3A_153 : memref<100000x16xf32, #tpu.memory_space<vmem_shared>>)
    } else {
    }
    %eq3A_6 = arith.constant 1 : i32
    %eq3A_7 = arith.cmpi eq, %arg0, %eq3A_6 : i32
    %convert_element_type3A_8 = arith.extui %eq3A_7 : i1 to i32
    %cond3A_9 = arith.constant 0 : i32
    %cond3A_10 = arith.cmpi ne, %convert_element_type3A_8, %cond3A_9 : i32
    scf.if %cond3A_10 {
      %mul3A = arith.constant 800 : i32
      %mul3A_17 = arith.muli %arg1, %mul3A : i32
      %add3A = arith.constant 0 : i32
      %add3A_18 = arith.addi %mul3A_17, %add3A : i32
      %run_scoped3A = arith.constant 0 : i32
      "tpu.region"() ({
        %run_scoped3A_154 = tpu.sem_alloc : memref<!tpu.dma_semaphore, #tpu.memory_space<semaphore_mem>>
        %dma_start3A_155 = arith.constant 0 : i32
        %dma_start3A_156 = arith.constant 0 : i32
        %dma_start3A_157 = tpu.memref_slice %arg9[%run_scoped3A, %dma_start3A_155, %dma_start3A_156] : memref<2x5x125xi32, #tpu.memory_space<vmem>> -> memref<1x5x125xi32, #tpu.memory_space<vmem>>
        %dma_start3A_158 = tpu.memref_squeeze %dma_start3A_157 : memref<1x5x125xi32, #tpu.memory_space<vmem>> -> memref<5x125xi32, #tpu.memory_space<vmem>>
        %dma_start3A_159 = arith.constant 0 : i32
        %dma_start3A_160 = tpu.memref_slice %arg5[%add3A_18, %dma_start3A_159] : memref<12800x125xi32, #tpu.memory_space<hbm>> -> memref<5x125xi32, #tpu.memory_space<hbm>>
        %dma_start3A_161 = arith.constant 0 : i32
        %dma_start3A_162 = arith.constant 0 : i32
        %dma_start3A_163 = tpu.memref_slice %arg9[%run_scoped3A, %dma_start3A_161, %dma_start3A_162] : memref<2x5x125xi32, #tpu.memory_space<vmem>> -> memref<1x5x125xi32, #tpu.memory_space<vmem>>
        %dma_start3A_164 = tpu.memref_squeeze %dma_start3A_163 : memref<1x5x125xi32, #tpu.memory_space<vmem>> -> memref<5x125xi32, #tpu.memory_space<vmem>>
        %dma_start3A_165 = arith.constant 0 : i32
        %dma_start3A_166 = tpu.memref_slice %arg5[%add3A_18, %dma_start3A_165] : memref<12800x125xi32, #tpu.memory_space<hbm>> -> memref<5x125xi32, #tpu.memory_space<hbm>>
        tpu.enqueue_dma source(%dma_start3A_166 : memref<5x125xi32, #tpu.memory_space<hbm>>) target(%dma_start3A_164 : memref<5x125xi32, #tpu.memory_space<vmem>>) target_semaphore(%run_scoped3A_154 : memref<!tpu.dma_semaphore, #tpu.memory_space<semaphore_mem>>)
        %dma_wait3A_167 = arith.constant 0 : i32
        %dma_wait3A_168 = arith.constant 0 : i32
        %dma_wait3A_169 = tpu.memref_slice %arg9[%run_scoped3A, %dma_wait3A_167, %dma_wait3A_168] : memref<2x5x125xi32, #tpu.memory_space<vmem>> -> memref<1x5x125xi32, #tpu.memory_space<vmem>>
        %dma_wait3A_170 = tpu.memref_squeeze %dma_wait3A_169 : memref<1x5x125xi32, #tpu.memory_space<vmem>> -> memref<5x125xi32, #tpu.memory_space<vmem>>
        %dma_wait3A_171 = arith.constant 0 : i32
        %dma_wait3A_172 = tpu.memref_slice %arg5[%add3A_18, %dma_wait3A_171] : memref<12800x125xi32, #tpu.memory_space<hbm>> -> memref<5x125xi32, #tpu.memory_space<hbm>>
        %dma_wait3A_173 = arith.constant 0 : i32
        %dma_wait3A_174 = arith.constant 0 : i32
        %dma_wait3A_175 = tpu.memref_slice %arg9[%run_scoped3A, %dma_wait3A_173, %dma_wait3A_174] : memref<2x5x125xi32, #tpu.memory_space<vmem>> -> memref<1x5x125xi32, #tpu.memory_space<vmem>>
        %dma_wait3A_176 = tpu.memref_squeeze %dma_wait3A_175 : memref<1x5x125xi32, #tpu.memory_space<vmem>> -> memref<5x125xi32, #tpu.memory_space<vmem>>
        %dma_wait3A_177 = arith.constant 0 : i32
        %dma_wait3A_178 = tpu.memref_slice %arg5[%add3A_18, %dma_wait3A_177] : memref<12800x125xi32, #tpu.memory_space<hbm>> -> memref<5x125xi32, #tpu.memory_space<hbm>>
        tpu.wait_dma2 semaphore(%run_scoped3A_154 : memref<!tpu.dma_semaphore, #tpu.memory_space<semaphore_mem>>) src(%dma_wait3A_178 : memref<5x125xi32, #tpu.memory_space<hbm>>) dst(%dma_wait3A_176 : memref<5x125xi32, #tpu.memory_space<vmem>>)
        tpu.yield
      }) : () -> ()
      %add3A_19 = arith.constant 0 : i32
      %add3A_20 = arith.addi %mul3A_17, %add3A_19 : i32
      %run_scoped3A_21 = arith.constant 0 : i32
      "tpu.region"() ({
        %run_scoped3A_154 = tpu.sem_alloc : memref<!tpu.dma_semaphore, #tpu.memory_space<semaphore_mem>>
        %dma_start3A_155 = arith.constant 0 : i32
        %dma_start3A_156 = arith.constant 0 : i32
        %dma_start3A_157 = tpu.memref_slice %arg10[%run_scoped3A_21, %dma_start3A_155, %dma_start3A_156] : memref<2x5x125xi32, #tpu.memory_space<vmem>> -> memref<1x5x125xi32, #tpu.memory_space<vmem>>
        %dma_start3A_158 = tpu.memref_squeeze %dma_start3A_157 : memref<1x5x125xi32, #tpu.memory_space<vmem>> -> memref<5x125xi32, #tpu.memory_space<vmem>>
        %dma_start3A_159 = arith.constant 0 : i32
        %dma_start3A_160 = tpu.memref_slice %arg4[%add3A_20, %dma_start3A_159] : memref<12800x125xi32, #tpu.memory_space<hbm>> -> memref<5x125xi32, #tpu.memory_space<hbm>>
        %dma_start3A_161 = arith.constant 0 : i32
        %dma_start3A_162 = arith.constant 0 : i32
        %dma_start3A_163 = tpu.memref_slice %arg10[%run_scoped3A_21, %dma_start3A_161, %dma_start3A_162] : memref<2x5x125xi32, #tpu.memory_space<vmem>> -> memref<1x5x125xi32, #tpu.memory_space<vmem>>
        %dma_start3A_164 = tpu.memref_squeeze %dma_start3A_163 : memref<1x5x125xi32, #tpu.memory_space<vmem>> -> memref<5x125xi32, #tpu.memory_space<vmem>>
        %dma_start3A_165 = arith.constant 0 : i32
        %dma_start3A_166 = tpu.memref_slice %arg4[%add3A_20, %dma_start3A_165] : memref<12800x125xi32, #tpu.memory_space<hbm>> -> memref<5x125xi32, #tpu.memory_space<hbm>>
        tpu.enqueue_dma source(%dma_start3A_166 : memref<5x125xi32, #tpu.memory_space<hbm>>) target(%dma_start3A_164 : memref<5x125xi32, #tpu.memory_space<vmem>>) target_semaphore(%run_scoped3A_154 : memref<!tpu.dma_semaphore, #tpu.memory_space<semaphore_mem>>)
        %dma_wait3A_167 = arith.constant 0 : i32
        %dma_wait3A_168 = arith.constant 0 : i32
        %dma_wait3A_169 = tpu.memref_slice %arg10[%run_scoped3A_21, %dma_wait3A_167, %dma_wait3A_168] : memref<2x5x125xi32, #tpu.memory_space<vmem>> -> memref<1x5x125xi32, #tpu.memory_space<vmem>>
        %dma_wait3A_170 = tpu.memref_squeeze %dma_wait3A_169 : memref<1x5x125xi32, #tpu.memory_space<vmem>> -> memref<5x125xi32, #tpu.memory_space<vmem>>
        %dma_wait3A_171 = arith.constant 0 : i32
        %dma_wait3A_172 = tpu.memref_slice %arg4[%add3A_20, %dma_wait3A_171] : memref<12800x125xi32, #tpu.memory_space<hbm>> -> memref<5x125xi32, #tpu.memory_space<hbm>>
        %dma_wait3A_173 = arith.constant 0 : i32
        %dma_wait3A_174 = arith.constant 0 : i32
        %dma_wait3A_175 = tpu.memref_slice %arg10[%run_scoped3A_21, %dma_wait3A_173, %dma_wait3A_174] : memref<2x5x125xi32, #tpu.memory_space<vmem>> -> memref<1x5x125xi32, #tpu.memory_space<vmem>>
        %dma_wait3A_176 = tpu.memref_squeeze %dma_wait3A_175 : memref<1x5x125xi32, #tpu.memory_space<vmem>> -> memref<5x125xi32, #tpu.memory_space<vmem>>
        %dma_wait3A_177 = arith.constant 0 : i32
        %dma_wait3A_178 = tpu.memref_slice %arg4[%add3A_20, %dma_wait3A_177] : memref<12800x125xi32, #tpu.memory_space<hbm>> -> memref<5x125xi32, #tpu.memory_space<hbm>>
        tpu.wait_dma2 semaphore(%run_scoped3A_154 : memref<!tpu.dma_semaphore, #tpu.memory_space<semaphore_mem>>) src(%dma_wait3A_178 : memref<5x125xi32, #tpu.memory_space<hbm>>) dst(%dma_wait3A_176 : memref<5x125xi32, #tpu.memory_space<vmem>>)
        tpu.yield
      }) : () -> ()
      %dma_start3A = arith.constant 0 : i32
      %dma_start3A_22 = arith.constant 0 : i32
      %dma_start3A_23 = arith.constant 0 : i32
      %dma_start3A_24 = arith.constant 0 : i32
      %dma_start3A_25 = arith.constant 0 : i32
      %dma_start3A_26 = tpu.memref_slice %arg11[%dma_start3A_23, %dma_start3A_24, %dma_start3A_25] : memref<2x625x16xf32, #tpu.memory_space<vmem>> -> memref<1x125x16xf32, #tpu.memory_space<vmem>>
      %dma_start3A_27 = tpu.memref_squeeze %dma_start3A_26 : memref<1x125x16xf32, #tpu.memory_space<vmem>> -> memref<125x16xf32, #tpu.memory_space<vmem>>
      %dma_start3A_28 = arith.constant 0 : i32
      %dma_start3A_29 = tpu.memref_slice %arg9[%dma_start3A, %dma_start3A_22, %dma_start3A_28] : memref<2x5x125xi32, #tpu.memory_space<vmem>> -> memref<1x1x125xi32, #tpu.memory_space<vmem>>
      %dma_start3A_30 = tpu.memref_squeeze %dma_start3A_29 : memref<1x1x125xi32, #tpu.memory_space<vmem>> -> memref<125xi32, #tpu.memory_space<vmem>>
      %dma_start3A_31 = arith.constant 0 : i32
      %dma_start3A_32 = arith.constant 0 : i32
      %dma_start3A_33 = tpu.memref_slice %arg3[%dma_start3A_31, %dma_start3A_32] : memref<100000x16xf32, #tpu.memory_space<hbm>> -> memref<100000x16xf32, #tpu.memory_space<hbm>>
      tpu.enqueue_indirect_dma source(%dma_start3A_33 : memref<100000x16xf32, #tpu.memory_space<hbm>>) target(%dma_start3A_27 : memref<125x16xf32, #tpu.memory_space<vmem>>) offsets(%dma_start3A_30 : memref<125xi32, #tpu.memory_space<vmem>>) semaphore(%arg12 : memref<!tpu.dma_semaphore, #tpu.memory_space<semaphore_mem>>)
      %dma_start3A_34 = arith.constant 0 : i32
      %dma_start3A_35 = arith.constant 1 : i32
      %dma_start3A_36 = arith.constant 0 : i32
      %dma_start3A_37 = arith.constant 125 : i32
      %dma_start3A_38 = arith.constant 0 : i32
      %dma_start3A_39 = tpu.memref_slice %arg11[%dma_start3A_36, %dma_start3A_37, %dma_start3A_38] : memref<2x625x16xf32, #tpu.memory_space<vmem>> -> memref<1x125x16xf32, #tpu.memory_space<vmem>>
      %dma_start3A_40 = tpu.memref_squeeze %dma_start3A_39 : memref<1x125x16xf32, #tpu.memory_space<vmem>> -> memref<125x16xf32, #tpu.memory_space<vmem>>
      %dma_start3A_41 = arith.constant 0 : i32
      %dma_start3A_42 = tpu.memref_slice %arg9[%dma_start3A_34, %dma_start3A_35, %dma_start3A_41] : memref<2x5x125xi32, #tpu.memory_space<vmem>> -> memref<1x1x125xi32, #tpu.memory_space<vmem>>
      %dma_start3A_43 = tpu.memref_squeeze %dma_start3A_42 : memref<1x1x125xi32, #tpu.memory_space<vmem>> -> memref<125xi32, #tpu.memory_space<vmem>>
      %dma_start3A_44 = arith.constant 0 : i32
      %dma_start3A_45 = arith.constant 0 : i32
      %dma_start3A_46 = tpu.memref_slice %arg3[%dma_start3A_44, %dma_start3A_45] : memref<100000x16xf32, #tpu.memory_space<hbm>> -> memref<100000x16xf32, #tpu.memory_space<hbm>>
      tpu.enqueue_indirect_dma source(%dma_start3A_46 : memref<100000x16xf32, #tpu.memory_space<hbm>>) target(%dma_start3A_40 : memref<125x16xf32, #tpu.memory_space<vmem>>) offsets(%dma_start3A_43 : memref<125xi32, #tpu.memory_space<vmem>>) semaphore(%arg12 : memref<!tpu.dma_semaphore, #tpu.memory_space<semaphore_mem>>)
      %dma_start3A_47 = arith.constant 0 : i32
      %dma_start3A_48 = arith.constant 2 : i32
      %dma_start3A_49 = arith.constant 0 : i32
      %dma_start3A_50 = arith.constant 250 : i32
      %dma_start3A_51 = arith.constant 0 : i32
      %dma_start3A_52 = tpu.memref_slice %arg11[%dma_start3A_49, %dma_start3A_50, %dma_start3A_51] : memref<2x625x16xf32, #tpu.memory_space<vmem>> -> memref<1x125x16xf32, #tpu.memory_space<vmem>>
      %dma_start3A_53 = tpu.memref_squeeze %dma_start3A_52 : memref<1x125x16xf32, #tpu.memory_space<vmem>> -> memref<125x16xf32, #tpu.memory_space<vmem>>
      %dma_start3A_54 = arith.constant 0 : i32
      %dma_start3A_55 = tpu.memref_slice %arg9[%dma_start3A_47, %dma_start3A_48, %dma_start3A_54] : memref<2x5x125xi32, #tpu.memory_space<vmem>> -> memref<1x1x125xi32, #tpu.memory_space<vmem>>
      %dma_start3A_56 = tpu.memref_squeeze %dma_start3A_55 : memref<1x1x125xi32, #tpu.memory_space<vmem>> -> memref<125xi32, #tpu.memory_space<vmem>>
      %dma_start3A_57 = arith.constant 0 : i32
      %dma_start3A_58 = arith.constant 0 : i32
      %dma_start3A_59 = tpu.memref_slice %arg3[%dma_start3A_57, %dma_start3A_58] : memref<100000x16xf32, #tpu.memory_space<hbm>> -> memref<100000x16xf32, #tpu.memory_space<hbm>>
      tpu.enqueue_indirect_dma source(%dma_start3A_59 : memref<100000x16xf32, #tpu.memory_space<hbm>>) target(%dma_start3A_53 : memref<125x16xf32, #tpu.memory_space<vmem>>) offsets(%dma_start3A_56 : memref<125xi32, #tpu.memory_space<vmem>>) semaphore(%arg12 : memref<!tpu.dma_semaphore, #tpu.memory_space<semaphore_mem>>)
      %dma_start3A_60 = arith.constant 0 : i32
      %dma_start3A_61 = arith.constant 3 : i32
      %dma_start3A_62 = arith.constant 0 : i32
      %dma_start3A_63 = arith.constant 375 : i32
      %dma_start3A_64 = arith.constant 0 : i32
      %dma_start3A_65 = tpu.memref_slice %arg11[%dma_start3A_62, %dma_start3A_63, %dma_start3A_64] : memref<2x625x16xf32, #tpu.memory_space<vmem>> -> memref<1x125x16xf32, #tpu.memory_space<vmem>>
      %dma_start3A_66 = tpu.memref_squeeze %dma_start3A_65 : memref<1x125x16xf32, #tpu.memory_space<vmem>> -> memref<125x16xf32, #tpu.memory_space<vmem>>
      %dma_start3A_67 = arith.constant 0 : i32
      %dma_start3A_68 = tpu.memref_slice %arg9[%dma_start3A_60, %dma_start3A_61, %dma_start3A_67] : memref<2x5x125xi32, #tpu.memory_space<vmem>> -> memref<1x1x125xi32, #tpu.memory_space<vmem>>
      %dma_start3A_69 = tpu.memref_squeeze %dma_start3A_68 : memref<1x1x125xi32, #tpu.memory_space<vmem>> -> memref<125xi32, #tpu.memory_space<vmem>>
      %dma_start3A_70 = arith.constant 0 : i32
      %dma_start3A_71 = arith.constant 0 : i32
      %dma_start3A_72 = tpu.memref_slice %arg3[%dma_start3A_70, %dma_start3A_71] : memref<100000x16xf32, #tpu.memory_space<hbm>> -> memref<100000x16xf32, #tpu.memory_space<hbm>>
      tpu.enqueue_indirect_dma source(%dma_start3A_72 : memref<100000x16xf32, #tpu.memory_space<hbm>>) target(%dma_start3A_66 : memref<125x16xf32, #tpu.memory_space<vmem>>) offsets(%dma_start3A_69 : memref<125xi32, #tpu.memory_space<vmem>>) semaphore(%arg12 : memref<!tpu.dma_semaphore, #tpu.memory_space<semaphore_mem>>)
      %dma_start3A_73 = arith.constant 0 : i32
      %dma_start3A_74 = arith.constant 4 : i32
      %dma_start3A_75 = arith.constant 0 : i32
      %dma_start3A_76 = arith.constant 500 : i32
      %dma_start3A_77 = arith.constant 0 : i32
      %dma_start3A_78 = tpu.memref_slice %arg11[%dma_start3A_75, %dma_start3A_76, %dma_start3A_77] : memref<2x625x16xf32, #tpu.memory_space<vmem>> -> memref<1x125x16xf32, #tpu.memory_space<vmem>>
      %dma_start3A_79 = tpu.memref_squeeze %dma_start3A_78 : memref<1x125x16xf32, #tpu.memory_space<vmem>> -> memref<125x16xf32, #tpu.memory_space<vmem>>
      %dma_start3A_80 = arith.constant 0 : i32
      %dma_start3A_81 = tpu.memref_slice %arg9[%dma_start3A_73, %dma_start3A_74, %dma_start3A_80] : memref<2x5x125xi32, #tpu.memory_space<vmem>> -> memref<1x1x125xi32, #tpu.memory_space<vmem>>
      %dma_start3A_82 = tpu.memref_squeeze %dma_start3A_81 : memref<1x1x125xi32, #tpu.memory_space<vmem>> -> memref<125xi32, #tpu.memory_space<vmem>>
      %dma_start3A_83 = arith.constant 0 : i32
      %dma_start3A_84 = arith.constant 0 : i32
      %dma_start3A_85 = tpu.memref_slice %arg3[%dma_start3A_83, %dma_start3A_84] : memref<100000x16xf32, #tpu.memory_space<hbm>> -> memref<100000x16xf32, #tpu.memory_space<hbm>>
      tpu.enqueue_indirect_dma source(%dma_start3A_85 : memref<100000x16xf32, #tpu.memory_space<hbm>>) target(%dma_start3A_79 : memref<125x16xf32, #tpu.memory_space<vmem>>) offsets(%dma_start3A_82 : memref<125xi32, #tpu.memory_space<vmem>>) semaphore(%arg12 : memref<!tpu.dma_semaphore, #tpu.memory_space<semaphore_mem>>)
      %scan3A = arith.constant 0 : i32
      %scan3A_86 = arith.constant 80 : i32
      %scan3A_87 = arith.addi %scan3A, %scan3A_86 : i32
      %scan3A_88 = arith.constant 1 : i32
      scf.for %scan3A_154 = %scan3A to %scan3A_87 step %scan3A_88  : i32 {
        %mul3A_155 = arith.constant 1 : i32
        %mul3A_156 = arith.muli %scan3A_154, %mul3A_155 : i32
        %add3A_157 = arith.constant 0 : i32
        %add3A_158 = arith.addi %add3A_157, %mul3A_156 : i32
        %mul3A_159 = arith.constant 2 : i32
        %mul3A_160 = arith.muli %mul3A_159, %add3A_158 : i32
        %gt3A = arith.constant 0 : i32
        %gt3A_161 = arith.cmpi sgt, %add3A_158, %gt3A : i32
        %convert_element_type3A_162 = arith.extui %gt3A_161 : i1 to i32
        %cond3A_163 = arith.constant 0 : i32
        %cond3A_164 = arith.cmpi ne, %convert_element_type3A_162, %cond3A_163 : i32
        scf.if %cond3A_164 {
          %dma_wait3A_575 = arith.constant 1 : i32
          %dma_wait3A_576 = arith.constant 1 : i32
          %dma_wait3A_577 = arith.constant 0 : i32
          %dma_wait3A_578 = arith.constant 0 : i32
          %dma_wait3A_579 = arith.constant 0 : i32
          %dma_wait3A_580 = tpu.memref_slice %arg11[%dma_wait3A_575, %dma_wait3A_578, %dma_wait3A_579] : memref<2x625x16xf32, #tpu.memory_space<vmem>> -> memref<1x125x16xf32, #tpu.memory_space<vmem>>
          %dma_wait3A_581 = tpu.memref_squeeze %dma_wait3A_580 : memref<1x125x16xf32, #tpu.memory_space<vmem>> -> memref<125x16xf32, #tpu.memory_space<vmem>>
          %dma_wait3A_582 = arith.constant 0 : i32
          %dma_wait3A_583 = tpu.memref_slice %arg10[%dma_wait3A_576, %dma_wait3A_577, %dma_wait3A_582] : memref<2x5x125xi32, #tpu.memory_space<vmem>> -> memref<1x1x125xi32, #tpu.memory_space<vmem>>
          %dma_wait3A_584 = tpu.memref_squeeze %dma_wait3A_583 : memref<1x1x125xi32, #tpu.memory_space<vmem>> -> memref<125xi32, #tpu.memory_space<vmem>>
          %dma_wait3A_585 = arith.constant 0 : i32
          %dma_wait3A_586 = arith.constant 0 : i32
          %dma_wait3A_587 = tpu.memref_slice %arg8[%dma_wait3A_585, %dma_wait3A_586] : memref<100000x16xf32, #tpu.memory_space<vmem_shared>> -> memref<100000x16xf32, #tpu.memory_space<vmem_shared>>
          tpu.wait_indirect_dma semaphore(%arg13 : memref<!tpu.dma_semaphore, #tpu.memory_space<semaphore_mem>>) src(%dma_wait3A_581 : memref<125x16xf32, #tpu.memory_space<vmem>>) dst(%dma_wait3A_587 : memref<100000x16xf32, #tpu.memory_space<vmem_shared>>)
          %dma_wait3A_588 = arith.constant 1 : i32
          %dma_wait3A_589 = arith.constant 1 : i32
          %dma_wait3A_590 = arith.constant 1 : i32
          %dma_wait3A_591 = arith.constant 125 : i32
          %dma_wait3A_592 = arith.constant 0 : i32
          %dma_wait3A_593 = tpu.memref_slice %arg11[%dma_wait3A_588, %dma_wait3A_591, %dma_wait3A_592] : memref<2x625x16xf32, #tpu.memory_space<vmem>> -> memref<1x125x16xf32, #tpu.memory_space<vmem>>
          %dma_wait3A_594 = tpu.memref_squeeze %dma_wait3A_593 : memref<1x125x16xf32, #tpu.memory_space<vmem>> -> memref<125x16xf32, #tpu.memory_space<vmem>>
          %dma_wait3A_595 = arith.constant 0 : i32
          %dma_wait3A_596 = tpu.memref_slice %arg10[%dma_wait3A_589, %dma_wait3A_590, %dma_wait3A_595] : memref<2x5x125xi32, #tpu.memory_space<vmem>> -> memref<1x1x125xi32, #tpu.memory_space<vmem>>
          %dma_wait3A_597 = tpu.memref_squeeze %dma_wait3A_596 : memref<1x1x125xi32, #tpu.memory_space<vmem>> -> memref<125xi32, #tpu.memory_space<vmem>>
          %dma_wait3A_598 = arith.constant 0 : i32
          %dma_wait3A_599 = arith.constant 0 : i32
          %dma_wait3A_600 = tpu.memref_slice %arg8[%dma_wait3A_598, %dma_wait3A_599] : memref<100000x16xf32, #tpu.memory_space<vmem_shared>> -> memref<100000x16xf32, #tpu.memory_space<vmem_shared>>
          tpu.wait_indirect_dma semaphore(%arg13 : memref<!tpu.dma_semaphore, #tpu.memory_space<semaphore_mem>>) src(%dma_wait3A_594 : memref<125x16xf32, #tpu.memory_space<vmem>>) dst(%dma_wait3A_600 : memref<100000x16xf32, #tpu.memory_space<vmem_shared>>)
          %dma_wait3A_601 = arith.constant 1 : i32
          %dma_wait3A_602 = arith.constant 1 : i32
          %dma_wait3A_603 = arith.constant 2 : i32
          %dma_wait3A_604 = arith.constant 250 : i32
          %dma_wait3A_605 = arith.constant 0 : i32
          %dma_wait3A_606 = tpu.memref_slice %arg11[%dma_wait3A_601, %dma_wait3A_604, %dma_wait3A_605] : memref<2x625x16xf32, #tpu.memory_space<vmem>> -> memref<1x125x16xf32, #tpu.memory_space<vmem>>
          %dma_wait3A_607 = tpu.memref_squeeze %dma_wait3A_606 : memref<1x125x16xf32, #tpu.memory_space<vmem>> -> memref<125x16xf32, #tpu.memory_space<vmem>>
          %dma_wait3A_608 = arith.constant 0 : i32
          %dma_wait3A_609 = tpu.memref_slice %arg10[%dma_wait3A_602, %dma_wait3A_603, %dma_wait3A_608] : memref<2x5x125xi32, #tpu.memory_space<vmem>> -> memref<1x1x125xi32, #tpu.memory_space<vmem>>
          %dma_wait3A_610 = tpu.memref_squeeze %dma_wait3A_609 : memref<1x1x125xi32, #tpu.memory_space<vmem>> -> memref<125xi32, #tpu.memory_space<vmem>>
          %dma_wait3A_611 = arith.constant 0 : i32
          %dma_wait3A_612 = arith.constant 0 : i32
          %dma_wait3A_613 = tpu.memref_slice %arg8[%dma_wait3A_611, %dma_wait3A_612] : memref<100000x16xf32, #tpu.memory_space<vmem_shared>> -> memref<100000x16xf32, #tpu.memory_space<vmem_shared>>
          tpu.wait_indirect_dma semaphore(%arg13 : memref<!tpu.dma_semaphore, #tpu.memory_space<semaphore_mem>>) src(%dma_wait3A_607 : memref<125x16xf32, #tpu.memory_space<vmem>>) dst(%dma_wait3A_613 : memref<100000x16xf32, #tpu.memory_space<vmem_shared>>)
          %dma_wait3A_614 = arith.constant 1 : i32
          %dma_wait3A_615 = arith.constant 1 : i32
          %dma_wait3A_616 = arith.constant 3 : i32
          %dma_wait3A_617 = arith.constant 375 : i32
          %dma_wait3A_618 = arith.constant 0 : i32
          %dma_wait3A_619 = tpu.memref_slice %arg11[%dma_wait3A_614, %dma_wait3A_617, %dma_wait3A_618] : memref<2x625x16xf32, #tpu.memory_space<vmem>> -> memref<1x125x16xf32, #tpu.memory_space<vmem>>
          %dma_wait3A_620 = tpu.memref_squeeze %dma_wait3A_619 : memref<1x125x16xf32, #tpu.memory_space<vmem>> -> memref<125x16xf32, #tpu.memory_space<vmem>>
          %dma_wait3A_621 = arith.constant 0 : i32
          %dma_wait3A_622 = tpu.memref_slice %arg10[%dma_wait3A_615, %dma_wait3A_616, %dma_wait3A_621] : memref<2x5x125xi32, #tpu.memory_space<vmem>> -> memref<1x1x125xi32, #tpu.memory_space<vmem>>
          %dma_wait3A_623 = tpu.memref_squeeze %dma_wait3A_622 : memref<1x1x125xi32, #tpu.memory_space<vmem>> -> memref<125xi32, #tpu.memory_space<vmem>>
          %dma_wait3A_624 = arith.constant 0 : i32
          %dma_wait3A_625 = arith.constant 0 : i32
          %dma_wait3A_626 = tpu.memref_slice %arg8[%dma_wait3A_624, %dma_wait3A_625] : memref<100000x16xf32, #tpu.memory_space<vmem_shared>> -> memref<100000x16xf32, #tpu.memory_space<vmem_shared>>
          tpu.wait_indirect_dma semaphore(%arg13 : memref<!tpu.dma_semaphore, #tpu.memory_space<semaphore_mem>>) src(%dma_wait3A_620 : memref<125x16xf32, #tpu.memory_space<vmem>>) dst(%dma_wait3A_626 : memref<100000x16xf32, #tpu.memory_space<vmem_shared>>)
          %dma_wait3A_627 = arith.constant 1 : i32
          %dma_wait3A_628 = arith.constant 1 : i32
          %dma_wait3A_629 = arith.constant 4 : i32
          %dma_wait3A_630 = arith.constant 500 : i32
          %dma_wait3A_631 = arith.constant 0 : i32
          %dma_wait3A_632 = tpu.memref_slice %arg11[%dma_wait3A_627, %dma_wait3A_630, %dma_wait3A_631] : memref<2x625x16xf32, #tpu.memory_space<vmem>> -> memref<1x125x16xf32, #tpu.memory_space<vmem>>
          %dma_wait3A_633 = tpu.memref_squeeze %dma_wait3A_632 : memref<1x125x16xf32, #tpu.memory_space<vmem>> -> memref<125x16xf32, #tpu.memory_space<vmem>>
          %dma_wait3A_634 = arith.constant 0 : i32
          %dma_wait3A_635 = tpu.memref_slice %arg10[%dma_wait3A_628, %dma_wait3A_629, %dma_wait3A_634] : memref<2x5x125xi32, #tpu.memory_space<vmem>> -> memref<1x1x125xi32, #tpu.memory_space<vmem>>
          %dma_wait3A_636 = tpu.memref_squeeze %dma_wait3A_635 : memref<1x1x125xi32, #tpu.memory_space<vmem>> -> memref<125xi32, #tpu.memory_space<vmem>>
          %dma_wait3A_637 = arith.constant 0 : i32
          %dma_wait3A_638 = arith.constant 0 : i32
          %dma_wait3A_639 = tpu.memref_slice %arg8[%dma_wait3A_637, %dma_wait3A_638] : memref<100000x16xf32, #tpu.memory_space<vmem_shared>> -> memref<100000x16xf32, #tpu.memory_space<vmem_shared>>
          tpu.wait_indirect_dma semaphore(%arg13 : memref<!tpu.dma_semaphore, #tpu.memory_space<semaphore_mem>>) src(%dma_wait3A_633 : memref<125x16xf32, #tpu.memory_space<vmem>>) dst(%dma_wait3A_639 : memref<100000x16xf32, #tpu.memory_space<vmem_shared>>)
        } else {
        }
        %add3A_165 = arith.constant 1 : i32
        %add3A_166 = arith.addi %mul3A_160, %add3A_165 : i32
        %mul3A_167 = arith.constant 5 : i32
        %mul3A_168 = arith.muli %add3A_166, %mul3A_167 : i32
        %add3A_169 = arith.addi %mul3A_17, %mul3A_168 : i32
        %run_scoped3A_170 = arith.constant 1 : i32
        "tpu.region"() ({
          %run_scoped3A_575 = tpu.sem_alloc : memref<!tpu.dma_semaphore, #tpu.memory_space<semaphore_mem>>
          %dma_start3A_576 = arith.constant 0 : i32
          %dma_start3A_577 = arith.constant 0 : i32
          %dma_start3A_578 = tpu.memref_slice %arg9[%run_scoped3A_170, %dma_start3A_576, %dma_start3A_577] : memref<2x5x125xi32, #tpu.memory_space<vmem>> -> memref<1x5x125xi32, #tpu.memory_space<vmem>>
          %dma_start3A_579 = tpu.memref_squeeze %dma_start3A_578 : memref<1x5x125xi32, #tpu.memory_space<vmem>> -> memref<5x125xi32, #tpu.memory_space<vmem>>
          %dma_start3A_580 = arith.constant 0 : i32
          %dma_start3A_581 = tpu.memref_slice %arg5[%add3A_169, %dma_start3A_580] : memref<12800x125xi32, #tpu.memory_space<hbm>> -> memref<5x125xi32, #tpu.memory_space<hbm>>
          %dma_start3A_582 = arith.constant 0 : i32
          %dma_start3A_583 = arith.constant 0 : i32
          %dma_start3A_584 = tpu.memref_slice %arg9[%run_scoped3A_170, %dma_start3A_582, %dma_start3A_583] : memref<2x5x125xi32, #tpu.memory_space<vmem>> -> memref<1x5x125xi32, #tpu.memory_space<vmem>>
          %dma_start3A_585 = tpu.memref_squeeze %dma_start3A_584 : memref<1x5x125xi32, #tpu.memory_space<vmem>> -> memref<5x125xi32, #tpu.memory_space<vmem>>
          %dma_start3A_586 = arith.constant 0 : i32
          %dma_start3A_587 = tpu.memref_slice %arg5[%add3A_169, %dma_start3A_586] : memref<12800x125xi32, #tpu.memory_space<hbm>> -> memref<5x125xi32, #tpu.memory_space<hbm>>
          tpu.enqueue_dma source(%dma_start3A_587 : memref<5x125xi32, #tpu.memory_space<hbm>>) target(%dma_start3A_585 : memref<5x125xi32, #tpu.memory_space<vmem>>) target_semaphore(%run_scoped3A_575 : memref<!tpu.dma_semaphore, #tpu.memory_space<semaphore_mem>>)
          %dma_wait3A_588 = arith.constant 0 : i32
          %dma_wait3A_589 = arith.constant 0 : i32
          %dma_wait3A_590 = tpu.memref_slice %arg9[%run_scoped3A_170, %dma_wait3A_588, %dma_wait3A_589] : memref<2x5x125xi32, #tpu.memory_space<vmem>> -> memref<1x5x125xi32, #tpu.memory_space<vmem>>
          %dma_wait3A_591 = tpu.memref_squeeze %dma_wait3A_590 : memref<1x5x125xi32, #tpu.memory_space<vmem>> -> memref<5x125xi32, #tpu.memory_space<vmem>>
          %dma_wait3A_592 = arith.constant 0 : i32
          %dma_wait3A_593 = tpu.memref_slice %arg5[%add3A_169, %dma_wait3A_592] : memref<12800x125xi32, #tpu.memory_space<hbm>> -> memref<5x125xi32, #tpu.memory_space<hbm>>
          %dma_wait3A_594 = arith.constant 0 : i32
          %dma_wait3A_595 = arith.constant 0 : i32
          %dma_wait3A_596 = tpu.memref_slice %arg9[%run_scoped3A_170, %dma_wait3A_594, %dma_wait3A_595] : memref<2x5x125xi32, #tpu.memory_space<vmem>> -> memref<1x5x125xi32, #tpu.memory_space<vmem>>
          %dma_wait3A_597 = tpu.memref_squeeze %dma_wait3A_596 : memref<1x5x125xi32, #tpu.memory_space<vmem>> -> memref<5x125xi32, #tpu.memory_space<vmem>>
          %dma_wait3A_598 = arith.constant 0 : i32
          %dma_wait3A_599 = tpu.memref_slice %arg5[%add3A_169, %dma_wait3A_598] : memref<12800x125xi32, #tpu.memory_space<hbm>> -> memref<5x125xi32, #tpu.memory_space<hbm>>
          tpu.wait_dma2 semaphore(%run_scoped3A_575 : memref<!tpu.dma_semaphore, #tpu.memory_space<semaphore_mem>>) src(%dma_wait3A_599 : memref<5x125xi32, #tpu.memory_space<hbm>>) dst(%dma_wait3A_597 : memref<5x125xi32, #tpu.memory_space<vmem>>)
          tpu.yield
        }) : () -> ()
        %mul3A_171 = arith.constant 5 : i32
        %mul3A_172 = arith.muli %add3A_166, %mul3A_171 : i32
        %add3A_173 = arith.addi %mul3A_17, %mul3A_172 : i32
        %run_scoped3A_174 = arith.constant 1 : i32
        "tpu.region"() ({
          %run_scoped3A_575 = tpu.sem_alloc : memref<!tpu.dma_semaphore, #tpu.memory_space<semaphore_mem>>
          %dma_start3A_576 = arith.constant 0 : i32
          %dma_start3A_577 = arith.constant 0 : i32
          %dma_start3A_578 = tpu.memref_slice %arg10[%run_scoped3A_174, %dma_start3A_576, %dma_start3A_577] : memref<2x5x125xi32, #tpu.memory_space<vmem>> -> memref<1x5x125xi32, #tpu.memory_space<vmem>>
          %dma_start3A_579 = tpu.memref_squeeze %dma_start3A_578 : memref<1x5x125xi32, #tpu.memory_space<vmem>> -> memref<5x125xi32, #tpu.memory_space<vmem>>
          %dma_start3A_580 = arith.constant 0 : i32
          %dma_start3A_581 = tpu.memref_slice %arg4[%add3A_173, %dma_start3A_580] : memref<12800x125xi32, #tpu.memory_space<hbm>> -> memref<5x125xi32, #tpu.memory_space<hbm>>
          %dma_start3A_582 = arith.constant 0 : i32
          %dma_start3A_583 = arith.constant 0 : i32
          %dma_start3A_584 = tpu.memref_slice %arg10[%run_scoped3A_174, %dma_start3A_582, %dma_start3A_583] : memref<2x5x125xi32, #tpu.memory_space<vmem>> -> memref<1x5x125xi32, #tpu.memory_space<vmem>>
          %dma_start3A_585 = tpu.memref_squeeze %dma_start3A_584 : memref<1x5x125xi32, #tpu.memory_space<vmem>> -> memref<5x125xi32, #tpu.memory_space<vmem>>
          %dma_start3A_586 = arith.constant 0 : i32
          %dma_start3A_587 = tpu.memref_slice %arg4[%add3A_173, %dma_start3A_586] : memref<12800x125xi32, #tpu.memory_space<hbm>> -> memref<5x125xi32, #tpu.memory_space<hbm>>
          tpu.enqueue_dma source(%dma_start3A_587 : memref<5x125xi32, #tpu.memory_space<hbm>>) target(%dma_start3A_585 : memref<5x125xi32, #tpu.memory_space<vmem>>) target_semaphore(%run_scoped3A_575 : memref<!tpu.dma_semaphore, #tpu.memory_space<semaphore_mem>>)
          %dma_wait3A_588 = arith.constant 0 : i32
          %dma_wait3A_589 = arith.constant 0 : i32
          %dma_wait3A_590 = tpu.memref_slice %arg10[%run_scoped3A_174, %dma_wait3A_588, %dma_wait3A_589] : memref<2x5x125xi32, #tpu.memory_space<vmem>> -> memref<1x5x125xi32, #tpu.memory_space<vmem>>
          %dma_wait3A_591 = tpu.memref_squeeze %dma_wait3A_590 : memref<1x5x125xi32, #tpu.memory_space<vmem>> -> memref<5x125xi32, #tpu.memory_space<vmem>>
          %dma_wait3A_592 = arith.constant 0 : i32
          %dma_wait3A_593 = tpu.memref_slice %arg4[%add3A_173, %dma_wait3A_592] : memref<12800x125xi32, #tpu.memory_space<hbm>> -> memref<5x125xi32, #tpu.memory_space<hbm>>
          %dma_wait3A_594 = arith.constant 0 : i32
          %dma_wait3A_595 = arith.constant 0 : i32
          %dma_wait3A_596 = tpu.memref_slice %arg10[%run_scoped3A_174, %dma_wait3A_594, %dma_wait3A_595] : memref<2x5x125xi32, #tpu.memory_space<vmem>> -> memref<1x5x125xi32, #tpu.memory_space<vmem>>
          %dma_wait3A_597 = tpu.memref_squeeze %dma_wait3A_596 : memref<1x5x125xi32, #tpu.memory_space<vmem>> -> memref<5x125xi32, #tpu.memory_space<vmem>>
          %dma_wait3A_598 = arith.constant 0 : i32
          %dma_wait3A_599 = tpu.memref_slice %arg4[%add3A_173, %dma_wait3A_598] : memref<12800x125xi32, #tpu.memory_space<hbm>> -> memref<5x125xi32, #tpu.memory_space<hbm>>
          tpu.wait_dma2 semaphore(%run_scoped3A_575 : memref<!tpu.dma_semaphore, #tpu.memory_space<semaphore_mem>>) src(%dma_wait3A_599 : memref<5x125xi32, #tpu.memory_space<hbm>>) dst(%dma_wait3A_597 : memref<5x125xi32, #tpu.memory_space<vmem>>)
          tpu.yield
        }) : () -> ()
        %dma_wait3A_175 = arith.constant 0 : i32
        %dma_wait3A_176 = arith.constant 0 : i32
        %dma_wait3A_177 = arith.constant 0 : i32
        %dma_wait3A_178 = arith.constant 0 : i32
        %dma_wait3A_179 = arith.constant 0 : i32
        %dma_wait3A_180 = tpu.memref_slice %arg11[%dma_wait3A_177, %dma_wait3A_178, %dma_wait3A_179] : memref<2x625x16xf32, #tpu.memory_space<vmem>> -> memref<1x125x16xf32, #tpu.memory_space<vmem>>
        %dma_wait3A_181 = tpu.memref_squeeze %dma_wait3A_180 : memref<1x125x16xf32, #tpu.memory_space<vmem>> -> memref<125x16xf32, #tpu.memory_space<vmem>>
        %dma_wait3A_182 = arith.constant 0 : i32
        %dma_wait3A_183 = tpu.memref_slice %arg9[%dma_wait3A_175, %dma_wait3A_176, %dma_wait3A_182] : memref<2x5x125xi32, #tpu.memory_space<vmem>> -> memref<1x1x125xi32, #tpu.memory_space<vmem>>
        %dma_wait3A_184 = tpu.memref_squeeze %dma_wait3A_183 : memref<1x1x125xi32, #tpu.memory_space<vmem>> -> memref<125xi32, #tpu.memory_space<vmem>>
        %dma_wait3A_185 = arith.constant 0 : i32
        %dma_wait3A_186 = arith.constant 0 : i32
        %dma_wait3A_187 = tpu.memref_slice %arg3[%dma_wait3A_185, %dma_wait3A_186] : memref<100000x16xf32, #tpu.memory_space<hbm>> -> memref<100000x16xf32, #tpu.memory_space<hbm>>
        tpu.wait_indirect_dma semaphore(%arg12 : memref<!tpu.dma_semaphore, #tpu.memory_space<semaphore_mem>>) src(%dma_wait3A_187 : memref<100000x16xf32, #tpu.memory_space<hbm>>) dst(%dma_wait3A_181 : memref<125x16xf32, #tpu.memory_space<vmem>>)
        %dma_wait3A_188 = arith.constant 0 : i32
        %dma_wait3A_189 = arith.constant 1 : i32
        %dma_wait3A_190 = arith.constant 0 : i32
        %dma_wait3A_191 = arith.constant 125 : i32
        %dma_wait3A_192 = arith.constant 0 : i32
        %dma_wait3A_193 = tpu.memref_slice %arg11[%dma_wait3A_190, %dma_wait3A_191, %dma_wait3A_192] : memref<2x625x16xf32, #tpu.memory_space<vmem>> -> memref<1x125x16xf32, #tpu.memory_space<vmem>>
        %dma_wait3A_194 = tpu.memref_squeeze %dma_wait3A_193 : memref<1x125x16xf32, #tpu.memory_space<vmem>> -> memref<125x16xf32, #tpu.memory_space<vmem>>
        %dma_wait3A_195 = arith.constant 0 : i32
        %dma_wait3A_196 = tpu.memref_slice %arg9[%dma_wait3A_188, %dma_wait3A_189, %dma_wait3A_195] : memref<2x5x125xi32, #tpu.memory_space<vmem>> -> memref<1x1x125xi32, #tpu.memory_space<vmem>>
        %dma_wait3A_197 = tpu.memref_squeeze %dma_wait3A_196 : memref<1x1x125xi32, #tpu.memory_space<vmem>> -> memref<125xi32, #tpu.memory_space<vmem>>
        %dma_wait3A_198 = arith.constant 0 : i32
        %dma_wait3A_199 = arith.constant 0 : i32
        %dma_wait3A_200 = tpu.memref_slice %arg3[%dma_wait3A_198, %dma_wait3A_199] : memref<100000x16xf32, #tpu.memory_space<hbm>> -> memref<100000x16xf32, #tpu.memory_space<hbm>>
        tpu.wait_indirect_dma semaphore(%arg12 : memref<!tpu.dma_semaphore, #tpu.memory_space<semaphore_mem>>) src(%dma_wait3A_200 : memref<100000x16xf32, #tpu.memory_space<hbm>>) dst(%dma_wait3A_194 : memref<125x16xf32, #tpu.memory_space<vmem>>)
        %dma_wait3A_201 = arith.constant 0 : i32
        %dma_wait3A_202 = arith.constant 2 : i32
        %dma_wait3A_203 = arith.constant 0 : i32
        %dma_wait3A_204 = arith.constant 250 : i32
        %dma_wait3A_205 = arith.constant 0 : i32
        %dma_wait3A_206 = tpu.memref_slice %arg11[%dma_wait3A_203, %dma_wait3A_204, %dma_wait3A_205] : memref<2x625x16xf32, #tpu.memory_space<vmem>> -> memref<1x125x16xf32, #tpu.memory_space<vmem>>
        %dma_wait3A_207 = tpu.memref_squeeze %dma_wait3A_206 : memref<1x125x16xf32, #tpu.memory_space<vmem>> -> memref<125x16xf32, #tpu.memory_space<vmem>>
        %dma_wait3A_208 = arith.constant 0 : i32
        %dma_wait3A_209 = tpu.memref_slice %arg9[%dma_wait3A_201, %dma_wait3A_202, %dma_wait3A_208] : memref<2x5x125xi32, #tpu.memory_space<vmem>> -> memref<1x1x125xi32, #tpu.memory_space<vmem>>
        %dma_wait3A_210 = tpu.memref_squeeze %dma_wait3A_209 : memref<1x1x125xi32, #tpu.memory_space<vmem>> -> memref<125xi32, #tpu.memory_space<vmem>>
        %dma_wait3A_211 = arith.constant 0 : i32
        %dma_wait3A_212 = arith.constant 0 : i32
        %dma_wait3A_213 = tpu.memref_slice %arg3[%dma_wait3A_211, %dma_wait3A_212] : memref<100000x16xf32, #tpu.memory_space<hbm>> -> memref<100000x16xf32, #tpu.memory_space<hbm>>
        tpu.wait_indirect_dma semaphore(%arg12 : memref<!tpu.dma_semaphore, #tpu.memory_space<semaphore_mem>>) src(%dma_wait3A_213 : memref<100000x16xf32, #tpu.memory_space<hbm>>) dst(%dma_wait3A_207 : memref<125x16xf32, #tpu.memory_space<vmem>>)
        %dma_wait3A_214 = arith.constant 0 : i32
        %dma_wait3A_215 = arith.constant 3 : i32
        %dma_wait3A_216 = arith.constant 0 : i32
        %dma_wait3A_217 = arith.constant 375 : i32
        %dma_wait3A_218 = arith.constant 0 : i32
        %dma_wait3A_219 = tpu.memref_slice %arg11[%dma_wait3A_216, %dma_wait3A_217, %dma_wait3A_218] : memref<2x625x16xf32, #tpu.memory_space<vmem>> -> memref<1x125x16xf32, #tpu.memory_space<vmem>>
        %dma_wait3A_220 = tpu.memref_squeeze %dma_wait3A_219 : memref<1x125x16xf32, #tpu.memory_space<vmem>> -> memref<125x16xf32, #tpu.memory_space<vmem>>
        %dma_wait3A_221 = arith.constant 0 : i32
        %dma_wait3A_222 = tpu.memref_slice %arg9[%dma_wait3A_214, %dma_wait3A_215, %dma_wait3A_221] : memref<2x5x125xi32, #tpu.memory_space<vmem>> -> memref<1x1x125xi32, #tpu.memory_space<vmem>>
        %dma_wait3A_223 = tpu.memref_squeeze %dma_wait3A_222 : memref<1x1x125xi32, #tpu.memory_space<vmem>> -> memref<125xi32, #tpu.memory_space<vmem>>
        %dma_wait3A_224 = arith.constant 0 : i32
        %dma_wait3A_225 = arith.constant 0 : i32
        %dma_wait3A_226 = tpu.memref_slice %arg3[%dma_wait3A_224, %dma_wait3A_225] : memref<100000x16xf32, #tpu.memory_space<hbm>> -> memref<100000x16xf32, #tpu.memory_space<hbm>>
        tpu.wait_indirect_dma semaphore(%arg12 : memref<!tpu.dma_semaphore, #tpu.memory_space<semaphore_mem>>) src(%dma_wait3A_226 : memref<100000x16xf32, #tpu.memory_space<hbm>>) dst(%dma_wait3A_220 : memref<125x16xf32, #tpu.memory_space<vmem>>)
        %dma_wait3A_227 = arith.constant 0 : i32
        %dma_wait3A_228 = arith.constant 4 : i32
        %dma_wait3A_229 = arith.constant 0 : i32
        %dma_wait3A_230 = arith.constant 500 : i32
        %dma_wait3A_231 = arith.constant 0 : i32
        %dma_wait3A_232 = tpu.memref_slice %arg11[%dma_wait3A_229, %dma_wait3A_230, %dma_wait3A_231] : memref<2x625x16xf32, #tpu.memory_space<vmem>> -> memref<1x125x16xf32, #tpu.memory_space<vmem>>
        %dma_wait3A_233 = tpu.memref_squeeze %dma_wait3A_232 : memref<1x125x16xf32, #tpu.memory_space<vmem>> -> memref<125x16xf32, #tpu.memory_space<vmem>>
        %dma_wait3A_234 = arith.constant 0 : i32
        %dma_wait3A_235 = tpu.memref_slice %arg9[%dma_wait3A_227, %dma_wait3A_228, %dma_wait3A_234] : memref<2x5x125xi32, #tpu.memory_space<vmem>> -> memref<1x1x125xi32, #tpu.memory_space<vmem>>
        %dma_wait3A_236 = tpu.memref_squeeze %dma_wait3A_235 : memref<1x1x125xi32, #tpu.memory_space<vmem>> -> memref<125xi32, #tpu.memory_space<vmem>>
        %dma_wait3A_237 = arith.constant 0 : i32
        %dma_wait3A_238 = arith.constant 0 : i32
        %dma_wait3A_239 = tpu.memref_slice %arg3[%dma_wait3A_237, %dma_wait3A_238] : memref<100000x16xf32, #tpu.memory_space<hbm>> -> memref<100000x16xf32, #tpu.memory_space<hbm>>
        tpu.wait_indirect_dma semaphore(%arg12 : memref<!tpu.dma_semaphore, #tpu.memory_space<semaphore_mem>>) src(%dma_wait3A_239 : memref<100000x16xf32, #tpu.memory_space<hbm>>) dst(%dma_wait3A_233 : memref<125x16xf32, #tpu.memory_space<vmem>>)
        %dma_start3A_240 = arith.constant 1 : i32
        %dma_start3A_241 = arith.constant 0 : i32
        %dma_start3A_242 = arith.constant 1 : i32
        %dma_start3A_243 = arith.constant 0 : i32
        %dma_start3A_244 = arith.constant 0 : i32
        %dma_start3A_245 = tpu.memref_slice %arg11[%dma_start3A_242, %dma_start3A_243, %dma_start3A_244] : memref<2x625x16xf32, #tpu.memory_space<vmem>> -> memref<1x125x16xf32, #tpu.memory_space<vmem>>
        %dma_start3A_246 = tpu.memref_squeeze %dma_start3A_245 : memref<1x125x16xf32, #tpu.memory_space<vmem>> -> memref<125x16xf32, #tpu.memory_space<vmem>>
        %dma_start3A_247 = arith.constant 0 : i32
        %dma_start3A_248 = tpu.memref_slice %arg9[%dma_start3A_240, %dma_start3A_241, %dma_start3A_247] : memref<2x5x125xi32, #tpu.memory_space<vmem>> -> memref<1x1x125xi32, #tpu.memory_space<vmem>>
        %dma_start3A_249 = tpu.memref_squeeze %dma_start3A_248 : memref<1x1x125xi32, #tpu.memory_space<vmem>> -> memref<125xi32, #tpu.memory_space<vmem>>
        %dma_start3A_250 = arith.constant 0 : i32
        %dma_start3A_251 = arith.constant 0 : i32
        %dma_start3A_252 = tpu.memref_slice %arg3[%dma_start3A_250, %dma_start3A_251] : memref<100000x16xf32, #tpu.memory_space<hbm>> -> memref<100000x16xf32, #tpu.memory_space<hbm>>
        tpu.enqueue_indirect_dma source(%dma_start3A_252 : memref<100000x16xf32, #tpu.memory_space<hbm>>) target(%dma_start3A_246 : memref<125x16xf32, #tpu.memory_space<vmem>>) offsets(%dma_start3A_249 : memref<125xi32, #tpu.memory_space<vmem>>) semaphore(%arg12 : memref<!tpu.dma_semaphore, #tpu.memory_space<semaphore_mem>>)
        %dma_start3A_253 = arith.constant 1 : i32
        %dma_start3A_254 = arith.constant 1 : i32
        %dma_start3A_255 = arith.constant 1 : i32
        %dma_start3A_256 = arith.constant 125 : i32
        %dma_start3A_257 = arith.constant 0 : i32
        %dma_start3A_258 = tpu.memref_slice %arg11[%dma_start3A_255, %dma_start3A_256, %dma_start3A_257] : memref<2x625x16xf32, #tpu.memory_space<vmem>> -> memref<1x125x16xf32, #tpu.memory_space<vmem>>
        %dma_start3A_259 = tpu.memref_squeeze %dma_start3A_258 : memref<1x125x16xf32, #tpu.memory_space<vmem>> -> memref<125x16xf32, #tpu.memory_space<vmem>>
        %dma_start3A_260 = arith.constant 0 : i32
        %dma_start3A_261 = tpu.memref_slice %arg9[%dma_start3A_253, %dma_start3A_254, %dma_start3A_260] : memref<2x5x125xi32, #tpu.memory_space<vmem>> -> memref<1x1x125xi32, #tpu.memory_space<vmem>>
        %dma_start3A_262 = tpu.memref_squeeze %dma_start3A_261 : memref<1x1x125xi32, #tpu.memory_space<vmem>> -> memref<125xi32, #tpu.memory_space<vmem>>
        %dma_start3A_263 = arith.constant 0 : i32
        %dma_start3A_264 = arith.constant 0 : i32
        %dma_start3A_265 = tpu.memref_slice %arg3[%dma_start3A_263, %dma_start3A_264] : memref<100000x16xf32, #tpu.memory_space<hbm>> -> memref<100000x16xf32, #tpu.memory_space<hbm>>
        tpu.enqueue_indirect_dma source(%dma_start3A_265 : memref<100000x16xf32, #tpu.memory_space<hbm>>) target(%dma_start3A_259 : memref<125x16xf32, #tpu.memory_space<vmem>>) offsets(%dma_start3A_262 : memref<125xi32, #tpu.memory_space<vmem>>) semaphore(%arg12 : memref<!tpu.dma_semaphore, #tpu.memory_space<semaphore_mem>>)
        %dma_start3A_266 = arith.constant 1 : i32
        %dma_start3A_267 = arith.constant 2 : i32
        %dma_start3A_268 = arith.constant 1 : i32
        %dma_start3A_269 = arith.constant 250 : i32
        %dma_start3A_270 = arith.constant 0 : i32
        %dma_start3A_271 = tpu.memref_slice %arg11[%dma_start3A_268, %dma_start3A_269, %dma_start3A_270] : memref<2x625x16xf32, #tpu.memory_space<vmem>> -> memref<1x125x16xf32, #tpu.memory_space<vmem>>
        %dma_start3A_272 = tpu.memref_squeeze %dma_start3A_271 : memref<1x125x16xf32, #tpu.memory_space<vmem>> -> memref<125x16xf32, #tpu.memory_space<vmem>>
        %dma_start3A_273 = arith.constant 0 : i32
        %dma_start3A_274 = tpu.memref_slice %arg9[%dma_start3A_266, %dma_start3A_267, %dma_start3A_273] : memref<2x5x125xi32, #tpu.memory_space<vmem>> -> memref<1x1x125xi32, #tpu.memory_space<vmem>>
        %dma_start3A_275 = tpu.memref_squeeze %dma_start3A_274 : memref<1x1x125xi32, #tpu.memory_space<vmem>> -> memref<125xi32, #tpu.memory_space<vmem>>
        %dma_start3A_276 = arith.constant 0 : i32
        %dma_start3A_277 = arith.constant 0 : i32
        %dma_start3A_278 = tpu.memref_slice %arg3[%dma_start3A_276, %dma_start3A_277] : memref<100000x16xf32, #tpu.memory_space<hbm>> -> memref<100000x16xf32, #tpu.memory_space<hbm>>
        tpu.enqueue_indirect_dma source(%dma_start3A_278 : memref<100000x16xf32, #tpu.memory_space<hbm>>) target(%dma_start3A_272 : memref<125x16xf32, #tpu.memory_space<vmem>>) offsets(%dma_start3A_275 : memref<125xi32, #tpu.memory_space<vmem>>) semaphore(%arg12 : memref<!tpu.dma_semaphore, #tpu.memory_space<semaphore_mem>>)
        %dma_start3A_279 = arith.constant 1 : i32
        %dma_start3A_280 = arith.constant 3 : i32
        %dma_start3A_281 = arith.constant 1 : i32
        %dma_start3A_282 = arith.constant 375 : i32
        %dma_start3A_283 = arith.constant 0 : i32
        %dma_start3A_284 = tpu.memref_slice %arg11[%dma_start3A_281, %dma_start3A_282, %dma_start3A_283] : memref<2x625x16xf32, #tpu.memory_space<vmem>> -> memref<1x125x16xf32, #tpu.memory_space<vmem>>
        %dma_start3A_285 = tpu.memref_squeeze %dma_start3A_284 : memref<1x125x16xf32, #tpu.memory_space<vmem>> -> memref<125x16xf32, #tpu.memory_space<vmem>>
        %dma_start3A_286 = arith.constant 0 : i32
        %dma_start3A_287 = tpu.memref_slice %arg9[%dma_start3A_279, %dma_start3A_280, %dma_start3A_286] : memref<2x5x125xi32, #tpu.memory_space<vmem>> -> memref<1x1x125xi32, #tpu.memory_space<vmem>>
        %dma_start3A_288 = tpu.memref_squeeze %dma_start3A_287 : memref<1x1x125xi32, #tpu.memory_space<vmem>> -> memref<125xi32, #tpu.memory_space<vmem>>
        %dma_start3A_289 = arith.constant 0 : i32
        %dma_start3A_290 = arith.constant 0 : i32
        %dma_start3A_291 = tpu.memref_slice %arg3[%dma_start3A_289, %dma_start3A_290] : memref<100000x16xf32, #tpu.memory_space<hbm>> -> memref<100000x16xf32, #tpu.memory_space<hbm>>
        tpu.enqueue_indirect_dma source(%dma_start3A_291 : memref<100000x16xf32, #tpu.memory_space<hbm>>) target(%dma_start3A_285 : memref<125x16xf32, #tpu.memory_space<vmem>>) offsets(%dma_start3A_288 : memref<125xi32, #tpu.memory_space<vmem>>) semaphore(%arg12 : memref<!tpu.dma_semaphore, #tpu.memory_space<semaphore_mem>>)
        %dma_start3A_292 = arith.constant 1 : i32
        %dma_start3A_293 = arith.constant 4 : i32
        %dma_start3A_294 = arith.constant 1 : i32
        %dma_start3A_295 = arith.constant 500 : i32
        %dma_start3A_296 = arith.constant 0 : i32
        %dma_start3A_297 = tpu.memref_slice %arg11[%dma_start3A_294, %dma_start3A_295, %dma_start3A_296] : memref<2x625x16xf32, #tpu.memory_space<vmem>> -> memref<1x125x16xf32, #tpu.memory_space<vmem>>
        %dma_start3A_298 = tpu.memref_squeeze %dma_start3A_297 : memref<1x125x16xf32, #tpu.memory_space<vmem>> -> memref<125x16xf32, #tpu.memory_space<vmem>>
        %dma_start3A_299 = arith.constant 0 : i32
        %dma_start3A_300 = tpu.memref_slice %arg9[%dma_start3A_292, %dma_start3A_293, %dma_start3A_299] : memref<2x5x125xi32, #tpu.memory_space<vmem>> -> memref<1x1x125xi32, #tpu.memory_space<vmem>>
        %dma_start3A_301 = tpu.memref_squeeze %dma_start3A_300 : memref<1x1x125xi32, #tpu.memory_space<vmem>> -> memref<125xi32, #tpu.memory_space<vmem>>
        %dma_start3A_302 = arith.constant 0 : i32
        %dma_start3A_303 = arith.constant 0 : i32
        %dma_start3A_304 = tpu.memref_slice %arg3[%dma_start3A_302, %dma_start3A_303] : memref<100000x16xf32, #tpu.memory_space<hbm>> -> memref<100000x16xf32, #tpu.memory_space<hbm>>
        tpu.enqueue_indirect_dma source(%dma_start3A_304 : memref<100000x16xf32, #tpu.memory_space<hbm>>) target(%dma_start3A_298 : memref<125x16xf32, #tpu.memory_space<vmem>>) offsets(%dma_start3A_301 : memref<125xi32, #tpu.memory_space<vmem>>) semaphore(%arg12 : memref<!tpu.dma_semaphore, #tpu.memory_space<semaphore_mem>>)
        %dma_start3A_305 = arith.constant 0 : i32
        %dma_start3A_306 = arith.constant 0 : i32
        %dma_start3A_307 = arith.constant 0 : i32
        %dma_start3A_308 = arith.constant 0 : i32
        %dma_start3A_309 = arith.constant 0 : i32
        %dma_start3A_310 = tpu.memref_slice %arg11[%dma_start3A_305, %dma_start3A_308, %dma_start3A_309] : memref<2x625x16xf32, #tpu.memory_space<vmem>> -> memref<1x125x16xf32, #tpu.memory_space<vmem>>
        %dma_start3A_311 = tpu.memref_squeeze %dma_start3A_310 : memref<1x125x16xf32, #tpu.memory_space<vmem>> -> memref<125x16xf32, #tpu.memory_space<vmem>>
        %dma_start3A_312 = arith.constant 0 : i32
        %dma_start3A_313 = tpu.memref_slice %arg10[%dma_start3A_306, %dma_start3A_307, %dma_start3A_312] : memref<2x5x125xi32, #tpu.memory_space<vmem>> -> memref<1x1x125xi32, #tpu.memory_space<vmem>>
        %dma_start3A_314 = tpu.memref_squeeze %dma_start3A_313 : memref<1x1x125xi32, #tpu.memory_space<vmem>> -> memref<125xi32, #tpu.memory_space<vmem>>
        %dma_start3A_315 = arith.constant 0 : i32
        %dma_start3A_316 = arith.constant 0 : i32
        %dma_start3A_317 = tpu.memref_slice %arg8[%dma_start3A_315, %dma_start3A_316] : memref<100000x16xf32, #tpu.memory_space<vmem_shared>> -> memref<100000x16xf32, #tpu.memory_space<vmem_shared>>
        tpu.enqueue_indirect_dma source(%dma_start3A_311 : memref<125x16xf32, #tpu.memory_space<vmem>>) target(%dma_start3A_317 : memref<100000x16xf32, #tpu.memory_space<vmem_shared>>) offsets(%dma_start3A_314 : memref<125xi32, #tpu.memory_space<vmem>>) semaphore(%arg13 : memref<!tpu.dma_semaphore, #tpu.memory_space<semaphore_mem>>) {add = true}
        %dma_start3A_318 = arith.constant 0 : i32
        %dma_start3A_319 = arith.constant 0 : i32
        %dma_start3A_320 = arith.constant 1 : i32
        %dma_start3A_321 = arith.constant 125 : i32
        %dma_start3A_322 = arith.constant 0 : i32
        %dma_start3A_323 = tpu.memref_slice %arg11[%dma_start3A_318, %dma_start3A_321, %dma_start3A_322] : memref<2x625x16xf32, #tpu.memory_space<vmem>> -> memref<1x125x16xf32, #tpu.memory_space<vmem>>
        %dma_start3A_324 = tpu.memref_squeeze %dma_start3A_323 : memref<1x125x16xf32, #tpu.memory_space<vmem>> -> memref<125x16xf32, #tpu.memory_space<vmem>>
        %dma_start3A_325 = arith.constant 0 : i32
        %dma_start3A_326 = tpu.memref_slice %arg10[%dma_start3A_319, %dma_start3A_320, %dma_start3A_325] : memref<2x5x125xi32, #tpu.memory_space<vmem>> -> memref<1x1x125xi32, #tpu.memory_space<vmem>>
        %dma_start3A_327 = tpu.memref_squeeze %dma_start3A_326 : memref<1x1x125xi32, #tpu.memory_space<vmem>> -> memref<125xi32, #tpu.memory_space<vmem>>
        %dma_start3A_328 = arith.constant 0 : i32
        %dma_start3A_329 = arith.constant 0 : i32
        %dma_start3A_330 = tpu.memref_slice %arg8[%dma_start3A_328, %dma_start3A_329] : memref<100000x16xf32, #tpu.memory_space<vmem_shared>> -> memref<100000x16xf32, #tpu.memory_space<vmem_shared>>
        tpu.enqueue_indirect_dma source(%dma_start3A_324 : memref<125x16xf32, #tpu.memory_space<vmem>>) target(%dma_start3A_330 : memref<100000x16xf32, #tpu.memory_space<vmem_shared>>) offsets(%dma_start3A_327 : memref<125xi32, #tpu.memory_space<vmem>>) semaphore(%arg13 : memref<!tpu.dma_semaphore, #tpu.memory_space<semaphore_mem>>) {add = true}
        %dma_start3A_331 = arith.constant 0 : i32
        %dma_start3A_332 = arith.constant 0 : i32
        %dma_start3A_333 = arith.constant 2 : i32
        %dma_start3A_334 = arith.constant 250 : i32
        %dma_start3A_335 = arith.constant 0 : i32
        %dma_start3A_336 = tpu.memref_slice %arg11[%dma_start3A_331, %dma_start3A_334, %dma_start3A_335] : memref<2x625x16xf32, #tpu.memory_space<vmem>> -> memref<1x125x16xf32, #tpu.memory_space<vmem>>
        %dma_start3A_337 = tpu.memref_squeeze %dma_start3A_336 : memref<1x125x16xf32, #tpu.memory_space<vmem>> -> memref<125x16xf32, #tpu.memory_space<vmem>>
        %dma_start3A_338 = arith.constant 0 : i32
        %dma_start3A_339 = tpu.memref_slice %arg10[%dma_start3A_332, %dma_start3A_333, %dma_start3A_338] : memref<2x5x125xi32, #tpu.memory_space<vmem>> -> memref<1x1x125xi32, #tpu.memory_space<vmem>>
        %dma_start3A_340 = tpu.memref_squeeze %dma_start3A_339 : memref<1x1x125xi32, #tpu.memory_space<vmem>> -> memref<125xi32, #tpu.memory_space<vmem>>
        %dma_start3A_341 = arith.constant 0 : i32
        %dma_start3A_342 = arith.constant 0 : i32
        %dma_start3A_343 = tpu.memref_slice %arg8[%dma_start3A_341, %dma_start3A_342] : memref<100000x16xf32, #tpu.memory_space<vmem_shared>> -> memref<100000x16xf32, #tpu.memory_space<vmem_shared>>
        tpu.enqueue_indirect_dma source(%dma_start3A_337 : memref<125x16xf32, #tpu.memory_space<vmem>>) target(%dma_start3A_343 : memref<100000x16xf32, #tpu.memory_space<vmem_shared>>) offsets(%dma_start3A_340 : memref<125xi32, #tpu.memory_space<vmem>>) semaphore(%arg13 : memref<!tpu.dma_semaphore, #tpu.memory_space<semaphore_mem>>) {add = true}
        %dma_start3A_344 = arith.constant 0 : i32
        %dma_start3A_345 = arith.constant 0 : i32
        %dma_start3A_346 = arith.constant 3 : i32
        %dma_start3A_347 = arith.constant 375 : i32
        %dma_start3A_348 = arith.constant 0 : i32
        %dma_start3A_349 = tpu.memref_slice %arg11[%dma_start3A_344, %dma_start3A_347, %dma_start3A_348] : memref<2x625x16xf32, #tpu.memory_space<vmem>> -> memref<1x125x16xf32, #tpu.memory_space<vmem>>
        %dma_start3A_350 = tpu.memref_squeeze %dma_start3A_349 : memref<1x125x16xf32, #tpu.memory_space<vmem>> -> memref<125x16xf32, #tpu.memory_space<vmem>>
        %dma_start3A_351 = arith.constant 0 : i32
        %dma_start3A_352 = tpu.memref_slice %arg10[%dma_start3A_345, %dma_start3A_346, %dma_start3A_351] : memref<2x5x125xi32, #tpu.memory_space<vmem>> -> memref<1x1x125xi32, #tpu.memory_space<vmem>>
        %dma_start3A_353 = tpu.memref_squeeze %dma_start3A_352 : memref<1x1x125xi32, #tpu.memory_space<vmem>> -> memref<125xi32, #tpu.memory_space<vmem>>
        %dma_start3A_354 = arith.constant 0 : i32
        %dma_start3A_355 = arith.constant 0 : i32
        %dma_start3A_356 = tpu.memref_slice %arg8[%dma_start3A_354, %dma_start3A_355] : memref<100000x16xf32, #tpu.memory_space<vmem_shared>> -> memref<100000x16xf32, #tpu.memory_space<vmem_shared>>
        tpu.enqueue_indirect_dma source(%dma_start3A_350 : memref<125x16xf32, #tpu.memory_space<vmem>>) target(%dma_start3A_356 : memref<100000x16xf32, #tpu.memory_space<vmem_shared>>) offsets(%dma_start3A_353 : memref<125xi32, #tpu.memory_space<vmem>>) semaphore(%arg13 : memref<!tpu.dma_semaphore, #tpu.memory_space<semaphore_mem>>) {add = true}
        %dma_start3A_357 = arith.constant 0 : i32
        %dma_start3A_358 = arith.constant 0 : i32
        %dma_start3A_359 = arith.constant 4 : i32
        %dma_start3A_360 = arith.constant 500 : i32
        %dma_start3A_361 = arith.constant 0 : i32
        %dma_start3A_362 = tpu.memref_slice %arg11[%dma_start3A_357, %dma_start3A_360, %dma_start3A_361] : memref<2x625x16xf32, #tpu.memory_space<vmem>> -> memref<1x125x16xf32, #tpu.memory_space<vmem>>
        %dma_start3A_363 = tpu.memref_squeeze %dma_start3A_362 : memref<1x125x16xf32, #tpu.memory_space<vmem>> -> memref<125x16xf32, #tpu.memory_space<vmem>>
        %dma_start3A_364 = arith.constant 0 : i32
        %dma_start3A_365 = tpu.memref_slice %arg10[%dma_start3A_358, %dma_start3A_359, %dma_start3A_364] : memref<2x5x125xi32, #tpu.memory_space<vmem>> -> memref<1x1x125xi32, #tpu.memory_space<vmem>>
        %dma_start3A_366 = tpu.memref_squeeze %dma_start3A_365 : memref<1x1x125xi32, #tpu.memory_space<vmem>> -> memref<125xi32, #tpu.memory_space<vmem>>
        %dma_start3A_367 = arith.constant 0 : i32
        %dma_start3A_368 = arith.constant 0 : i32
        %dma_start3A_369 = tpu.memref_slice %arg8[%dma_start3A_367, %dma_start3A_368] : memref<100000x16xf32, #tpu.memory_space<vmem_shared>> -> memref<100000x16xf32, #tpu.memory_space<vmem_shared>>
        tpu.enqueue_indirect_dma source(%dma_start3A_363 : memref<125x16xf32, #tpu.memory_space<vmem>>) target(%dma_start3A_369 : memref<100000x16xf32, #tpu.memory_space<vmem_shared>>) offsets(%dma_start3A_366 : memref<125xi32, #tpu.memory_space<vmem>>) semaphore(%arg13 : memref<!tpu.dma_semaphore, #tpu.memory_space<semaphore_mem>>) {add = true}
        %dma_wait3A_370 = arith.constant 0 : i32
        %dma_wait3A_371 = arith.constant 0 : i32
        %dma_wait3A_372 = arith.constant 0 : i32
        %dma_wait3A_373 = arith.constant 0 : i32
        %dma_wait3A_374 = arith.constant 0 : i32
        %dma_wait3A_375 = tpu.memref_slice %arg11[%dma_wait3A_370, %dma_wait3A_373, %dma_wait3A_374] : memref<2x625x16xf32, #tpu.memory_space<vmem>> -> memref<1x125x16xf32, #tpu.memory_space<vmem>>
        %dma_wait3A_376 = tpu.memref_squeeze %dma_wait3A_375 : memref<1x125x16xf32, #tpu.memory_space<vmem>> -> memref<125x16xf32, #tpu.memory_space<vmem>>
        %dma_wait3A_377 = arith.constant 0 : i32
        %dma_wait3A_378 = tpu.memref_slice %arg10[%dma_wait3A_371, %dma_wait3A_372, %dma_wait3A_377] : memref<2x5x125xi32, #tpu.memory_space<vmem>> -> memref<1x1x125xi32, #tpu.memory_space<vmem>>
        %dma_wait3A_379 = tpu.memref_squeeze %dma_wait3A_378 : memref<1x1x125xi32, #tpu.memory_space<vmem>> -> memref<125xi32, #tpu.memory_space<vmem>>
        %dma_wait3A_380 = arith.constant 0 : i32
        %dma_wait3A_381 = arith.constant 0 : i32
        %dma_wait3A_382 = tpu.memref_slice %arg8[%dma_wait3A_380, %dma_wait3A_381] : memref<100000x16xf32, #tpu.memory_space<vmem_shared>> -> memref<100000x16xf32, #tpu.memory_space<vmem_shared>>
        tpu.wait_indirect_dma semaphore(%arg13 : memref<!tpu.dma_semaphore, #tpu.memory_space<semaphore_mem>>) src(%dma_wait3A_376 : memref<125x16xf32, #tpu.memory_space<vmem>>) dst(%dma_wait3A_382 : memref<100000x16xf32, #tpu.memory_space<vmem_shared>>)
        %dma_wait3A_383 = arith.constant 0 : i32
        %dma_wait3A_384 = arith.constant 0 : i32
        %dma_wait3A_385 = arith.constant 1 : i32
        %dma_wait3A_386 = arith.constant 125 : i32
        %dma_wait3A_387 = arith.constant 0 : i32
        %dma_wait3A_388 = tpu.memref_slice %arg11[%dma_wait3A_383, %dma_wait3A_386, %dma_wait3A_387] : memref<2x625x16xf32, #tpu.memory_space<vmem>> -> memref<1x125x16xf32, #tpu.memory_space<vmem>>
        %dma_wait3A_389 = tpu.memref_squeeze %dma_wait3A_388 : memref<1x125x16xf32, #tpu.memory_space<vmem>> -> memref<125x16xf32, #tpu.memory_space<vmem>>
        %dma_wait3A_390 = arith.constant 0 : i32
        %dma_wait3A_391 = tpu.memref_slice %arg10[%dma_wait3A_384, %dma_wait3A_385, %dma_wait3A_390] : memref<2x5x125xi32, #tpu.memory_space<vmem>> -> memref<1x1x125xi32, #tpu.memory_space<vmem>>
        %dma_wait3A_392 = tpu.memref_squeeze %dma_wait3A_391 : memref<1x1x125xi32, #tpu.memory_space<vmem>> -> memref<125xi32, #tpu.memory_space<vmem>>
        %dma_wait3A_393 = arith.constant 0 : i32
        %dma_wait3A_394 = arith.constant 0 : i32
        %dma_wait3A_395 = tpu.memref_slice %arg8[%dma_wait3A_393, %dma_wait3A_394] : memref<100000x16xf32, #tpu.memory_space<vmem_shared>> -> memref<100000x16xf32, #tpu.memory_space<vmem_shared>>
        tpu.wait_indirect_dma semaphore(%arg13 : memref<!tpu.dma_semaphore, #tpu.memory_space<semaphore_mem>>) src(%dma_wait3A_389 : memref<125x16xf32, #tpu.memory_space<vmem>>) dst(%dma_wait3A_395 : memref<100000x16xf32, #tpu.memory_space<vmem_shared>>)
        %dma_wait3A_396 = arith.constant 0 : i32
        %dma_wait3A_397 = arith.constant 0 : i32
        %dma_wait3A_398 = arith.constant 2 : i32
        %dma_wait3A_399 = arith.constant 250 : i32
        %dma_wait3A_400 = arith.constant 0 : i32
        %dma_wait3A_401 = tpu.memref_slice %arg11[%dma_wait3A_396, %dma_wait3A_399, %dma_wait3A_400] : memref<2x625x16xf32, #tpu.memory_space<vmem>> -> memref<1x125x16xf32, #tpu.memory_space<vmem>>
        %dma_wait3A_402 = tpu.memref_squeeze %dma_wait3A_401 : memref<1x125x16xf32, #tpu.memory_space<vmem>> -> memref<125x16xf32, #tpu.memory_space<vmem>>
        %dma_wait3A_403 = arith.constant 0 : i32
        %dma_wait3A_404 = tpu.memref_slice %arg10[%dma_wait3A_397, %dma_wait3A_398, %dma_wait3A_403] : memref<2x5x125xi32, #tpu.memory_space<vmem>> -> memref<1x1x125xi32, #tpu.memory_space<vmem>>
        %dma_wait3A_405 = tpu.memref_squeeze %dma_wait3A_404 : memref<1x1x125xi32, #tpu.memory_space<vmem>> -> memref<125xi32, #tpu.memory_space<vmem>>
        %dma_wait3A_406 = arith.constant 0 : i32
        %dma_wait3A_407 = arith.constant 0 : i32
        %dma_wait3A_408 = tpu.memref_slice %arg8[%dma_wait3A_406, %dma_wait3A_407] : memref<100000x16xf32, #tpu.memory_space<vmem_shared>> -> memref<100000x16xf32, #tpu.memory_space<vmem_shared>>
        tpu.wait_indirect_dma semaphore(%arg13 : memref<!tpu.dma_semaphore, #tpu.memory_space<semaphore_mem>>) src(%dma_wait3A_402 : memref<125x16xf32, #tpu.memory_space<vmem>>) dst(%dma_wait3A_408 : memref<100000x16xf32, #tpu.memory_space<vmem_shared>>)
        %dma_wait3A_409 = arith.constant 0 : i32
        %dma_wait3A_410 = arith.constant 0 : i32
        %dma_wait3A_411 = arith.constant 3 : i32
        %dma_wait3A_412 = arith.constant 375 : i32
        %dma_wait3A_413 = arith.constant 0 : i32
        %dma_wait3A_414 = tpu.memref_slice %arg11[%dma_wait3A_409, %dma_wait3A_412, %dma_wait3A_413] : memref<2x625x16xf32, #tpu.memory_space<vmem>> -> memref<1x125x16xf32, #tpu.memory_space<vmem>>
        %dma_wait3A_415 = tpu.memref_squeeze %dma_wait3A_414 : memref<1x125x16xf32, #tpu.memory_space<vmem>> -> memref<125x16xf32, #tpu.memory_space<vmem>>
        %dma_wait3A_416 = arith.constant 0 : i32
        %dma_wait3A_417 = tpu.memref_slice %arg10[%dma_wait3A_410, %dma_wait3A_411, %dma_wait3A_416] : memref<2x5x125xi32, #tpu.memory_space<vmem>> -> memref<1x1x125xi32, #tpu.memory_space<vmem>>
        %dma_wait3A_418 = tpu.memref_squeeze %dma_wait3A_417 : memref<1x1x125xi32, #tpu.memory_space<vmem>> -> memref<125xi32, #tpu.memory_space<vmem>>
        %dma_wait3A_419 = arith.constant 0 : i32
        %dma_wait3A_420 = arith.constant 0 : i32
        %dma_wait3A_421 = tpu.memref_slice %arg8[%dma_wait3A_419, %dma_wait3A_420] : memref<100000x16xf32, #tpu.memory_space<vmem_shared>> -> memref<100000x16xf32, #tpu.memory_space<vmem_shared>>
        tpu.wait_indirect_dma semaphore(%arg13 : memref<!tpu.dma_semaphore, #tpu.memory_space<semaphore_mem>>) src(%dma_wait3A_415 : memref<125x16xf32, #tpu.memory_space<vmem>>) dst(%dma_wait3A_421 : memref<100000x16xf32, #tpu.memory_space<vmem_shared>>)
        %dma_wait3A_422 = arith.constant 0 : i32
        %dma_wait3A_423 = arith.constant 0 : i32
        %dma_wait3A_424 = arith.constant 4 : i32
        %dma_wait3A_425 = arith.constant 500 : i32
        %dma_wait3A_426 = arith.constant 0 : i32
        %dma_wait3A_427 = tpu.memref_slice %arg11[%dma_wait3A_422, %dma_wait3A_425, %dma_wait3A_426] : memref<2x625x16xf32, #tpu.memory_space<vmem>> -> memref<1x125x16xf32, #tpu.memory_space<vmem>>
        %dma_wait3A_428 = tpu.memref_squeeze %dma_wait3A_427 : memref<1x125x16xf32, #tpu.memory_space<vmem>> -> memref<125x16xf32, #tpu.memory_space<vmem>>
        %dma_wait3A_429 = arith.constant 0 : i32
        %dma_wait3A_430 = tpu.memref_slice %arg10[%dma_wait3A_423, %dma_wait3A_424, %dma_wait3A_429] : memref<2x5x125xi32, #tpu.memory_space<vmem>> -> memref<1x1x125xi32, #tpu.memory_space<vmem>>
        %dma_wait3A_431 = tpu.memref_squeeze %dma_wait3A_430 : memref<1x1x125xi32, #tpu.memory_space<vmem>> -> memref<125xi32, #tpu.memory_space<vmem>>
        %dma_wait3A_432 = arith.constant 0 : i32
        %dma_wait3A_433 = arith.constant 0 : i32
        %dma_wait3A_434 = tpu.memref_slice %arg8[%dma_wait3A_432, %dma_wait3A_433] : memref<100000x16xf32, #tpu.memory_space<vmem_shared>> -> memref<100000x16xf32, #tpu.memory_space<vmem_shared>>
        tpu.wait_indirect_dma semaphore(%arg13 : memref<!tpu.dma_semaphore, #tpu.memory_space<semaphore_mem>>) src(%dma_wait3A_428 : memref<125x16xf32, #tpu.memory_space<vmem>>) dst(%dma_wait3A_434 : memref<100000x16xf32, #tpu.memory_space<vmem_shared>>)
        %lt3A_435 = arith.constant 79 : i32
        %lt3A_436 = arith.cmpi slt, %add3A_158, %lt3A_435 : i32
        %convert_element_type3A_437 = arith.extui %lt3A_436 : i1 to i32
        %cond3A_438 = arith.constant 0 : i32
        %cond3A_439 = arith.cmpi ne, %convert_element_type3A_437, %cond3A_438 : i32
        scf.if %cond3A_439 {
          %add3A_575 = arith.constant 2 : i32
          %add3A_576 = arith.addi %mul3A_160, %add3A_575 : i32
          %mul3A_577 = arith.constant 5 : i32
          %mul3A_578 = arith.muli %add3A_576, %mul3A_577 : i32
          %add3A_579 = arith.addi %mul3A_17, %mul3A_578 : i32
          %run_scoped3A_580 = arith.constant 0 : i32
          "tpu.region"() ({
            %run_scoped3A_585 = tpu.sem_alloc : memref<!tpu.dma_semaphore, #tpu.memory_space<semaphore_mem>>
            %dma_start3A_586 = arith.constant 0 : i32
            %dma_start3A_587 = arith.constant 0 : i32
            %dma_start3A_588 = tpu.memref_slice %arg9[%run_scoped3A_580, %dma_start3A_586, %dma_start3A_587] : memref<2x5x125xi32, #tpu.memory_space<vmem>> -> memref<1x5x125xi32, #tpu.memory_space<vmem>>
            %dma_start3A_589 = tpu.memref_squeeze %dma_start3A_588 : memref<1x5x125xi32, #tpu.memory_space<vmem>> -> memref<5x125xi32, #tpu.memory_space<vmem>>
            %dma_start3A_590 = arith.constant 0 : i32
            %dma_start3A_591 = tpu.memref_slice %arg5[%add3A_579, %dma_start3A_590] : memref<12800x125xi32, #tpu.memory_space<hbm>> -> memref<5x125xi32, #tpu.memory_space<hbm>>
            %dma_start3A_592 = arith.constant 0 : i32
            %dma_start3A_593 = arith.constant 0 : i32
            %dma_start3A_594 = tpu.memref_slice %arg9[%run_scoped3A_580, %dma_start3A_592, %dma_start3A_593] : memref<2x5x125xi32, #tpu.memory_space<vmem>> -> memref<1x5x125xi32, #tpu.memory_space<vmem>>
            %dma_start3A_595 = tpu.memref_squeeze %dma_start3A_594 : memref<1x5x125xi32, #tpu.memory_space<vmem>> -> memref<5x125xi32, #tpu.memory_space<vmem>>
            %dma_start3A_596 = arith.constant 0 : i32
            %dma_start3A_597 = tpu.memref_slice %arg5[%add3A_579, %dma_start3A_596] : memref<12800x125xi32, #tpu.memory_space<hbm>> -> memref<5x125xi32, #tpu.memory_space<hbm>>
            tpu.enqueue_dma source(%dma_start3A_597 : memref<5x125xi32, #tpu.memory_space<hbm>>) target(%dma_start3A_595 : memref<5x125xi32, #tpu.memory_space<vmem>>) target_semaphore(%run_scoped3A_585 : memref<!tpu.dma_semaphore, #tpu.memory_space<semaphore_mem>>)
            %dma_wait3A_598 = arith.constant 0 : i32
            %dma_wait3A_599 = arith.constant 0 : i32
            %dma_wait3A_600 = tpu.memref_slice %arg9[%run_scoped3A_580, %dma_wait3A_598, %dma_wait3A_599] : memref<2x5x125xi32, #tpu.memory_space<vmem>> -> memref<1x5x125xi32, #tpu.memory_space<vmem>>
            %dma_wait3A_601 = tpu.memref_squeeze %dma_wait3A_600 : memref<1x5x125xi32, #tpu.memory_space<vmem>> -> memref<5x125xi32, #tpu.memory_space<vmem>>
            %dma_wait3A_602 = arith.constant 0 : i32
            %dma_wait3A_603 = tpu.memref_slice %arg5[%add3A_579, %dma_wait3A_602] : memref<12800x125xi32, #tpu.memory_space<hbm>> -> memref<5x125xi32, #tpu.memory_space<hbm>>
            %dma_wait3A_604 = arith.constant 0 : i32
            %dma_wait3A_605 = arith.constant 0 : i32
            %dma_wait3A_606 = tpu.memref_slice %arg9[%run_scoped3A_580, %dma_wait3A_604, %dma_wait3A_605] : memref<2x5x125xi32, #tpu.memory_space<vmem>> -> memref<1x5x125xi32, #tpu.memory_space<vmem>>
            %dma_wait3A_607 = tpu.memref_squeeze %dma_wait3A_606 : memref<1x5x125xi32, #tpu.memory_space<vmem>> -> memref<5x125xi32, #tpu.memory_space<vmem>>
            %dma_wait3A_608 = arith.constant 0 : i32
            %dma_wait3A_609 = tpu.memref_slice %arg5[%add3A_579, %dma_wait3A_608] : memref<12800x125xi32, #tpu.memory_space<hbm>> -> memref<5x125xi32, #tpu.memory_space<hbm>>
            tpu.wait_dma2 semaphore(%run_scoped3A_585 : memref<!tpu.dma_semaphore, #tpu.memory_space<semaphore_mem>>) src(%dma_wait3A_609 : memref<5x125xi32, #tpu.memory_space<hbm>>) dst(%dma_wait3A_607 : memref<5x125xi32, #tpu.memory_space<vmem>>)
            tpu.yield
          }) : () -> ()
          %mul3A_581 = arith.constant 5 : i32
          %mul3A_582 = arith.muli %add3A_576, %mul3A_581 : i32
          %add3A_583 = arith.addi %mul3A_17, %mul3A_582 : i32
          %run_scoped3A_584 = arith.constant 0 : i32
          "tpu.region"() ({
            %run_scoped3A_585 = tpu.sem_alloc : memref<!tpu.dma_semaphore, #tpu.memory_space<semaphore_mem>>
            %dma_start3A_586 = arith.constant 0 : i32
            %dma_start3A_587 = arith.constant 0 : i32
            %dma_start3A_588 = tpu.memref_slice %arg10[%run_scoped3A_584, %dma_start3A_586, %dma_start3A_587] : memref<2x5x125xi32, #tpu.memory_space<vmem>> -> memref<1x5x125xi32, #tpu.memory_space<vmem>>
            %dma_start3A_589 = tpu.memref_squeeze %dma_start3A_588 : memref<1x5x125xi32, #tpu.memory_space<vmem>> -> memref<5x125xi32, #tpu.memory_space<vmem>>
            %dma_start3A_590 = arith.constant 0 : i32
            %dma_start3A_591 = tpu.memref_slice %arg4[%add3A_583, %dma_start3A_590] : memref<12800x125xi32, #tpu.memory_space<hbm>> -> memref<5x125xi32, #tpu.memory_space<hbm>>
            %dma_start3A_592 = arith.constant 0 : i32
            %dma_start3A_593 = arith.constant 0 : i32
            %dma_start3A_594 = tpu.memref_slice %arg10[%run_scoped3A_584, %dma_start3A_592, %dma_start3A_593] : memref<2x5x125xi32, #tpu.memory_space<vmem>> -> memref<1x5x125xi32, #tpu.memory_space<vmem>>
            %dma_start3A_595 = tpu.memref_squeeze %dma_start3A_594 : memref<1x5x125xi32, #tpu.memory_space<vmem>> -> memref<5x125xi32, #tpu.memory_space<vmem>>
            %dma_start3A_596 = arith.constant 0 : i32
            %dma_start3A_597 = tpu.memref_slice %arg4[%add3A_583, %dma_start3A_596] : memref<12800x125xi32, #tpu.memory_space<hbm>> -> memref<5x125xi32, #tpu.memory_space<hbm>>
            tpu.enqueue_dma source(%dma_start3A_597 : memref<5x125xi32, #tpu.memory_space<hbm>>) target(%dma_start3A_595 : memref<5x125xi32, #tpu.memory_space<vmem>>) target_semaphore(%run_scoped3A_585 : memref<!tpu.dma_semaphore, #tpu.memory_space<semaphore_mem>>)
            %dma_wait3A_598 = arith.constant 0 : i32
            %dma_wait3A_599 = arith.constant 0 : i32
            %dma_wait3A_600 = tpu.memref_slice %arg10[%run_scoped3A_584, %dma_wait3A_598, %dma_wait3A_599] : memref<2x5x125xi32, #tpu.memory_space<vmem>> -> memref<1x5x125xi32, #tpu.memory_space<vmem>>
            %dma_wait3A_601 = tpu.memref_squeeze %dma_wait3A_600 : memref<1x5x125xi32, #tpu.memory_space<vmem>> -> memref<5x125xi32, #tpu.memory_space<vmem>>
            %dma_wait3A_602 = arith.constant 0 : i32
            %dma_wait3A_603 = tpu.memref_slice %arg4[%add3A_583, %dma_wait3A_602] : memref<12800x125xi32, #tpu.memory_space<hbm>> -> memref<5x125xi32, #tpu.memory_space<hbm>>
            %dma_wait3A_604 = arith.constant 0 : i32
            %dma_wait3A_605 = arith.constant 0 : i32
            %dma_wait3A_606 = tpu.memref_slice %arg10[%run_scoped3A_584, %dma_wait3A_604, %dma_wait3A_605] : memref<2x5x125xi32, #tpu.memory_space<vmem>> -> memref<1x5x125xi32, #tpu.memory_space<vmem>>
            %dma_wait3A_607 = tpu.memref_squeeze %dma_wait3A_606 : memref<1x5x125xi32, #tpu.memory_space<vmem>> -> memref<5x125xi32, #tpu.memory_space<vmem>>
            %dma_wait3A_608 = arith.constant 0 : i32
            %dma_wait3A_609 = tpu.memref_slice %arg4[%add3A_583, %dma_wait3A_608] : memref<12800x125xi32, #tpu.memory_space<hbm>> -> memref<5x125xi32, #tpu.memory_space<hbm>>
            tpu.wait_dma2 semaphore(%run_scoped3A_585 : memref<!tpu.dma_semaphore, #tpu.memory_space<semaphore_mem>>) src(%dma_wait3A_609 : memref<5x125xi32, #tpu.memory_space<hbm>>) dst(%dma_wait3A_607 : memref<5x125xi32, #tpu.memory_space<vmem>>)
            tpu.yield
          }) : () -> ()
        } else {
        }
        %dma_wait3A_440 = arith.constant 1 : i32
        %dma_wait3A_441 = arith.constant 0 : i32
        %dma_wait3A_442 = arith.constant 1 : i32
        %dma_wait3A_443 = arith.constant 0 : i32
        %dma_wait3A_444 = arith.constant 0 : i32
        %dma_wait3A_445 = tpu.memref_slice %arg11[%dma_wait3A_442, %dma_wait3A_443, %dma_wait3A_444] : memref<2x625x16xf32, #tpu.memory_space<vmem>> -> memref<1x125x16xf32, #tpu.memory_space<vmem>>
        %dma_wait3A_446 = tpu.memref_squeeze %dma_wait3A_445 : memref<1x125x16xf32, #tpu.memory_space<vmem>> -> memref<125x16xf32, #tpu.memory_space<vmem>>
        %dma_wait3A_447 = arith.constant 0 : i32
        %dma_wait3A_448 = tpu.memref_slice %arg9[%dma_wait3A_440, %dma_wait3A_441, %dma_wait3A_447] : memref<2x5x125xi32, #tpu.memory_space<vmem>> -> memref<1x1x125xi32, #tpu.memory_space<vmem>>
        %dma_wait3A_449 = tpu.memref_squeeze %dma_wait3A_448 : memref<1x1x125xi32, #tpu.memory_space<vmem>> -> memref<125xi32, #tpu.memory_space<vmem>>
        %dma_wait3A_450 = arith.constant 0 : i32
        %dma_wait3A_451 = arith.constant 0 : i32
        %dma_wait3A_452 = tpu.memref_slice %arg3[%dma_wait3A_450, %dma_wait3A_451] : memref<100000x16xf32, #tpu.memory_space<hbm>> -> memref<100000x16xf32, #tpu.memory_space<hbm>>
        tpu.wait_indirect_dma semaphore(%arg12 : memref<!tpu.dma_semaphore, #tpu.memory_space<semaphore_mem>>) src(%dma_wait3A_452 : memref<100000x16xf32, #tpu.memory_space<hbm>>) dst(%dma_wait3A_446 : memref<125x16xf32, #tpu.memory_space<vmem>>)
        %dma_wait3A_453 = arith.constant 1 : i32
        %dma_wait3A_454 = arith.constant 1 : i32
        %dma_wait3A_455 = arith.constant 1 : i32
        %dma_wait3A_456 = arith.constant 125 : i32
        %dma_wait3A_457 = arith.constant 0 : i32
        %dma_wait3A_458 = tpu.memref_slice %arg11[%dma_wait3A_455, %dma_wait3A_456, %dma_wait3A_457] : memref<2x625x16xf32, #tpu.memory_space<vmem>> -> memref<1x125x16xf32, #tpu.memory_space<vmem>>
        %dma_wait3A_459 = tpu.memref_squeeze %dma_wait3A_458 : memref<1x125x16xf32, #tpu.memory_space<vmem>> -> memref<125x16xf32, #tpu.memory_space<vmem>>
        %dma_wait3A_460 = arith.constant 0 : i32
        %dma_wait3A_461 = tpu.memref_slice %arg9[%dma_wait3A_453, %dma_wait3A_454, %dma_wait3A_460] : memref<2x5x125xi32, #tpu.memory_space<vmem>> -> memref<1x1x125xi32, #tpu.memory_space<vmem>>
        %dma_wait3A_462 = tpu.memref_squeeze %dma_wait3A_461 : memref<1x1x125xi32, #tpu.memory_space<vmem>> -> memref<125xi32, #tpu.memory_space<vmem>>
        %dma_wait3A_463 = arith.constant 0 : i32
        %dma_wait3A_464 = arith.constant 0 : i32
        %dma_wait3A_465 = tpu.memref_slice %arg3[%dma_wait3A_463, %dma_wait3A_464] : memref<100000x16xf32, #tpu.memory_space<hbm>> -> memref<100000x16xf32, #tpu.memory_space<hbm>>
        tpu.wait_indirect_dma semaphore(%arg12 : memref<!tpu.dma_semaphore, #tpu.memory_space<semaphore_mem>>) src(%dma_wait3A_465 : memref<100000x16xf32, #tpu.memory_space<hbm>>) dst(%dma_wait3A_459 : memref<125x16xf32, #tpu.memory_space<vmem>>)
        %dma_wait3A_466 = arith.constant 1 : i32
        %dma_wait3A_467 = arith.constant 2 : i32
        %dma_wait3A_468 = arith.constant 1 : i32
        %dma_wait3A_469 = arith.constant 250 : i32
        %dma_wait3A_470 = arith.constant 0 : i32
        %dma_wait3A_471 = tpu.memref_slice %arg11[%dma_wait3A_468, %dma_wait3A_469, %dma_wait3A_470] : memref<2x625x16xf32, #tpu.memory_space<vmem>> -> memref<1x125x16xf32, #tpu.memory_space<vmem>>
        %dma_wait3A_472 = tpu.memref_squeeze %dma_wait3A_471 : memref<1x125x16xf32, #tpu.memory_space<vmem>> -> memref<125x16xf32, #tpu.memory_space<vmem>>
        %dma_wait3A_473 = arith.constant 0 : i32
        %dma_wait3A_474 = tpu.memref_slice %arg9[%dma_wait3A_466, %dma_wait3A_467, %dma_wait3A_473] : memref<2x5x125xi32, #tpu.memory_space<vmem>> -> memref<1x1x125xi32, #tpu.memory_space<vmem>>
        %dma_wait3A_475 = tpu.memref_squeeze %dma_wait3A_474 : memref<1x1x125xi32, #tpu.memory_space<vmem>> -> memref<125xi32, #tpu.memory_space<vmem>>
        %dma_wait3A_476 = arith.constant 0 : i32
        %dma_wait3A_477 = arith.constant 0 : i32
        %dma_wait3A_478 = tpu.memref_slice %arg3[%dma_wait3A_476, %dma_wait3A_477] : memref<100000x16xf32, #tpu.memory_space<hbm>> -> memref<100000x16xf32, #tpu.memory_space<hbm>>
        tpu.wait_indirect_dma semaphore(%arg12 : memref<!tpu.dma_semaphore, #tpu.memory_space<semaphore_mem>>) src(%dma_wait3A_478 : memref<100000x16xf32, #tpu.memory_space<hbm>>) dst(%dma_wait3A_472 : memref<125x16xf32, #tpu.memory_space<vmem>>)
        %dma_wait3A_479 = arith.constant 1 : i32
        %dma_wait3A_480 = arith.constant 3 : i32
        %dma_wait3A_481 = arith.constant 1 : i32
        %dma_wait3A_482 = arith.constant 375 : i32
        %dma_wait3A_483 = arith.constant 0 : i32
        %dma_wait3A_484 = tpu.memref_slice %arg11[%dma_wait3A_481, %dma_wait3A_482, %dma_wait3A_483] : memref<2x625x16xf32, #tpu.memory_space<vmem>> -> memref<1x125x16xf32, #tpu.memory_space<vmem>>
        %dma_wait3A_485 = tpu.memref_squeeze %dma_wait3A_484 : memref<1x125x16xf32, #tpu.memory_space<vmem>> -> memref<125x16xf32, #tpu.memory_space<vmem>>
        %dma_wait3A_486 = arith.constant 0 : i32
        %dma_wait3A_487 = tpu.memref_slice %arg9[%dma_wait3A_479, %dma_wait3A_480, %dma_wait3A_486] : memref<2x5x125xi32, #tpu.memory_space<vmem>> -> memref<1x1x125xi32, #tpu.memory_space<vmem>>
        %dma_wait3A_488 = tpu.memref_squeeze %dma_wait3A_487 : memref<1x1x125xi32, #tpu.memory_space<vmem>> -> memref<125xi32, #tpu.memory_space<vmem>>
        %dma_wait3A_489 = arith.constant 0 : i32
        %dma_wait3A_490 = arith.constant 0 : i32
        %dma_wait3A_491 = tpu.memref_slice %arg3[%dma_wait3A_489, %dma_wait3A_490] : memref<100000x16xf32, #tpu.memory_space<hbm>> -> memref<100000x16xf32, #tpu.memory_space<hbm>>
        tpu.wait_indirect_dma semaphore(%arg12 : memref<!tpu.dma_semaphore, #tpu.memory_space<semaphore_mem>>) src(%dma_wait3A_491 : memref<100000x16xf32, #tpu.memory_space<hbm>>) dst(%dma_wait3A_485 : memref<125x16xf32, #tpu.memory_space<vmem>>)
        %dma_wait3A_492 = arith.constant 1 : i32
        %dma_wait3A_493 = arith.constant 4 : i32
        %dma_wait3A_494 = arith.constant 1 : i32
        %dma_wait3A_495 = arith.constant 500 : i32
        %dma_wait3A_496 = arith.constant 0 : i32
        %dma_wait3A_497 = tpu.memref_slice %arg11[%dma_wait3A_494, %dma_wait3A_495, %dma_wait3A_496] : memref<2x625x16xf32, #tpu.memory_space<vmem>> -> memref<1x125x16xf32, #tpu.memory_space<vmem>>
        %dma_wait3A_498 = tpu.memref_squeeze %dma_wait3A_497 : memref<1x125x16xf32, #tpu.memory_space<vmem>> -> memref<125x16xf32, #tpu.memory_space<vmem>>
        %dma_wait3A_499 = arith.constant 0 : i32
        %dma_wait3A_500 = tpu.memref_slice %arg9[%dma_wait3A_492, %dma_wait3A_493, %dma_wait3A_499] : memref<2x5x125xi32, #tpu.memory_space<vmem>> -> memref<1x1x125xi32, #tpu.memory_space<vmem>>
        %dma_wait3A_501 = tpu.memref_squeeze %dma_wait3A_500 : memref<1x1x125xi32, #tpu.memory_space<vmem>> -> memref<125xi32, #tpu.memory_space<vmem>>
        %dma_wait3A_502 = arith.constant 0 : i32
        %dma_wait3A_503 = arith.constant 0 : i32
        %dma_wait3A_504 = tpu.memref_slice %arg3[%dma_wait3A_502, %dma_wait3A_503] : memref<100000x16xf32, #tpu.memory_space<hbm>> -> memref<100000x16xf32, #tpu.memory_space<hbm>>
        tpu.wait_indirect_dma semaphore(%arg12 : memref<!tpu.dma_semaphore, #tpu.memory_space<semaphore_mem>>) src(%dma_wait3A_504 : memref<100000x16xf32, #tpu.memory_space<hbm>>) dst(%dma_wait3A_498 : memref<125x16xf32, #tpu.memory_space<vmem>>)
        %lt3A_505 = arith.constant 79 : i32
        %lt3A_506 = arith.cmpi slt, %add3A_158, %lt3A_505 : i32
        %convert_element_type3A_507 = arith.extui %lt3A_506 : i1 to i32
        %cond3A_508 = arith.constant 0 : i32
        %cond3A_509 = arith.cmpi ne, %convert_element_type3A_507, %cond3A_508 : i32
        scf.if %cond3A_509 {
          %dma_start3A_575 = arith.constant 0 : i32
          %dma_start3A_576 = arith.constant 0 : i32
          %dma_start3A_577 = arith.constant 0 : i32
          %dma_start3A_578 = arith.constant 0 : i32
          %dma_start3A_579 = arith.constant 0 : i32
          %dma_start3A_580 = tpu.memref_slice %arg11[%dma_start3A_577, %dma_start3A_578, %dma_start3A_579] : memref<2x625x16xf32, #tpu.memory_space<vmem>> -> memref<1x125x16xf32, #tpu.memory_space<vmem>>
          %dma_start3A_581 = tpu.memref_squeeze %dma_start3A_580 : memref<1x125x16xf32, #tpu.memory_space<vmem>> -> memref<125x16xf32, #tpu.memory_space<vmem>>
          %dma_start3A_582 = arith.constant 0 : i32
          %dma_start3A_583 = tpu.memref_slice %arg9[%dma_start3A_575, %dma_start3A_576, %dma_start3A_582] : memref<2x5x125xi32, #tpu.memory_space<vmem>> -> memref<1x1x125xi32, #tpu.memory_space<vmem>>
          %dma_start3A_584 = tpu.memref_squeeze %dma_start3A_583 : memref<1x1x125xi32, #tpu.memory_space<vmem>> -> memref<125xi32, #tpu.memory_space<vmem>>
          %dma_start3A_585 = arith.constant 0 : i32
          %dma_start3A_586 = arith.constant 0 : i32
          %dma_start3A_587 = tpu.memref_slice %arg3[%dma_start3A_585, %dma_start3A_586] : memref<100000x16xf32, #tpu.memory_space<hbm>> -> memref<100000x16xf32, #tpu.memory_space<hbm>>
          tpu.enqueue_indirect_dma source(%dma_start3A_587 : memref<100000x16xf32, #tpu.memory_space<hbm>>) target(%dma_start3A_581 : memref<125x16xf32, #tpu.memory_space<vmem>>) offsets(%dma_start3A_584 : memref<125xi32, #tpu.memory_space<vmem>>) semaphore(%arg12 : memref<!tpu.dma_semaphore, #tpu.memory_space<semaphore_mem>>)
          %dma_start3A_588 = arith.constant 0 : i32
          %dma_start3A_589 = arith.constant 1 : i32
          %dma_start3A_590 = arith.constant 0 : i32
          %dma_start3A_591 = arith.constant 125 : i32
          %dma_start3A_592 = arith.constant 0 : i32
          %dma_start3A_593 = tpu.memref_slice %arg11[%dma_start3A_590, %dma_start3A_591, %dma_start3A_592] : memref<2x625x16xf32, #tpu.memory_space<vmem>> -> memref<1x125x16xf32, #tpu.memory_space<vmem>>
          %dma_start3A_594 = tpu.memref_squeeze %dma_start3A_593 : memref<1x125x16xf32, #tpu.memory_space<vmem>> -> memref<125x16xf32, #tpu.memory_space<vmem>>
          %dma_start3A_595 = arith.constant 0 : i32
          %dma_start3A_596 = tpu.memref_slice %arg9[%dma_start3A_588, %dma_start3A_589, %dma_start3A_595] : memref<2x5x125xi32, #tpu.memory_space<vmem>> -> memref<1x1x125xi32, #tpu.memory_space<vmem>>
          %dma_start3A_597 = tpu.memref_squeeze %dma_start3A_596 : memref<1x1x125xi32, #tpu.memory_space<vmem>> -> memref<125xi32, #tpu.memory_space<vmem>>
          %dma_start3A_598 = arith.constant 0 : i32
          %dma_start3A_599 = arith.constant 0 : i32
          %dma_start3A_600 = tpu.memref_slice %arg3[%dma_start3A_598, %dma_start3A_599] : memref<100000x16xf32, #tpu.memory_space<hbm>> -> memref<100000x16xf32, #tpu.memory_space<hbm>>
          tpu.enqueue_indirect_dma source(%dma_start3A_600 : memref<100000x16xf32, #tpu.memory_space<hbm>>) target(%dma_start3A_594 : memref<125x16xf32, #tpu.memory_space<vmem>>) offsets(%dma_start3A_597 : memref<125xi32, #tpu.memory_space<vmem>>) semaphore(%arg12 : memref<!tpu.dma_semaphore, #tpu.memory_space<semaphore_mem>>)
          %dma_start3A_601 = arith.constant 0 : i32
          %dma_start3A_602 = arith.constant 2 : i32
          %dma_start3A_603 = arith.constant 0 : i32
          %dma_start3A_604 = arith.constant 250 : i32
          %dma_start3A_605 = arith.constant 0 : i32
          %dma_start3A_606 = tpu.memref_slice %arg11[%dma_start3A_603, %dma_start3A_604, %dma_start3A_605] : memref<2x625x16xf32, #tpu.memory_space<vmem>> -> memref<1x125x16xf32, #tpu.memory_space<vmem>>
          %dma_start3A_607 = tpu.memref_squeeze %dma_start3A_606 : memref<1x125x16xf32, #tpu.memory_space<vmem>> -> memref<125x16xf32, #tpu.memory_space<vmem>>
          %dma_start3A_608 = arith.constant 0 : i32
          %dma_start3A_609 = tpu.memref_slice %arg9[%dma_start3A_601, %dma_start3A_602, %dma_start3A_608] : memref<2x5x125xi32, #tpu.memory_space<vmem>> -> memref<1x1x125xi32, #tpu.memory_space<vmem>>
          %dma_start3A_610 = tpu.memref_squeeze %dma_start3A_609 : memref<1x1x125xi32, #tpu.memory_space<vmem>> -> memref<125xi32, #tpu.memory_space<vmem>>
          %dma_start3A_611 = arith.constant 0 : i32
          %dma_start3A_612 = arith.constant 0 : i32
          %dma_start3A_613 = tpu.memref_slice %arg3[%dma_start3A_611, %dma_start3A_612] : memref<100000x16xf32, #tpu.memory_space<hbm>> -> memref<100000x16xf32, #tpu.memory_space<hbm>>
          tpu.enqueue_indirect_dma source(%dma_start3A_613 : memref<100000x16xf32, #tpu.memory_space<hbm>>) target(%dma_start3A_607 : memref<125x16xf32, #tpu.memory_space<vmem>>) offsets(%dma_start3A_610 : memref<125xi32, #tpu.memory_space<vmem>>) semaphore(%arg12 : memref<!tpu.dma_semaphore, #tpu.memory_space<semaphore_mem>>)
          %dma_start3A_614 = arith.constant 0 : i32
          %dma_start3A_615 = arith.constant 3 : i32
          %dma_start3A_616 = arith.constant 0 : i32
          %dma_start3A_617 = arith.constant 375 : i32
          %dma_start3A_618 = arith.constant 0 : i32
          %dma_start3A_619 = tpu.memref_slice %arg11[%dma_start3A_616, %dma_start3A_617, %dma_start3A_618] : memref<2x625x16xf32, #tpu.memory_space<vmem>> -> memref<1x125x16xf32, #tpu.memory_space<vmem>>
          %dma_start3A_620 = tpu.memref_squeeze %dma_start3A_619 : memref<1x125x16xf32, #tpu.memory_space<vmem>> -> memref<125x16xf32, #tpu.memory_space<vmem>>
          %dma_start3A_621 = arith.constant 0 : i32
          %dma_start3A_622 = tpu.memref_slice %arg9[%dma_start3A_614, %dma_start3A_615, %dma_start3A_621] : memref<2x5x125xi32, #tpu.memory_space<vmem>> -> memref<1x1x125xi32, #tpu.memory_space<vmem>>
          %dma_start3A_623 = tpu.memref_squeeze %dma_start3A_622 : memref<1x1x125xi32, #tpu.memory_space<vmem>> -> memref<125xi32, #tpu.memory_space<vmem>>
          %dma_start3A_624 = arith.constant 0 : i32
          %dma_start3A_625 = arith.constant 0 : i32
          %dma_start3A_626 = tpu.memref_slice %arg3[%dma_start3A_624, %dma_start3A_625] : memref<100000x16xf32, #tpu.memory_space<hbm>> -> memref<100000x16xf32, #tpu.memory_space<hbm>>
          tpu.enqueue_indirect_dma source(%dma_start3A_626 : memref<100000x16xf32, #tpu.memory_space<hbm>>) target(%dma_start3A_620 : memref<125x16xf32, #tpu.memory_space<vmem>>) offsets(%dma_start3A_623 : memref<125xi32, #tpu.memory_space<vmem>>) semaphore(%arg12 : memref<!tpu.dma_semaphore, #tpu.memory_space<semaphore_mem>>)
          %dma_start3A_627 = arith.constant 0 : i32
          %dma_start3A_628 = arith.constant 4 : i32
          %dma_start3A_629 = arith.constant 0 : i32
          %dma_start3A_630 = arith.constant 500 : i32
          %dma_start3A_631 = arith.constant 0 : i32
          %dma_start3A_632 = tpu.memref_slice %arg11[%dma_start3A_629, %dma_start3A_630, %dma_start3A_631] : memref<2x625x16xf32, #tpu.memory_space<vmem>> -> memref<1x125x16xf32, #tpu.memory_space<vmem>>
          %dma_start3A_633 = tpu.memref_squeeze %dma_start3A_632 : memref<1x125x16xf32, #tpu.memory_space<vmem>> -> memref<125x16xf32, #tpu.memory_space<vmem>>
          %dma_start3A_634 = arith.constant 0 : i32
          %dma_start3A_635 = tpu.memref_slice %arg9[%dma_start3A_627, %dma_start3A_628, %dma_start3A_634] : memref<2x5x125xi32, #tpu.memory_space<vmem>> -> memref<1x1x125xi32, #tpu.memory_space<vmem>>
          %dma_start3A_636 = tpu.memref_squeeze %dma_start3A_635 : memref<1x1x125xi32, #tpu.memory_space<vmem>> -> memref<125xi32, #tpu.memory_space<vmem>>
          %dma_start3A_637 = arith.constant 0 : i32
          %dma_start3A_638 = arith.constant 0 : i32
          %dma_start3A_639 = tpu.memref_slice %arg3[%dma_start3A_637, %dma_start3A_638] : memref<100000x16xf32, #tpu.memory_space<hbm>> -> memref<100000x16xf32, #tpu.memory_space<hbm>>
          tpu.enqueue_indirect_dma source(%dma_start3A_639 : memref<100000x16xf32, #tpu.memory_space<hbm>>) target(%dma_start3A_633 : memref<125x16xf32, #tpu.memory_space<vmem>>) offsets(%dma_start3A_636 : memref<125xi32, #tpu.memory_space<vmem>>) semaphore(%arg12 : memref<!tpu.dma_semaphore, #tpu.memory_space<semaphore_mem>>)
        } else {
        }
        %dma_start3A_510 = arith.constant 1 : i32
        %dma_start3A_511 = arith.constant 1 : i32
        %dma_start3A_512 = arith.constant 0 : i32
        %dma_start3A_513 = arith.constant 0 : i32
        %dma_start3A_514 = arith.constant 0 : i32
        %dma_start3A_515 = tpu.memref_slice %arg11[%dma_start3A_510, %dma_start3A_513, %dma_start3A_514] : memref<2x625x16xf32, #tpu.memory_space<vmem>> -> memref<1x125x16xf32, #tpu.memory_space<vmem>>
        %dma_start3A_516 = tpu.memref_squeeze %dma_start3A_515 : memref<1x125x16xf32, #tpu.memory_space<vmem>> -> memref<125x16xf32, #tpu.memory_space<vmem>>
        %dma_start3A_517 = arith.constant 0 : i32
        %dma_start3A_518 = tpu.memref_slice %arg10[%dma_start3A_511, %dma_start3A_512, %dma_start3A_517] : memref<2x5x125xi32, #tpu.memory_space<vmem>> -> memref<1x1x125xi32, #tpu.memory_space<vmem>>
        %dma_start3A_519 = tpu.memref_squeeze %dma_start3A_518 : memref<1x1x125xi32, #tpu.memory_space<vmem>> -> memref<125xi32, #tpu.memory_space<vmem>>
        %dma_start3A_520 = arith.constant 0 : i32
        %dma_start3A_521 = arith.constant 0 : i32
        %dma_start3A_522 = tpu.memref_slice %arg8[%dma_start3A_520, %dma_start3A_521] : memref<100000x16xf32, #tpu.memory_space<vmem_shared>> -> memref<100000x16xf32, #tpu.memory_space<vmem_shared>>
        tpu.enqueue_indirect_dma source(%dma_start3A_516 : memref<125x16xf32, #tpu.memory_space<vmem>>) target(%dma_start3A_522 : memref<100000x16xf32, #tpu.memory_space<vmem_shared>>) offsets(%dma_start3A_519 : memref<125xi32, #tpu.memory_space<vmem>>) semaphore(%arg13 : memref<!tpu.dma_semaphore, #tpu.memory_space<semaphore_mem>>) {add = true}
        %dma_start3A_523 = arith.constant 1 : i32
        %dma_start3A_524 = arith.constant 1 : i32
        %dma_start3A_525 = arith.constant 1 : i32
        %dma_start3A_526 = arith.constant 125 : i32
        %dma_start3A_527 = arith.constant 0 : i32
        %dma_start3A_528 = tpu.memref_slice %arg11[%dma_start3A_523, %dma_start3A_526, %dma_start3A_527] : memref<2x625x16xf32, #tpu.memory_space<vmem>> -> memref<1x125x16xf32, #tpu.memory_space<vmem>>
        %dma_start3A_529 = tpu.memref_squeeze %dma_start3A_528 : memref<1x125x16xf32, #tpu.memory_space<vmem>> -> memref<125x16xf32, #tpu.memory_space<vmem>>
        %dma_start3A_530 = arith.constant 0 : i32
        %dma_start3A_531 = tpu.memref_slice %arg10[%dma_start3A_524, %dma_start3A_525, %dma_start3A_530] : memref<2x5x125xi32, #tpu.memory_space<vmem>> -> memref<1x1x125xi32, #tpu.memory_space<vmem>>
        %dma_start3A_532 = tpu.memref_squeeze %dma_start3A_531 : memref<1x1x125xi32, #tpu.memory_space<vmem>> -> memref<125xi32, #tpu.memory_space<vmem>>
        %dma_start3A_533 = arith.constant 0 : i32
        %dma_start3A_534 = arith.constant 0 : i32
        %dma_start3A_535 = tpu.memref_slice %arg8[%dma_start3A_533, %dma_start3A_534] : memref<100000x16xf32, #tpu.memory_space<vmem_shared>> -> memref<100000x16xf32, #tpu.memory_space<vmem_shared>>
        tpu.enqueue_indirect_dma source(%dma_start3A_529 : memref<125x16xf32, #tpu.memory_space<vmem>>) target(%dma_start3A_535 : memref<100000x16xf32, #tpu.memory_space<vmem_shared>>) offsets(%dma_start3A_532 : memref<125xi32, #tpu.memory_space<vmem>>) semaphore(%arg13 : memref<!tpu.dma_semaphore, #tpu.memory_space<semaphore_mem>>) {add = true}
        %dma_start3A_536 = arith.constant 1 : i32
        %dma_start3A_537 = arith.constant 1 : i32
        %dma_start3A_538 = arith.constant 2 : i32
        %dma_start3A_539 = arith.constant 250 : i32
        %dma_start3A_540 = arith.constant 0 : i32
        %dma_start3A_541 = tpu.memref_slice %arg11[%dma_start3A_536, %dma_start3A_539, %dma_start3A_540] : memref<2x625x16xf32, #tpu.memory_space<vmem>> -> memref<1x125x16xf32, #tpu.memory_space<vmem>>
        %dma_start3A_542 = tpu.memref_squeeze %dma_start3A_541 : memref<1x125x16xf32, #tpu.memory_space<vmem>> -> memref<125x16xf32, #tpu.memory_space<vmem>>
        %dma_start3A_543 = arith.constant 0 : i32
        %dma_start3A_544 = tpu.memref_slice %arg10[%dma_start3A_537, %dma_start3A_538, %dma_start3A_543] : memref<2x5x125xi32, #tpu.memory_space<vmem>> -> memref<1x1x125xi32, #tpu.memory_space<vmem>>
        %dma_start3A_545 = tpu.memref_squeeze %dma_start3A_544 : memref<1x1x125xi32, #tpu.memory_space<vmem>> -> memref<125xi32, #tpu.memory_space<vmem>>
        %dma_start3A_546 = arith.constant 0 : i32
        %dma_start3A_547 = arith.constant 0 : i32
        %dma_start3A_548 = tpu.memref_slice %arg8[%dma_start3A_546, %dma_start3A_547] : memref<100000x16xf32, #tpu.memory_space<vmem_shared>> -> memref<100000x16xf32, #tpu.memory_space<vmem_shared>>
        tpu.enqueue_indirect_dma source(%dma_start3A_542 : memref<125x16xf32, #tpu.memory_space<vmem>>) target(%dma_start3A_548 : memref<100000x16xf32, #tpu.memory_space<vmem_shared>>) offsets(%dma_start3A_545 : memref<125xi32, #tpu.memory_space<vmem>>) semaphore(%arg13 : memref<!tpu.dma_semaphore, #tpu.memory_space<semaphore_mem>>) {add = true}
        %dma_start3A_549 = arith.constant 1 : i32
        %dma_start3A_550 = arith.constant 1 : i32
        %dma_start3A_551 = arith.constant 3 : i32
        %dma_start3A_552 = arith.constant 375 : i32
        %dma_start3A_553 = arith.constant 0 : i32
        %dma_start3A_554 = tpu.memref_slice %arg11[%dma_start3A_549, %dma_start3A_552, %dma_start3A_553] : memref<2x625x16xf32, #tpu.memory_space<vmem>> -> memref<1x125x16xf32, #tpu.memory_space<vmem>>
        %dma_start3A_555 = tpu.memref_squeeze %dma_start3A_554 : memref<1x125x16xf32, #tpu.memory_space<vmem>> -> memref<125x16xf32, #tpu.memory_space<vmem>>
        %dma_start3A_556 = arith.constant 0 : i32
        %dma_start3A_557 = tpu.memref_slice %arg10[%dma_start3A_550, %dma_start3A_551, %dma_start3A_556] : memref<2x5x125xi32, #tpu.memory_space<vmem>> -> memref<1x1x125xi32, #tpu.memory_space<vmem>>
        %dma_start3A_558 = tpu.memref_squeeze %dma_start3A_557 : memref<1x1x125xi32, #tpu.memory_space<vmem>> -> memref<125xi32, #tpu.memory_space<vmem>>
        %dma_start3A_559 = arith.constant 0 : i32
        %dma_start3A_560 = arith.constant 0 : i32
        %dma_start3A_561 = tpu.memref_slice %arg8[%dma_start3A_559, %dma_start3A_560] : memref<100000x16xf32, #tpu.memory_space<vmem_shared>> -> memref<100000x16xf32, #tpu.memory_space<vmem_shared>>
        tpu.enqueue_indirect_dma source(%dma_start3A_555 : memref<125x16xf32, #tpu.memory_space<vmem>>) target(%dma_start3A_561 : memref<100000x16xf32, #tpu.memory_space<vmem_shared>>) offsets(%dma_start3A_558 : memref<125xi32, #tpu.memory_space<vmem>>) semaphore(%arg13 : memref<!tpu.dma_semaphore, #tpu.memory_space<semaphore_mem>>) {add = true}
        %dma_start3A_562 = arith.constant 1 : i32
        %dma_start3A_563 = arith.constant 1 : i32
        %dma_start3A_564 = arith.constant 4 : i32
        %dma_start3A_565 = arith.constant 500 : i32
        %dma_start3A_566 = arith.constant 0 : i32
        %dma_start3A_567 = tpu.memref_slice %arg11[%dma_start3A_562, %dma_start3A_565, %dma_start3A_566] : memref<2x625x16xf32, #tpu.memory_space<vmem>> -> memref<1x125x16xf32, #tpu.memory_space<vmem>>
        %dma_start3A_568 = tpu.memref_squeeze %dma_start3A_567 : memref<1x125x16xf32, #tpu.memory_space<vmem>> -> memref<125x16xf32, #tpu.memory_space<vmem>>
        %dma_start3A_569 = arith.constant 0 : i32
        %dma_start3A_570 = tpu.memref_slice %arg10[%dma_start3A_563, %dma_start3A_564, %dma_start3A_569] : memref<2x5x125xi32, #tpu.memory_space<vmem>> -> memref<1x1x125xi32, #tpu.memory_space<vmem>>
        %dma_start3A_571 = tpu.memref_squeeze %dma_start3A_570 : memref<1x1x125xi32, #tpu.memory_space<vmem>> -> memref<125xi32, #tpu.memory_space<vmem>>
        %dma_start3A_572 = arith.constant 0 : i32
        %dma_start3A_573 = arith.constant 0 : i32
        %dma_start3A_574 = tpu.memref_slice %arg8[%dma_start3A_572, %dma_start3A_573] : memref<100000x16xf32, #tpu.memory_space<vmem_shared>> -> memref<100000x16xf32, #tpu.memory_space<vmem_shared>>
        tpu.enqueue_indirect_dma source(%dma_start3A_568 : memref<125x16xf32, #tpu.memory_space<vmem>>) target(%dma_start3A_574 : memref<100000x16xf32, #tpu.memory_space<vmem_shared>>) offsets(%dma_start3A_571 : memref<125xi32, #tpu.memory_space<vmem>>) semaphore(%arg13 : memref<!tpu.dma_semaphore, #tpu.memory_space<semaphore_mem>>) {add = true}
      }
      %scan3A_89 = arith.constant 80 : i32
      %dma_wait3A = arith.constant 1 : i32
      %dma_wait3A_90 = arith.constant 1 : i32
      %dma_wait3A_91 = arith.constant 0 : i32
      %dma_wait3A_92 = arith.constant 0 : i32
      %dma_wait3A_93 = arith.constant 0 : i32
      %dma_wait3A_94 = tpu.memref_slice %arg11[%dma_wait3A, %dma_wait3A_92, %dma_wait3A_93] : memref<2x625x16xf32, #tpu.memory_space<vmem>> -> memref<1x125x16xf32, #tpu.memory_space<vmem>>
      %dma_wait3A_95 = tpu.memref_squeeze %dma_wait3A_94 : memref<1x125x16xf32, #tpu.memory_space<vmem>> -> memref<125x16xf32, #tpu.memory_space<vmem>>
      %dma_wait3A_96 = arith.constant 0 : i32
      %dma_wait3A_97 = tpu.memref_slice %arg10[%dma_wait3A_90, %dma_wait3A_91, %dma_wait3A_96] : memref<2x5x125xi32, #tpu.memory_space<vmem>> -> memref<1x1x125xi32, #tpu.memory_space<vmem>>
      %dma_wait3A_98 = tpu.memref_squeeze %dma_wait3A_97 : memref<1x1x125xi32, #tpu.memory_space<vmem>> -> memref<125xi32, #tpu.memory_space<vmem>>
      %dma_wait3A_99 = arith.constant 0 : i32
      %dma_wait3A_100 = arith.constant 0 : i32
      %dma_wait3A_101 = tpu.memref_slice %arg8[%dma_wait3A_99, %dma_wait3A_100] : memref<100000x16xf32, #tpu.memory_space<vmem_shared>> -> memref<100000x16xf32, #tpu.memory_space<vmem_shared>>
      tpu.wait_indirect_dma semaphore(%arg13 : memref<!tpu.dma_semaphore, #tpu.memory_space<semaphore_mem>>) src(%dma_wait3A_95 : memref<125x16xf32, #tpu.memory_space<vmem>>) dst(%dma_wait3A_101 : memref<100000x16xf32, #tpu.memory_space<vmem_shared>>)
      %dma_wait3A_102 = arith.constant 1 : i32
      %dma_wait3A_103 = arith.constant 1 : i32
      %dma_wait3A_104 = arith.constant 1 : i32
      %dma_wait3A_105 = arith.constant 125 : i32
      %dma_wait3A_106 = arith.constant 0 : i32
      %dma_wait3A_107 = tpu.memref_slice %arg11[%dma_wait3A_102, %dma_wait3A_105, %dma_wait3A_106] : memref<2x625x16xf32, #tpu.memory_space<vmem>> -> memref<1x125x16xf32, #tpu.memory_space<vmem>>
      %dma_wait3A_108 = tpu.memref_squeeze %dma_wait3A_107 : memref<1x125x16xf32, #tpu.memory_space<vmem>> -> memref<125x16xf32, #tpu.memory_space<vmem>>
      %dma_wait3A_109 = arith.constant 0 : i32
      %dma_wait3A_110 = tpu.memref_slice %arg10[%dma_wait3A_103, %dma_wait3A_104, %dma_wait3A_109] : memref<2x5x125xi32, #tpu.memory_space<vmem>> -> memref<1x1x125xi32, #tpu.memory_space<vmem>>
      %dma_wait3A_111 = tpu.memref_squeeze %dma_wait3A_110 : memref<1x1x125xi32, #tpu.memory_space<vmem>> -> memref<125xi32, #tpu.memory_space<vmem>>
      %dma_wait3A_112 = arith.constant 0 : i32
      %dma_wait3A_113 = arith.constant 0 : i32
      %dma_wait3A_114 = tpu.memref_slice %arg8[%dma_wait3A_112, %dma_wait3A_113] : memref<100000x16xf32, #tpu.memory_space<vmem_shared>> -> memref<100000x16xf32, #tpu.memory_space<vmem_shared>>
      tpu.wait_indirect_dma semaphore(%arg13 : memref<!tpu.dma_semaphore, #tpu.memory_space<semaphore_mem>>) src(%dma_wait3A_108 : memref<125x16xf32, #tpu.memory_space<vmem>>) dst(%dma_wait3A_114 : memref<100000x16xf32, #tpu.memory_space<vmem_shared>>)
      %dma_wait3A_115 = arith.constant 1 : i32
      %dma_wait3A_116 = arith.constant 1 : i32
      %dma_wait3A_117 = arith.constant 2 : i32
      %dma_wait3A_118 = arith.constant 250 : i32
      %dma_wait3A_119 = arith.constant 0 : i32
      %dma_wait3A_120 = tpu.memref_slice %arg11[%dma_wait3A_115, %dma_wait3A_118, %dma_wait3A_119] : memref<2x625x16xf32, #tpu.memory_space<vmem>> -> memref<1x125x16xf32, #tpu.memory_space<vmem>>
      %dma_wait3A_121 = tpu.memref_squeeze %dma_wait3A_120 : memref<1x125x16xf32, #tpu.memory_space<vmem>> -> memref<125x16xf32, #tpu.memory_space<vmem>>
      %dma_wait3A_122 = arith.constant 0 : i32
      %dma_wait3A_123 = tpu.memref_slice %arg10[%dma_wait3A_116, %dma_wait3A_117, %dma_wait3A_122] : memref<2x5x125xi32, #tpu.memory_space<vmem>> -> memref<1x1x125xi32, #tpu.memory_space<vmem>>
      %dma_wait3A_124 = tpu.memref_squeeze %dma_wait3A_123 : memref<1x1x125xi32, #tpu.memory_space<vmem>> -> memref<125xi32, #tpu.memory_space<vmem>>
      %dma_wait3A_125 = arith.constant 0 : i32
      %dma_wait3A_126 = arith.constant 0 : i32
      %dma_wait3A_127 = tpu.memref_slice %arg8[%dma_wait3A_125, %dma_wait3A_126] : memref<100000x16xf32, #tpu.memory_space<vmem_shared>> -> memref<100000x16xf32, #tpu.memory_space<vmem_shared>>
      tpu.wait_indirect_dma semaphore(%arg13 : memref<!tpu.dma_semaphore, #tpu.memory_space<semaphore_mem>>) src(%dma_wait3A_121 : memref<125x16xf32, #tpu.memory_space<vmem>>) dst(%dma_wait3A_127 : memref<100000x16xf32, #tpu.memory_space<vmem_shared>>)
      %dma_wait3A_128 = arith.constant 1 : i32
      %dma_wait3A_129 = arith.constant 1 : i32
      %dma_wait3A_130 = arith.constant 3 : i32
      %dma_wait3A_131 = arith.constant 375 : i32
      %dma_wait3A_132 = arith.constant 0 : i32
      %dma_wait3A_133 = tpu.memref_slice %arg11[%dma_wait3A_128, %dma_wait3A_131, %dma_wait3A_132] : memref<2x625x16xf32, #tpu.memory_space<vmem>> -> memref<1x125x16xf32, #tpu.memory_space<vmem>>
      %dma_wait3A_134 = tpu.memref_squeeze %dma_wait3A_133 : memref<1x125x16xf32, #tpu.memory_space<vmem>> -> memref<125x16xf32, #tpu.memory_space<vmem>>
      %dma_wait3A_135 = arith.constant 0 : i32
      %dma_wait3A_136 = tpu.memref_slice %arg10[%dma_wait3A_129, %dma_wait3A_130, %dma_wait3A_135] : memref<2x5x125xi32, #tpu.memory_space<vmem>> -> memref<1x1x125xi32, #tpu.memory_space<vmem>>
      %dma_wait3A_137 = tpu.memref_squeeze %dma_wait3A_136 : memref<1x1x125xi32, #tpu.memory_space<vmem>> -> memref<125xi32, #tpu.memory_space<vmem>>
      %dma_wait3A_138 = arith.constant 0 : i32
      %dma_wait3A_139 = arith.constant 0 : i32
      %dma_wait3A_140 = tpu.memref_slice %arg8[%dma_wait3A_138, %dma_wait3A_139] : memref<100000x16xf32, #tpu.memory_space<vmem_shared>> -> memref<100000x16xf32, #tpu.memory_space<vmem_shared>>
      tpu.wait_indirect_dma semaphore(%arg13 : memref<!tpu.dma_semaphore, #tpu.memory_space<semaphore_mem>>) src(%dma_wait3A_134 : memref<125x16xf32, #tpu.memory_space<vmem>>) dst(%dma_wait3A_140 : memref<100000x16xf32, #tpu.memory_space<vmem_shared>>)
      %dma_wait3A_141 = arith.constant 1 : i32
      %dma_wait3A_142 = arith.constant 1 : i32
      %dma_wait3A_143 = arith.constant 4 : i32
      %dma_wait3A_144 = arith.constant 500 : i32
      %dma_wait3A_145 = arith.constant 0 : i32
      %dma_wait3A_146 = tpu.memref_slice %arg11[%dma_wait3A_141, %dma_wait3A_144, %dma_wait3A_145] : memref<2x625x16xf32, #tpu.memory_space<vmem>> -> memref<1x125x16xf32, #tpu.memory_space<vmem>>
      %dma_wait3A_147 = tpu.memref_squeeze %dma_wait3A_146 : memref<1x125x16xf32, #tpu.memory_space<vmem>> -> memref<125x16xf32, #tpu.memory_space<vmem>>
      %dma_wait3A_148 = arith.constant 0 : i32
      %dma_wait3A_149 = tpu.memref_slice %arg10[%dma_wait3A_142, %dma_wait3A_143, %dma_wait3A_148] : memref<2x5x125xi32, #tpu.memory_space<vmem>> -> memref<1x1x125xi32, #tpu.memory_space<vmem>>
      %dma_wait3A_150 = tpu.memref_squeeze %dma_wait3A_149 : memref<1x1x125xi32, #tpu.memory_space<vmem>> -> memref<125xi32, #tpu.memory_space<vmem>>
      %dma_wait3A_151 = arith.constant 0 : i32
      %dma_wait3A_152 = arith.constant 0 : i32
      %dma_wait3A_153 = tpu.memref_slice %arg8[%dma_wait3A_151, %dma_wait3A_152] : memref<100000x16xf32, #tpu.memory_space<vmem_shared>> -> memref<100000x16xf32, #tpu.memory_space<vmem_shared>>
      tpu.wait_indirect_dma semaphore(%arg13 : memref<!tpu.dma_semaphore, #tpu.memory_space<semaphore_mem>>) src(%dma_wait3A_147 : memref<125x16xf32, #tpu.memory_space<vmem>>) dst(%dma_wait3A_153 : memref<100000x16xf32, #tpu.memory_space<vmem_shared>>)
    } else {
    }
    %barrier3A_11 = arith.constant 0 : index
    tpu.barrier barrier_id(%barrier3A_11)
    %lt3A_12 = arith.constant 10 : i32
    %lt3A_13 = arith.cmpi slt, %arg1, %lt3A_12 : i32
    %convert_element_type3A_14 = arith.extui %lt3A_13 : i1 to i32
    %cond3A_15 = arith.constant 0 : i32
    %cond3A_16 = arith.cmpi ne, %convert_element_type3A_14, %cond3A_15 : i32
    scf.if %cond3A_16 {
      %mul3A = arith.constant 10000 : i32
      %mul3A_17 = arith.muli %arg1, %mul3A : i32
      %mul3A_18 = arith.constant 10000 : i32
      %mul3A_19 = arith.muli %arg1, %mul3A_18 : i32
      "tpu.region"() ({
        %run_scoped3A = tpu.sem_alloc : memref<!tpu.dma_semaphore, #tpu.memory_space<semaphore_mem>>
        %dma_start3A = arith.constant 0 : i32
        %dma_start3A_20 = tpu.memref_slice %arg7[%arg0, %mul3A_19, %dma_start3A] : memref<2x100000x16xf32, #tpu.memory_space<hbm>> -> memref<1x10000x16xf32, #tpu.memory_space<hbm>>
        %dma_start3A_21 = tpu.memref_squeeze %dma_start3A_20 : memref<1x10000x16xf32, #tpu.memory_space<hbm>> -> memref<10000x16xf32, #tpu.memory_space<hbm>>
        %dma_start3A_22 = arith.constant 0 : i32
        %dma_start3A_23 = tpu.memref_slice %arg8[%mul3A_17, %dma_start3A_22] : memref<100000x16xf32, #tpu.memory_space<vmem_shared>> -> memref<10000x16xf32, #tpu.memory_space<vmem_shared>>
        tpu.enqueue_dma source(%dma_start3A_23 : memref<10000x16xf32, #tpu.memory_space<vmem_shared>>) target(%dma_start3A_21 : memref<10000x16xf32, #tpu.memory_space<hbm>>) target_semaphore(%run_scoped3A : memref<!tpu.dma_semaphore, #tpu.memory_space<semaphore_mem>>)
        %dma_wait3A = arith.constant 0 : i32
        %dma_wait3A_24 = tpu.memref_slice %arg7[%arg0, %mul3A_19, %dma_wait3A] : memref<2x100000x16xf32, #tpu.memory_space<hbm>> -> memref<1x10000x16xf32, #tpu.memory_space<hbm>>
        %dma_wait3A_25 = tpu.memref_squeeze %dma_wait3A_24 : memref<1x10000x16xf32, #tpu.memory_space<hbm>> -> memref<10000x16xf32, #tpu.memory_space<hbm>>
        %dma_wait3A_26 = arith.constant 0 : i32
        %dma_wait3A_27 = tpu.memref_slice %arg8[%mul3A_17, %dma_wait3A_26] : memref<100000x16xf32, #tpu.memory_space<vmem_shared>> -> memref<10000x16xf32, #tpu.memory_space<vmem_shared>>
        tpu.wait_dma2 semaphore(%run_scoped3A : memref<!tpu.dma_semaphore, #tpu.memory_space<semaphore_mem>>) src(%dma_wait3A_27 : memref<10000x16xf32, #tpu.memory_space<vmem_shared>>) dst(%dma_wait3A_25 : memref<10000x16xf32, #tpu.memory_space<hbm>>)
        tpu.yield
      }) : () -> ()
    } else {
    }
    return
  }
}

module attributes {stable_mosaic.version = 14 : i64} {
  func.func @_idx_body(%arg0: i32, %arg1: memref<1600x125xi32, #tpu.memory_space<vmem>>, %arg2: memref<1600x125xi32, #tpu.memory_space<vmem>>, %arg3: memref<1600x125xi32, #tpu.memory_space<vmem>>, %arg4: memref<1600x125xi32, #tpu.memory_space<vmem>>, %arg5: memref<1600x125xi32, #tpu.memory_space<vmem>>) attributes {dimension_semantics = [#tpu.dimension_semantics<arbitrary>], iteration_bounds = array<i64: 8>, scalar_prefetch = 0 : i64, scratch_operands = 0 : i64, tpu.core_type = #tpu.core_type<tc>, window_params = [{transform_indices = @transform_0, window_bounds = array<i64: 1600, 125>}, {transform_indices = @transform_1, window_bounds = array<i64: 1600, 125>}, {transform_indices = @transform_2, window_bounds = array<i64: 1600, 125>}, {transform_indices = @transform_3, window_bounds = array<i64: 1600, 125>}, {transform_indices = @transform_4, window_bounds = array<i64: 1600, 125>}]} {
    %get3A = arith.constant 0 : index
    %get3A_0 = arith.constant 0 : index
    %get3A_1 = vector.load %arg3[%get3A, %get3A_0] : memref<1600x125xi32, #tpu.memory_space<vmem>>, vector<1600x125xi32>
    %get3A_2 = arith.constant 0 : index
    %get3A_3 = arith.constant 0 : index
    %get3A_4 = vector.load %arg1[%get3A_2, %get3A_3] : memref<1600x125xi32, #tpu.memory_space<vmem>>, vector<1600x125xi32>
    %mul3A = arith.constant 2 : i32
    %mul3A_5 = vector.broadcast %mul3A : i32 to vector<1600x125xi32>
    %mul3A_6 = arith.muli %get3A_4, %mul3A_5 : vector<1600x125xi32>
    %add3A = arith.addi %mul3A_6, %get3A_1 : vector<1600x125xi32>
    %swap3A = arith.constant 0 : index
    %swap3A_7 = arith.constant 0 : index
    %swap3A_8 = vector.load %arg4[%swap3A, %swap3A_7] : memref<1600x125xi32, #tpu.memory_space<vmem>>, vector<1600x125xi32>
    tpu.vector_store %arg4[%swap3A, %swap3A_7], %add3A {strides = array<i32>} : memref<1600x125xi32, #tpu.memory_space<vmem>>, vector<1600x125xi32>,
    %get3A_9 = arith.constant 0 : index
    %get3A_10 = arith.constant 0 : index
    %get3A_11 = vector.load %arg2[%get3A_9, %get3A_10] : memref<1600x125xi32, #tpu.memory_space<vmem>>, vector<1600x125xi32>
    %mul3A_12 = arith.constant 2 : i32
    %mul3A_13 = vector.broadcast %mul3A_12 : i32 to vector<1600x125xi32>
    %mul3A_14 = arith.muli %get3A_11, %mul3A_13 : vector<1600x125xi32>
    %add3A_15 = arith.addi %mul3A_14, %get3A_1 : vector<1600x125xi32>
    %swap3A_16 = arith.constant 0 : index
    %swap3A_17 = arith.constant 0 : index
    %swap3A_18 = vector.load %arg5[%swap3A_16, %swap3A_17] : memref<1600x125xi32, #tpu.memory_space<vmem>>, vector<1600x125xi32>
    tpu.vector_store %arg5[%swap3A_16, %swap3A_17], %add3A_15 {strides = array<i32>} : memref<1600x125xi32, #tpu.memory_space<vmem>>, vector<1600x125xi32>,
    return
  }
  func.func @transform_0(%arg0: i32) -> (i32, i32) {
    %c0_i32 = arith.constant 0 : i32
    %c0_i32_0 = arith.constant 0 : i32
    return %arg0, %c0_i32 : i32, i32
  }
  func.func @transform_1(%arg0: i32) -> (i32, i32) {
    %c0_i32 = arith.constant 0 : i32
    %c0_i32_0 = arith.constant 0 : i32
    return %arg0, %c0_i32 : i32, i32
  }
  func.func @transform_2(%arg0: i32) -> (i32, i32) {
    %c0_i32 = arith.constant 0 : i32
    %c0_i32_0 = arith.constant 0 : i32
    return %arg0, %c0_i32 : i32, i32
  }
  func.func @transform_3(%arg0: i32) -> (i32, i32) {
    %c0_i32 = arith.constant 0 : i32
    %c0_i32_0 = arith.constant 0 : i32
    return %arg0, %c0_i32 : i32, i32
  }
  func.func @transform_4(%arg0: i32) -> (i32, i32) {
    %c0_i32 = arith.constant 0 : i32
    %c0_i32_0 = arith.constant 0 : i32
    return %arg0, %c0_i32 : i32, i32
  }
}

module attributes {stable_mosaic.version = 14 : i64} {
  func.func @_proj_body(%arg0: i32, %arg1: memref<2x2xf32, #tpu.memory_space<smem>>, %arg2: memref<5000x128xf32, #tpu.memory_space<vmem>>, %arg3: memref<5000x1xf32, #tpu.memory_space<vmem>>, %arg4: memref<2x128x16xf32, #tpu.memory_space<vmem>>, %arg5: memref<5000x32xf32, #tpu.memory_space<vmem>>) attributes {dimension_semantics = [#tpu.dimension_semantics<arbitrary>], iteration_bounds = array<i64: 10>, scalar_prefetch = 0 : i64, scratch_operands = 0 : i64, tpu.core_type = #tpu.core_type<tc>, window_params = [{transform_indices = @transform_0, window_bounds = array<i64: 2, 2>}, {transform_indices = @transform_1, window_bounds = array<i64: 5000, 128>}, {transform_indices = @transform_2, window_bounds = array<i64: 5000, 1>}, {pipeline_mode = #tpu.pipeline_mode<synchronous>, transform_indices = @transform_3, window_bounds = array<i64: 2, 128, 16>}, {transform_indices = @transform_4, window_bounds = array<i64: 5000, 32>}]} {
    %get3A = arith.constant 0 : index
    %get3A_0 = arith.constant 0 : index
    %get3A_1 = arith.constant 0 : index
    %get3A_2 = vector.load %arg4[%get3A, %get3A_0, %get3A_1] : memref<2x128x16xf32, #tpu.memory_space<vmem>>, vector<1x128x16xf32>
    %get3A_3 = vector.shape_cast %get3A_2 : vector<1x128x16xf32> to vector<128x16xf32>
    %get3A_4 = arith.constant 1 : index
    %get3A_5 = arith.constant 0 : index
    %get3A_6 = arith.constant 0 : index
    %get3A_7 = vector.load %arg4[%get3A_4, %get3A_5, %get3A_6] : memref<2x128x16xf32, #tpu.memory_space<vmem>>, vector<1x128x16xf32>
    %get3A_8 = vector.shape_cast %get3A_7 : vector<1x128x16xf32> to vector<128x16xf32>
    %get3A_9 = arith.constant 0 : index
    %get3A_10 = arith.constant 0 : index
    %get3A_11 = memref.load %arg1[%get3A_9, %get3A_10] : memref<2x2xf32, #tpu.memory_space<smem>>
    %mul3A = vector.broadcast %get3A_11 : f32 to vector<128x16xf32>
    %mul3A_12 = arith.mulf %mul3A, %get3A_3 : vector<128x16xf32>
    %get3A_13 = arith.constant 0 : index
    %get3A_14 = arith.constant 1 : index
    %get3A_15 = memref.load %arg1[%get3A_13, %get3A_14] : memref<2x2xf32, #tpu.memory_space<smem>>
    %mul3A_16 = vector.broadcast %get3A_15 : f32 to vector<128x16xf32>
    %mul3A_17 = arith.mulf %mul3A_16, %get3A_8 : vector<128x16xf32>
    %add3A = arith.addf %mul3A_12, %mul3A_17 : vector<128x16xf32>
    %get3A_18 = arith.constant 1 : index
    %get3A_19 = arith.constant 0 : index
    %get3A_20 = memref.load %arg1[%get3A_18, %get3A_19] : memref<2x2xf32, #tpu.memory_space<smem>>
    %mul3A_21 = vector.broadcast %get3A_20 : f32 to vector<128x16xf32>
    %mul3A_22 = arith.mulf %mul3A_21, %get3A_3 : vector<128x16xf32>
    %get3A_23 = arith.constant 1 : index
    %get3A_24 = arith.constant 1 : index
    %get3A_25 = memref.load %arg1[%get3A_23, %get3A_24] : memref<2x2xf32, #tpu.memory_space<smem>>
    %mul3A_26 = vector.broadcast %get3A_25 : f32 to vector<128x16xf32>
    %mul3A_27 = arith.mulf %mul3A_26, %get3A_8 : vector<128x16xf32>
    %add3A_28 = arith.addf %mul3A_22, %mul3A_27 : vector<128x16xf32>
    %concatenate3A = tpu.concatenate %add3A, %add3A_28 in 1 : vector<128x16xf32>, vector<128x16xf32> -> vector<128x32xf32>
    %get3A_29 = arith.constant 0 : index
    %get3A_30 = arith.constant 0 : index
    %get3A_31 = vector.load %arg2[%get3A_29, %get3A_30] : memref<5000x128xf32, #tpu.memory_space<vmem>>, vector<5000x128xf32>
    %dot_general3A = arith.constant dense<0.000000e+00> : vector<5000x32xf32>
    %dot_general3A_32 = tpu.matmul %get3A_31, %concatenate3A, %dot_general3A {dimension_numbers = #tpu.dot_dimension_numbers<[1], [0], [0], [1], [0, 0, 1, 1], [], []>, transpose_lhs_hint = false} : vector<5000x128xf32>, vector<128x32xf32>, vector<5000x32xf32> -> vector<5000x32xf32>
    %get3A_33 = arith.constant 0 : index
    %get3A_34 = arith.constant 0 : index
    %get3A_35 = vector.load %arg3[%get3A_33, %get3A_34] : memref<5000x1xf32, #tpu.memory_space<vmem>>, vector<5000x1xf32>
    %mul3A_36 = vector.broadcast %get3A_35 : vector<5000x1xf32> to vector<5000x32xf32>
    %mul3A_37 = arith.mulf %dot_general3A_32, %mul3A_36 : vector<5000x32xf32>
    %swap3A = arith.constant 0 : index
    %swap3A_38 = arith.constant 0 : index
    %swap3A_39 = vector.load %arg5[%swap3A, %swap3A_38] : memref<5000x32xf32, #tpu.memory_space<vmem>>, vector<5000x32xf32>
    tpu.vector_store %arg5[%swap3A, %swap3A_38], %mul3A_37 {strides = array<i32>} : memref<5000x32xf32, #tpu.memory_space<vmem>>, vector<5000x32xf32>,
    return
  }
  func.func @transform_0(%arg0: i32) -> (i32, i32) {
    %c0_i32 = arith.constant 0 : i32
    %c0_i32_0 = arith.constant 0 : i32
    %c0_i32_1 = arith.constant 0 : i32
    return %c0_i32, %c0_i32_0 : i32, i32
  }
  func.func @transform_1(%arg0: i32) -> (i32, i32) {
    %c0_i32 = arith.constant 0 : i32
    %c0_i32_0 = arith.constant 0 : i32
    return %arg0, %c0_i32 : i32, i32
  }
  func.func @transform_2(%arg0: i32) -> (i32, i32) {
    %c0_i32 = arith.constant 0 : i32
    %c0_i32_0 = arith.constant 0 : i32
    return %arg0, %c0_i32 : i32, i32
  }
  func.func @transform_3(%arg0: i32) -> (i32, i32, i32) {
    %c0_i32 = arith.constant 0 : i32
    %c0_i32_0 = arith.constant 0 : i32
    %c0_i32_1 = arith.constant 0 : i32
    %c0_i32_2 = arith.constant 0 : i32
    return %c0_i32, %c0_i32_0, %c0_i32_1 : i32, i32, i32
  }
  func.func @transform_4(%arg0: i32) -> (i32, i32) {
    %c0_i32 = arith.constant 0 : i32
    %c0_i32_0 = arith.constant 0 : i32
    return %arg0, %c0_i32 : i32, i32
  }
}

module attributes {stable_mosaic.version = 14 : i64} {
  func.func @_fc_body(%arg0: i32, %arg1: memref<10000x16xf32, #tpu.memory_space<vmem>>, %arg2: memref<5000x1xf32, #tpu.memory_space<vmem>>, %arg3: memref<16x64xf32, #tpu.memory_space<vmem>>, %arg4: memref<1x64xf32, #tpu.memory_space<vmem>>, %arg5: memref<10000x64xf32, #tpu.memory_space<vmem>>) attributes {dimension_semantics = [#tpu.dimension_semantics<arbitrary>], iteration_bounds = array<i64: 10>, scalar_prefetch = 0 : i64, scratch_operands = 0 : i64, tpu.core_type = #tpu.core_type<tc>, window_params = [{transform_indices = @transform_0, window_bounds = array<i64: 10000, 16>}, {transform_indices = @transform_1, window_bounds = array<i64: 5000, 1>}, {pipeline_mode = #tpu.pipeline_mode<synchronous>, transform_indices = @transform_2, window_bounds = array<i64: 16, 64>}, {pipeline_mode = #tpu.pipeline_mode<synchronous>, transform_indices = @transform_3, window_bounds = array<i64: 1, 64>}, {transform_indices = @transform_4, window_bounds = array<i64: 10000, 64>}]} {
    %get3A = arith.constant 0 : index
    %get3A_0 = arith.constant 0 : index
    %get3A_1 = vector.load %arg1[%get3A, %get3A_0] : memref<10000x16xf32, #tpu.memory_space<vmem>>, vector<10000x16xf32>
    %get3A_2 = arith.constant 0 : index
    %get3A_3 = arith.constant 0 : index
    %get3A_4 = vector.load %arg3[%get3A_2, %get3A_3] : memref<16x64xf32, #tpu.memory_space<vmem>>, vector<16x64xf32>
    %dot_general3A = arith.constant dense<0.000000e+00> : vector<10000x64xf32>
    %dot_general3A_5 = tpu.matmul %get3A_1, %get3A_4, %dot_general3A {dimension_numbers = #tpu.dot_dimension_numbers<[1], [0], [0], [1], [0, 0, 1, 1], [], []>, transpose_lhs_hint = false} : vector<10000x16xf32>, vector<16x64xf32>, vector<10000x64xf32> -> vector<10000x64xf32>
    %get3A_6 = arith.constant 0 : index
    %get3A_7 = arith.constant 0 : index
    %get3A_8 = vector.load %arg2[%get3A_6, %get3A_7] : memref<5000x1xf32, #tpu.memory_space<vmem>>, vector<5000x1xf32>
    %reshape3A = vector.shape_cast %dot_general3A_5 : vector<10000x64xf32> to vector<5000x2x64xf32>
    %broadcast_in_dim3A = vector.shape_cast %get3A_8 : vector<5000x1xf32> to vector<5000x1x1xf32>
    %mul3A = vector.broadcast %broadcast_in_dim3A : vector<5000x1x1xf32> to vector<5000x2x64xf32>
    %mul3A_9 = arith.mulf %reshape3A, %mul3A : vector<5000x2x64xf32>
    %reshape3A_10 = vector.shape_cast %mul3A_9 : vector<5000x2x64xf32> to vector<10000x64xf32>
    %get3A_11 = arith.constant 0 : index
    %get3A_12 = arith.constant 0 : index
    %get3A_13 = vector.load %arg4[%get3A_11, %get3A_12] : memref<1x64xf32, #tpu.memory_space<vmem>>, vector<1x64xf32>
    %add3A = vector.broadcast %get3A_13 : vector<1x64xf32> to vector<10000x64xf32>
    %add3A_14 = arith.addf %reshape3A_10, %add3A : vector<10000x64xf32>
    %swap3A = arith.constant 0 : index
    %swap3A_15 = arith.constant 0 : index
    %swap3A_16 = vector.load %arg5[%swap3A, %swap3A_15] : memref<10000x64xf32, #tpu.memory_space<vmem>>, vector<10000x64xf32>
    tpu.vector_store %arg5[%swap3A, %swap3A_15], %add3A_14 {strides = array<i32>} : memref<10000x64xf32, #tpu.memory_space<vmem>>, vector<10000x64xf32>,
    return
  }
  func.func @transform_0(%arg0: i32) -> (i32, i32) {
    %c0_i32 = arith.constant 0 : i32
    %c0_i32_0 = arith.constant 0 : i32
    return %arg0, %c0_i32 : i32, i32
  }
  func.func @transform_1(%arg0: i32) -> (i32, i32) {
    %c0_i32 = arith.constant 0 : i32
    %c0_i32_0 = arith.constant 0 : i32
    return %arg0, %c0_i32 : i32, i32
  }
  func.func @transform_2(%arg0: i32) -> (i32, i32) {
    %c0_i32 = arith.constant 0 : i32
    %c0_i32_0 = arith.constant 0 : i32
    %c0_i32_1 = arith.constant 0 : i32
    return %c0_i32, %c0_i32_0 : i32, i32
  }
  func.func @transform_3(%arg0: i32) -> (i32, i32) {
    %c0_i32 = arith.constant 0 : i32
    %c0_i32_0 = arith.constant 0 : i32
    %c0_i32_1 = arith.constant 0 : i32
    return %c0_i32, %c0_i32_0 : i32, i32
  }
  func.func @transform_4(%arg0: i32) -> (i32, i32) {
    %c0_i32 = arith.constant 0 : i32
    %c0_i32_0 = arith.constant 0 : i32
    return %arg0, %c0_i32 : i32, i32
  }
}

</mosaic_0001>

<sc_bundles>
// kernel: kernel.8.cloned.1.call-start
scs
__scs_entry_jumppad:
0x0: {  	(pc) =	sbr.rel $0x88, $3  }
0x1: {  	(tag) =	ssettag $0x0;
	lr =	simm.s32 $0x1  }
0x2: {  	[smem:$0x3F95] =	sst lr;
	_ =	strace $0xD0000000  }
0x3: {  	_ = 	snop  }
0x4: {  	_ = 	snop  }
0x5: {  	_ = 	snop  }
0x6: {  	_ = 	snop  }
0x7: {  	_ = 	snop  }
__scs_overlays_trampoline_lowered:
0x8: {  	[smem:$0x3FA4] =	sst s0  }
0x9: {  	[smem:$0x3FA5] =	sst s1  }
0xa: {  	[smem:$0x3FA6] =	sst s2  }
0xb: {  	[smem:$0x3FA7] =	sst s3  }
0xc: {  	[smem:$0x3FA8] =	sst s4  }
0xd: {  	[smem:$0x3FA9] =	sst s5  }
0xe: {  	[smem:$0x3FAA] =	sst s6  }
0xf: {  	[smem:$0x3FAB] =	sst s7  }
0x10: {  	[smem:$0x3FAC] =	sst s8  }
0x11: {  	[smem:$0x3FAD] =	sst s9;
	s0 =	simm.s32 @!p0 $0x0  }
0x12: {  	s1 =	sld [smem:$0x3F93];
	s0 =	simm.s32 @p0 $0x1  }
0x13: {  	[smem:$0x3FAE] =	sst s0;
	s0 =	simm.s32 @!p1 $0x0  }
0x14: {  	s2 =	sld [smem:$0x3F92];
	s0 =	simm.s32 @p1 $0x1  }
0x15: {  	[smem:$0x3FAF] =	sst s0;
	s0 =	simm.s32 @!p2 $0x0  }
0x16: {  	s3 =	sld [smem:$0x3FDB];
	s0 =	simm.s32 @p2 $0x1  }
0x17: {  	s4 =	simm.s32 $0x1BF5;
	[smem:$0x3FB1] =	sst s0  }
0x18: {  	s0 =	sld [smem:$0x3F94];
	_ =	swait.ge [sflag:s4], $0x0  }
0x19: {  	s7 =	sld [smem:$0x3F95]  }
0x1a: {  	s8 =	sadd.s32 $0xFFFFE003, lr  }
0x1b: {  	s9 =	sadd.s32 $0xFFFFFEF7, lr;
	s5 =	simm.s32 $0xFFFFFFFF;
	p2 =	slt.u32 s8, $0xFFFFF086  }
0x1c: {  	p1 =	slt.u32 s9, $0xF7A;
	s5 =	simm.s32 @!p2 $0x0  }
0x1d: {  	s5 =	simm.s32 @p1 $0x1;
	p0 =	seq.s32 s7, s2  }
0x1e: {  	s7 =	smul.u32 @!p0 $0xF7A, s2;
	p2 =	seq.s32 @!p0 s5, $0x0  }
0x1f: {  	s9 =	smul.u32 $0xF7A, s1;
	s8 =	simm.s32 @!p0 $0x1BF5;
	p2 =	por !p2, p0  }
0x20: {  	[sflag:s8] =	ssyncset.s32 @!p0 $0xFFFFF086;
	s6 =	sadd.s32 @!p0 s3, s7;
	s7 =	simm.s32 @!p0 $0x108  }
0x21: {  	s3 =	sadd.s32 s3, s9;
	s6 =	sadd.s32 @!p0 $0x88, s6;
	s7 =	simm.s32 @p2 $0x1082  }
0x22: {  	[simem:s7], [sflag:s8] =	dma.local @!p0 [hbm:s6], $0xF7A  }
0x23: {  	s9 =	sor.u32 $0xD0000000, s2;
	s6 =	simm.s32 $0x108;
	_ =	swait.ge @!p0 [sflag:s8], $0x0  }
0x24: {  	s3 =	sadd.s32 $0x88, s3;
	s6 =	simm.s32 @!p1 $0x1082;
	[sflag:s4] =	ssyncset.s32 $0xFFFFF086  }
0x25: {  	[simem:s6], [sflag:s4] =	dma.local [hbm:s3], $0xF7A  }
0x26: {  	[smem:$0x3F95] =	sst s1;
	(tag) =	ssettag s2;
	_ =	strace s9  }
0x27: {  	s1 =	sld [smem:$0x3FA5]  }
0x28: {  	s2 =	sld [smem:$0x3FA6]  }
0x29: {  	s4 =	sld [smem:$0x3FA8]  }
0x2a: {  	p0 =	seq.s32 s5, $0x0;
	s5 =	sld [smem:$0x3FA9]  }
0x2b: {  	s6 =	sld [smem:$0x3FAA]  }
0x2c: {  	s7 =	sld [smem:$0x3FAB]  }
0x2d: {  	s3 =	simm.s32 $0x108;
	s8 =	sld [smem:$0x3FAC]  }
0x2e: {  	s3 =	simm.s32 @!p0 $0x1082;
	s9 =	sld [smem:$0x3FAD]  }
0x2f: {  	lr =	sadd.s32 s0, s3;
	s0 =	sld [smem:$0x3FA4]  }
0x30: {  	s3 =	sld [smem:$0x3FA7]  }
0x31: {  	[smem:$0x3FB0] =	sst s10  }
0x32: {  	s10 =	sld [smem:$0x3FAE];
	_ =	sdelay $0x3  }
0x33: {  	p0 =	seq.s32 s10, $0x1;
	s10 =	sld [smem:$0x3FB0];
	_ =	sdelay $0x3  }
0x34: {  	[smem:$0x3FB0] =	sst s10  }
0x35: {  	s10 =	sld [smem:$0x3FAF];
	_ =	sdelay $0x3  }
0x36: {  	p1 =	seq.s32 s10, $0x1;
	s10 =	sld [smem:$0x3FB0];
	_ =	sdelay $0x3  }
0x37: {  	[smem:$0x3FB0] =	sst s10  }
0x38: {  	s10 =	sld [smem:$0x3FB1]  }
0x39: {  	_ = 	snop;
	(pc) =	sbr.ind lr, $3  }
0x3a: {  	_ = 	snop  }
0x3b: {  	_ = 	snop  }
0x3c: {  	p2 =	seq.s32 s10, $0x1;
	s10 =	sld [smem:$0x3FB0]  }
0x3d: {  	_ =	shalt  }
0x3e: {  	_ =	shalt  }
0x3f: {  	_ =	shalt  }
0x40: {  	_ =	shalt  }
0x41: {  	_ =	shalt  }
0x42: {  	_ =	shalt  }
0x43: {  	_ =	shalt  }
0x44: {  	_ =	shalt  }
0x45: {  	_ =	shalt  }
0x46: {  	_ =	shalt  }
0x47: {  	_ =	shalt  }
0x48: {  	_ =	shalt  }
0x49: {  	_ =	shalt  }
0x4a: {  	_ =	shalt  }
0x4b: {  	_ =	shalt  }
0x4c: {  	_ =	shalt  }
0x4d: {  	_ =	shalt  }
0x4e: {  	_ =	shalt  }
0x4f: {  	_ =	shalt  }
0x50: {  	_ =	shalt  }
0x51: {  	_ =	shalt  }
0x52: {  	_ =	shalt  }
0x53: {  	_ =	shalt  }
0x54: {  	_ =	shalt  }
0x55: {  	_ =	shalt  }
0x56: {  	_ =	shalt  }
0x57: {  	_ =	shalt  }
0x58: {  	_ =	shalt  }
0x59: {  	_ =	shalt  }
0x5a: {  	_ =	shalt  }
0x5b: {  	_ =	shalt  }
0x5c: {  	_ =	shalt  }
0x5d: {  	_ =	shalt  }
0x5e: {  	_ =	shalt  }
0x5f: {  	_ =	shalt  }
0x60: {  	_ =	shalt  }
0x61: {  	_ =	shalt  }
0x62: {  	_ =	shalt  }
0x63: {  	_ =	shalt  }
0x64: {  	_ =	shalt  }
0x65: {  	_ =	shalt  }
0x66: {  	_ =	shalt  }
0x67: {  	_ =	shalt  }
0x68: {  	_ =	shalt  }
0x69: {  	_ =	shalt  }
0x6a: {  	_ =	shalt  }
0x6b: {  	_ =	shalt  }
0x6c: {  	_ =	shalt  }
0x6d: {  	_ =	shalt  }
0x6e: {  	_ =	shalt  }
0x6f: {  	_ =	shalt  }
0x70: {  	_ =	shalt  }
0x71: {  	_ =	shalt  }
0x72: {  	_ =	shalt  }
0x73: {  	_ =	shalt  }
0x74: {  	_ =	shalt  }
0x75: {  	_ =	shalt  }
0x76: {  	_ =	shalt  }
0x77: {  	_ =	shalt  }
0x78: {  	_ =	shalt  }
0x79: {  	_ =	shalt  }
0x7a: {  	_ =	shalt  }
0x7b: {  	_ =	shalt  }
0x7c: {  	_ =	shalt  }
0x7d: {  	_ =	shalt  }
0x7e: {  	_ =	shalt  }
0x7f: {  	_ =	shalt  }
0x80: {  	_ =	shalt  }
0x81: {  	_ =	shalt  }
0x82: {  	_ =	shalt  }
0x83: {  	_ =	shalt  }
0x84: {  	_ =	shalt  }
0x85: {  	_ =	shalt  }
0x86: {  	_ =	shalt  }
0x87: {  	_ =	shalt  }
.Lfunc_end0:
.L_simem_size_0:
called_computation_lowered:
.L_overlay_start_0:
0x88: {  	s2 =	sld [smem:$0x3FD9]  }
0x89: {  	s3 =	sld [smem:$0x3FFE];
	_ =	sdelay $0x1  }
0x8a: {  	s1 =	srdreg.scid  }
0x8b: {  	s0 =	sand.u32 $0x1, s1  }
0x8c: {  	s14 =	sshll.u32 s0, $0xA;
	s2 =	sadd.s32 s3, s2  }
0x8d: {  	s2 =	sadd.s32 s2, s14  }
0x8e: {  	[smem:$0x3FBC] =	sst s2  }
0x8f: {  	_ = 	snop  }
0x90: {  	s2 =	sld [smem:$0x3FD0];
	_ =	sdelay $0x2  }
0x91: {  	s15 =	simm.s32 $0xA;
	s4 =	simm.s32 $0x10  }
0x92: {  	[smem:s4], [sflag:s15] =	dma.local [hbm:s2], $0x1  }
0x93: {  	_ =	swait.eq [sflag:s15], $0x1  }
0x94: {  	[sflag:s15] =	ssyncset.done $0x0  }
0x95: {  	[sflag:s15] =	ssyncadd.s32 $0xFFFFFFFF  }
0x96: {  	s16 =	sld [smem:$0x10];
	(tm) =	ssettm $0x1  }
0x97: {  	s17 =	sld [smem:$0x3FFB];
	_ =	sdelay $0x3  }
0x98: {  	_ =	strace s17  }
0x99: {  	s3 =	sld [smem:$0x3FFC];
	_ =	sdelay $0x3  }
0x9a: {  	_ =	strace s3  }
0x9b: {  	s3 =	sld [smem:$0x3FFD];
	_ =	sdelay $0x3  }
0x9c: {  	_ =	strace s3  }
0x9d: {  	_ =	strace $0x8FFFFFFF  }
0x9e: {  	s18 =	sld [smem:$0x3FDB];
	_ =	sdelay $0x1  }
0x9f: {  	s19 =	simm.s32 $_scs_section_size  }
0xa0: {  	s5 =	simm.s32 $_size__tile_overlayer_lowered;
	s6 =	simm.s32 $_tile_overlayer_lowered  }
0xa1: {  	s22 =	simm.s32 $0x1BFF;
	s21 =	sshll.u32 s6, $0x1;
	s3 =	sadd.s32 s19, s18  }
0xa2: {  	s7 =	simm.s32 $0x0;
	s20 =	sshll.u32 s5, $0x1;
	s5 =	sadd.s32 s21, s3  }
0xa3: {  	[timem:s7], [sflag:s22] =	dma.local [hbm:s5], s20  }
0xa4: {  	_ =	swait.ge [sflag:s22], s20  }
0xa5: {  	s4 =	ssub.s32 $0x0, s20;
	[sflag:s22] =	ssyncset.done $0x0  }
0xa6: {  	[sflag:s22] =	ssyncadd.s32 s4;
	_ =	sdelay $0x1  }
0xa7: {  	s23 =	simm.s32 $0x1B8B  }
0xa8: {  	_ =	swait.ge [sflag:s23], $0x1  }
0xa9: {  	[sflag:s23] =	ssyncset.done $0x0  }
0xaa: {  	s25 =	simm.s32 $0x1B8E;
	s24 =	sld [smem:$0x3FFE];
	[sflag:s23] =	ssyncadd.s32 $0xFFFFFFFF  }
0xab: {  	s26 =	simm.s32 $execute0_lowered;
	[smem:$0x3FD2] =	sst s25  }
0xac: {  	s5 =	sshll.u32 s26, $0x1;
	_ =	strace $0x80000046;
	[dreg:$0x1] =	wrdreg $0xFFFFFFFF  }
0xad: {  	s28 =	simm.s32 $_size_execute0_lowered;
	s3 =	sadd.s32 s3, s5;
	[dreg:$0x0] =	wrdreg $0x0  }
0xae: {  	s5 =	sshll.u32 s28, $0x1;
	[dreg:$0x2] =	wrdreg s3  }
0xaf: {  	[dreg:$0x3] =	wrdreg s5  }
0xb0: {  	[dreg:$0x4] =	wrdreg $0xC0  }
0xb1: {  	_ =	task [dreg:s7], $0x5FFFF  }
0xb2: {  	[dreg:$0x1] =	wrdreg $0xFFFFFFFF  }
0xb3: {  	[dreg:$0x0] =	wrdreg $0x60  }
0xb4: {  	[dreg:$0x2] =	wrdreg s24  }
0xb5: {  	[dreg:$0x3] =	wrdreg s16  }
0xb6: {  	[dreg:$0x4] =	wrdreg $0x0  }
0xb7: {  	[dreg:$0x5] =	wrdreg $0x9  }
0xb8: {  	_ =	task.clear_ibuf [dreg:s7], $0x6FFFF;
	_ =	strace $0x90000046  }
0xb9: {  	s29 =	simm.s32 $0x9;
	_ =	strace $0x80000048  }
0xba: {  	_ =	swait.ge [sflag:s29], $0x1  }
0xbb: {  	[sflag:s29] =	ssyncadd.s32 $0xFFFFFFFF  }
0xbc: {  	_ =	strace $0x90000048  }
0xbd: {  	_ =	sfence  }
0xbe: {  	s30 =	sld [smem:$0x0];
	_ =	sdelay $0x2  }
0xbf: {  	s31 =	sshll.u32 s1, $0xD;
	s1 =	sshrl.u32 s1, $0x2  }
0xc0: {  	s3 =	sand.u32 $0x4000, s31;
	s1 =	sadd.s32 s1, s30  }
0xc1: {  	s0 =	sor.u32 s3, s0;
	s1 =	sshll.u32 s1, $0x11  }
0xc2: {  	s0 =	sor.u32 s1, s0  }
0xc3: {  	s0 =	sadd.s32 $0x8F2B, s0  }
0xc4: {  	[sflag:s0] =	ssyncadd.remote.s32 $0x1  }
0xc5: {  	_ =	sfence.sel $0xFFFF  }
0xc6: {  	[dreg:$0x0] =	wrdreg $0xFFFFFFFF;
	(pc) =	sbr.abs _section_cstart, $3  }
0xc7: {  	[dreg:$0x1] =	wrdreg $0xFFFFFFFF  }
0xc8: {  	_ =	task.clear_ibuf [dreg:s7], $0x2FFFF;
	_ =	strace $0x9FFFFFFF  }
0xc9: {  	(tm) =	ssettm $0x7FFFFFFF  }
tec
execute0_lowered:
.L_overlay_start_1:
0x0: {  	(tag) =	ssettag $0x1  }
0x1: {  	s0 =	rddreg [dreg:$0x0]  }
0x2: {  	s2 =	rddreg [dreg:$0x1]  }
0x3: {  	s1 =	rddreg [dreg:$0x2];
	s3 =	simm.s32 $0x0  }
0x4: {  	s13 =	stileid.u32;
	s7 =	srdreg.scid;
	s14 =	simm.s32 $0x3  }
0x5: {  	s16 =	simm.s32 $0x7D;
	s18 =	simm.s32 $0x19870;
	s15 =	simm.s32 $0x1A040  }
0x6: {  	s17 =	simm.s32 $0x1A810;
	s19 =	simm.s32 $0x1AFE0;
	s28 =	simm.s32 $0x18920  }
0x7: {  	s29 =	simm.s32 $0x18E20;
	s30 =	simm.s32 $0x1;
	s31 =	simm.s32 $0x1B7B0  }
0x8: {  	s22 =	simm.s32 $0x18A20;
	s20 =	simm.s32 $0x1C750;
	s24 =	simm.s32 $0x1CF20  }
0x9: {  	s23 =	simm.s32 $0x18CA0;
	s21 =	simm.s32 $0x0;
	s6 =	smul.u32 $0x3200, s13  }
0xa: {  	[smem:$0x7FF] =	sst s3;
	s4 =	sadd.s32 $0x96600, s0;
	s8 =	smul.u32 $0x9C400, s13  }
0xb: {  	s5 =	sadd.s32 $0x65800, s0;
	s7 =	sand.u32 $0x1, s7;
	s12 =	smul.u32 $0x27100, s13  }
0xc: {  	p1 =	sgt.u32 s13, $0x9;
	_ =	strace $0x80000047;
	s9 =	ssub.s32 $0x2, s7  }
0xd: {  	s10 =	smul.u32 $0x186A00, s7;
	p0 =	seq.s32 s7, $0x1;
	s6 =	sadd.s32 s6, s0  }
0xe: {  	s11 =	sshrl.u32 s9, $0x1;
	s8 =	sshrl.u32 s8, $0x2;
	s0 =	sadd.s32 $0xC7400, s0  }
0xf: {  	[dreg:$0x4] =	wrdreg s0;
	s25 =	ssub.s32 s9, s11;
	s9 =	sadd.s32 s8, s1  }
0x10: {  	s7 =	sadd.s32 $0x33800, s6;
	s10 =	sadd.s32 s12, s10;
	s8 =	sadd.s32 $0x1800, s6  }
0x11: {  	s6 =	sshll.u32 @!p1 s13, $0x6;
	s11 =	simm.s32 $0x2;
	s26 =	sshrl.u32 s10, $0x3  }
0x12: {  	s0 =	smax.u32 s25, $0x1;
	s13 =	sor.u32 @!p1 $0x1C03, s6;
	s10 =	simm.s32 $0x18BA0  }
.Ltmp0:
0x13: {  	s25 =	simm.s32 $0x18AA0;
	[dreg:$0x6] =	wrdreg s0;
	(pc) =	sbr.rel .LBB2_1-.Ltmp0, $4  }
0x14: {  	s6 =	simm.s32 $0x1D6F0;
	s2 =	sadd.s32 s2, s26;
	[dreg:$0x7] =	wrdreg s13  }
0x15: {  	s0 =	sshrl.u32 @!p1 s9, $0x3;
	[dreg:$0x5] =	wrdreg s2;
	s2 =	sadd.s32 s12, s1  }
0x16: {  	s26 =	simm.s32 $0x18B20;
	[dreg:$0x8] =	wrdreg s0;
	s0 =	sshrl.u32 @!p1 s2, $0x3  }
0x17: {  	s12 =	simm.s32 $0x190A0;
	s2 =	simm.s32 $0x1BF80;
	[dreg:$0x9] =	wrdreg s0  }
.LBB2_7:
0x18: {  	s0 =	simm.s32 @!p2 $0x2;
	s25 =	simm.s32 $0x19020  }
0x19: {  	[spmem:s1] =	stream.indirect.scatter.add.f32 [tilespmem:s6], [sflag:$0x2], $0x10, s25, s16, $0xb8;
	[tilespmem:$0x1DEC0] =	vst v63  }
0x1a: {  	_ =	swait.ge @!p2 [sflag:s0], $0x7D0  }
0x1b: {  	[sflag:s0] =	ssyncset.done @!p2 $0x0  }
0x1c: {  	[sflag:s0] =	ssyncadd.s32 @!p2 $0xFFFFF830  }
0x1d: {  	_ =	swait.ge @!p2 [sflag:s0], $0x7D0  }
0x1e: {  	[sflag:s0] =	ssyncset.done @!p2 $0x0  }
0x1f: {  	[sflag:s0] =	ssyncadd.s32 @!p2 $0xFFFFF830  }
0x20: {  	_ =	swait.ge @!p2 [sflag:s0], $0x7D0  }
0x21: {  	[sflag:s0] =	ssyncset.done @!p2 $0x0  }
0x22: {  	[sflag:s0] =	ssyncadd.s32 @!p2 $0xFFFFF830  }
0x23: {  	_ =	swait.ge @!p2 [sflag:s0], $0x7D0  }
0x24: {  	[sflag:s0] =	ssyncset.done @!p2 $0x0  }
0x25: {  	[sflag:s0] =	ssyncadd.s32 @!p2 $0xFFFFF830  }
0x26: {  	_ =	swait.ge @!p2 [sflag:s0], $0x7D0  }
0x27: {  	s9 =	sadd.s32 s23, s8;
	[sflag:s0] =	ssyncset.done @!p2 $0x0  }
0x28: {  	s26 =	sadd.s32 $0x50, s9;
	[sflag:s0] =	ssyncadd.s32 @!p2 $0xFFFFF830  }
0x29: {  	[tilespmem:s28], [sflag:$0x3] =	stream.linear.gather [hbm4b:s26+s3], $0x280, $0x38;
	[tilespmem:$0x1DEC0] =	vst v63  }
0x2a: {  	_ =	swait.ge [sflag:s14], $0x280  }
0x2b: {  	s9 =	sadd.s32 s23, s7;
	[sflag:s14] =	ssyncset.done $0x0  }
0x2c: {  	s0 =	sadd.s32 $0x50, s9;
	[sflag:s14] =	ssyncadd.s32 $0xFFFFFD80  }
0x2d: {  	[tilespmem:s29], [sflag:$0x3] =	stream.linear.gather [hbm4b:s0+s3], $0x280, $0x38;
	[tilespmem:$0x1DEC0] =	vst v63  }
0x2e: {  	_ =	swait.ge [sflag:s14], $0x280  }
0x2f: {  	[sflag:s14] =	ssyncset.done $0x0  }
0x30: {  	[sflag:s14] =	ssyncadd.s32 $0xFFFFFD80  }
0x31: {  	_ =	swait.ge [sflag:s30], $0x7D0  }
0x32: {  	[sflag:s30] =	ssyncset.done $0x0  }
0x33: {  	[sflag:s30] =	ssyncadd.s32 $0xFFFFF830  }
0x34: {  	_ =	swait.ge [sflag:s30], $0x7D0  }
0x35: {  	[sflag:s30] =	ssyncset.done $0x0  }
0x36: {  	[sflag:s30] =	ssyncadd.s32 $0xFFFFF830  }
0x37: {  	_ =	swait.ge [sflag:s30], $0x7D0  }
0x38: {  	[sflag:s30] =	ssyncset.done $0x0  }
0x39: {  	[sflag:s30] =	ssyncadd.s32 $0xFFFFF830  }
0x3a: {  	_ =	swait.ge [sflag:s30], $0x7D0  }
0x3b: {  	[sflag:s30] =	ssyncset.done $0x0  }
0x3c: {  	[sflag:s30] =	ssyncadd.s32 $0xFFFFF830  }
0x3d: {  	_ =	swait.ge [sflag:s30], $0x7D0  }
0x3e: {  	[sflag:s30] =	ssyncset.done $0x0  }
0x3f: {  	[sflag:s30] =	ssyncadd.s32 $0xFFFFF830  }
0x40: {  	[tilespmem:s31], [sflag:$0x1] =	stream.indirect.gather [hbm4b:s5+s16], $0x10, s28, s16, $0xb8;
	[tilespmem:$0x1DEC0] =	vst v63  }
0x41: {  	_ = 	snop  }
0x42: {  	[tilespmem:s2], [sflag:$0x1] =	stream.indirect.gather [hbm4b:s5+s16], $0x10, s21, s16, $0xb8;
	[tilespmem:$0x1DEC0] =	vst v63  }
0x43: {  	_ = 	snop  }
0x44: {  	[tilespmem:s20], [sflag:$0x1] =	stream.indirect.gather [hbm4b:s5+s16], $0x10, s19, s16, $0xb8;
	[tilespmem:$0x1DEC0] =	vst v63  }
0x45: {  	_ = 	snop  }
0x46: {  	[tilespmem:s24], [sflag:$0x1] =	stream.indirect.gather [hbm4b:s5+s16], $0x10, s17, s16, $0xb8;
	[tilespmem:$0x1DEC0] =	vst v63  }
0x47: {  	_ = 	snop  }
0x48: {  	[tilespmem:s6], [sflag:$0x1] =	stream.indirect.gather [hbm4b:s5+s16], $0x10, s15, s16, $0xb8;
	[tilespmem:$0x1DEC0] =	vst v63  }
0x49: {  	_ = 	snop  }
0x4a: {  	[spmem:s1] =	stream.indirect.scatter.add.f32 [tilespmem:s12], [sflag:$0x2], $0x10, s10, s16, $0xb8;
	[tilespmem:$0x1DEC0] =	vst v63  }
0x4b: {  	s10 =	simm.s32 $0x18C20;
	s12 =	simm.s32 $0x19870  }
0x4c: {  	[spmem:s1] =	stream.indirect.scatter.add.f32 [tilespmem:s12], [sflag:$0x2], $0x10, s10, s16, $0xb8;
	[tilespmem:$0x1DEC0] =	vst v63  }
0x4d: {  	s13 =	simm.s32 $0x18CA0;
	s15 =	simm.s32 $0x1A040  }
0x4e: {  	[spmem:s1] =	stream.indirect.scatter.add.f32 [tilespmem:s15], [sflag:$0x2], $0x10, s13, s16, $0xb8;
	[tilespmem:$0x1DEC0] =	vst v63  }
0x4f: {  	s18 =	simm.s32 $0x1A810;
	s17 =	simm.s32 $0x18D20  }
0x50: {  	[spmem:s1] =	stream.indirect.scatter.add.f32 [tilespmem:s18], [sflag:$0x2], $0x10, s17, s16, $0xb8;
	[tilespmem:$0x1DEC0] =	vst v63  }
0x51: {  	s21 =	simm.s32 $0x1AFE0;
	s19 =	simm.s32 $0x18DA0  }
0x52: {  	[spmem:s1] =	stream.indirect.scatter.add.f32 [tilespmem:s21], [sflag:$0x2], $0x10, s19, s16, $0xb8;
	[tilespmem:$0x1DEC0] =	vst v63  }
0x53: {  	_ =	swait.ge [sflag:s11], $0x7D0  }
0x54: {  	[sflag:s11] =	ssyncset.done $0x0  }
0x55: {  	[sflag:s11] =	ssyncadd.s32 $0xFFFFF830  }
0x56: {  	_ =	swait.ge [sflag:s11], $0x7D0  }
0x57: {  	[sflag:s11] =	ssyncset.done $0x0  }
0x58: {  	[sflag:s11] =	ssyncadd.s32 $0xFFFFF830  }
0x59: {  	_ =	swait.ge [sflag:s11], $0x7D0  }
0x5a: {  	[sflag:s11] =	ssyncset.done $0x0  }
0x5b: {  	[sflag:s11] =	ssyncadd.s32 $0xFFFFF830  }
0x5c: {  	_ =	swait.ge [sflag:s11], $0x7D0  }
0x5d: {  	[sflag:s11] =	ssyncset.done $0x0  }
0x5e: {  	[sflag:s11] =	ssyncadd.s32 $0xFFFFF830  }
0x5f: {  	p2 =	seq.s32 s23, $0x3160;
	_ =	swait.ge [sflag:s11], $0x7D0  }
0x60: {  	s9 =	simm.s32 @!p2 $0x0;
	s0 =	sadd.s32 @!p2 s23, s8;
	[sflag:s11] =	ssyncset.done $0x0  }
0x61: {  	s0 =	sadd.s32 @!p2 $0xA0, s0;
	s13 =	simm.s32 @!p2 $0x186A0;
	[sflag:s11] =	ssyncadd.s32 $0xFFFFF830  }
0x62: {  	[tilespmem:s13], [sflag:$0x3] =	stream.linear.gather @!p2 [hbm4b:s0+s9], $0x280, $0x38;
	[tilespmem:$0x1DEC0] =	vst v63  }
0x63: {  	s0 =	simm.s32 @!p2 $0x3  }
0x64: {  	_ =	swait.ge @!p2 [sflag:s0], $0x280  }
0x65: {  	s18 =	sadd.s32 @!p2 s23, s7;
	[sflag:s0] =	ssyncset.done @!p2 $0x0  }
0x66: {  	s22 =	simm.s32 @!p2 $0x18BA0;
	s18 =	sadd.s32 @!p2 $0xA0, s18;
	[sflag:s0] =	ssyncadd.s32 @!p2 $0xFFFFFD80  }
0x67: {  	[tilespmem:s22], [sflag:$0x3] =	stream.linear.gather @!p2 [hbm4b:s18+s9], $0x280, $0x38;
	[tilespmem:$0x1DEC0] =	vst v63  }
0x68: {  	_ =	swait.ge @!p2 [sflag:s0], $0x280  }
0x69: {  	[sflag:s0] =	ssyncset.done @!p2 $0x0  }
0x6a: {  	[sflag:s0] =	ssyncadd.s32 @!p2 $0xFFFFFD80  }
0x6b: {  	_ =	swait.ge [sflag:s30], $0x7D0  }
0x6c: {  	[sflag:s30] =	ssyncset.done $0x0  }
0x6d: {  	[sflag:s30] =	ssyncadd.s32 $0xFFFFF830  }
0x6e: {  	_ =	swait.ge [sflag:s30], $0x7D0  }
0x6f: {  	[sflag:s30] =	ssyncset.done $0x0  }
0x70: {  	[sflag:s30] =	ssyncadd.s32 $0xFFFFF830  }
0x71: {  	_ =	swait.ge [sflag:s30], $0x7D0  }
0x72: {  	[sflag:s30] =	ssyncset.done $0x0  }
0x73: {  	[sflag:s30] =	ssyncadd.s32 $0xFFFFF830  }
0x74: {  	_ =	swait.ge [sflag:s30], $0x7D0  }
0x75: {  	[sflag:s30] =	ssyncset.done $0x0  }
0x76: {  	[sflag:s30] =	ssyncadd.s32 $0xFFFFF830  }
0x77: {  	_ =	swait.ge [sflag:s30], $0x7D0  }
0x78: {  	[sflag:s30] =	ssyncset.done $0x0  }
0x79: {  	s9 =	simm.s32 @!p2 $0x190A0;
	s0 =	simm.s32 @!p2 $0x7D;
	[sflag:s30] =	ssyncadd.s32 $0xFFFFF830  }
0x7a: {  	[tilespmem:s9], [sflag:$0x1] =	stream.indirect.gather @!p2 [hbm4b:s5+s0], $0x10, s13, s0, $0xb8;
	[tilespmem:$0x1DEC0] =	vst v63  }
0x7b: {  	s9 =	simm.s32 @!p2 $0x18720;
	s13 =	simm.s32 @!p2 $0x19870  }
0x7c: {  	[tilespmem:s13], [sflag:$0x1] =	stream.indirect.gather @!p2 [hbm4b:s5+s0], $0x10, s9, s0, $0xb8;
	[tilespmem:$0x1DEC0] =	vst v63  }
0x7d: {  	s9 =	simm.s32 @!p2 $0x187A0;
	s13 =	simm.s32 @!p2 $0x1A040  }
0x7e: {  	[tilespmem:s13], [sflag:$0x1] =	stream.indirect.gather @!p2 [hbm4b:s5+s0], $0x10, s9, s0, $0xb8;
	[tilespmem:$0x1DEC0] =	vst v63  }
0x7f: {  	s9 =	simm.s32 @!p2 $0x18820;
	s13 =	simm.s32 @!p2 $0x1A810  }
0x80: {  	[tilespmem:s13], [sflag:$0x1] =	stream.indirect.gather @!p2 [hbm4b:s5+s0], $0x10, s9, s0, $0xb8;
	[tilespmem:$0x1DEC0] =	vst v63  }
0x81: {  	s9 =	simm.s32 @!p2 $0x188A0;
	s13 =	simm.s32 @!p2 $0x1AFE0  }
0x82: {  	[tilespmem:s13], [sflag:$0x1] =	stream.indirect.gather @!p2 [hbm4b:s5+s0], $0x10, s9, s0, $0xb8;
	[tilespmem:$0x1DEC0] =	vst v63  }
0x83: {  	_ = 	snop  }
0x84: {  	[spmem:s1] =	stream.indirect.scatter.add.f32 [tilespmem:s31], [sflag:$0x2], $0x10, s29, s16, $0xb8;
	[tilespmem:$0x1DEC0] =	vst v63  }
0x85: {  	s22 =	simm.s32 $0x18EA0  }
0x86: {  	[spmem:s1] =	stream.indirect.scatter.add.f32 [tilespmem:s2], [sflag:$0x2], $0x10, s22, s16, $0xb8;
	[tilespmem:$0x1DEC0] =	vst v63  }
0x87: {  	s26 =	simm.s32 $0x18FA0;
	s10 =	simm.s32 $0x18BA0;
	s23 =	simm.s32 $0x18F20  }
0x88: {  	[spmem:s1] =	stream.indirect.scatter.add.f32 [tilespmem:s20], [sflag:$0x2], $0x10, s23, s16, $0xb8;
	[tilespmem:$0x1DEC0] =	vst v63  }
0x89: {  	s12 =	simm.s32 $0x190A0;
	s15 =	simm.s32 $0x1A040;
	s17 =	simm.s32 $0x1A810  }
0x8a: {  	[spmem:s1] =	stream.indirect.scatter.add.f32 [tilespmem:s24], [sflag:$0x2], $0x10, s26, s16, $0xb8;
	[tilespmem:$0x1DEC0] =	vst v63  }
0x8b: {  	s19 =	simm.s32 $0x1AFE0;
	s18 =	simm.s32 $0x19870;
	s21 =	rddreg [dreg:$0xa]  }
0x8c: {  	[spmem:s1] =	stream.indirect.scatter.add.f32 [tilespmem:s6], [sflag:$0x2], $0x10, s25, s16, $0xb8;
	[tilespmem:$0x1DEC0] =	vst v63  }
0x8d: {  	s22 =	simm.s32 $0x18A20;
	s26 =	simm.s32 $0x18B20;
	s25 =	simm.s32 $0x18AA0  }
.LBB2_8:
0x8e: {  	_ =	swait.ge [sflag:s11], $0x7D0  }
0x8f: {  	[sflag:s11] =	ssyncset.done $0x0  }
0x90: {  	[sflag:s11] =	ssyncadd.s32 $0xFFFFF830  }
0x91: {  	_ =	swait.ge [sflag:s11], $0x7D0  }
0x92: {  	[sflag:s11] =	ssyncset.done $0x0  }
0x93: {  	[sflag:s11] =	ssyncadd.s32 $0xFFFFF830  }
0x94: {  	_ =	swait.ge [sflag:s11], $0x7D0  }
0x95: {  	[sflag:s11] =	ssyncset.done $0x0  }
0x96: {  	[sflag:s11] =	ssyncadd.s32 $0xFFFFF830  }
0x97: {  	_ =	swait.ge [sflag:s11], $0x7D0  }
0x98: {  	[sflag:s11] =	ssyncset.done $0x0  }
0x99: {  	[sflag:s11] =	ssyncadd.s32 $0xFFFFF830  }
0x9a: {  	_ =	swait.ge [sflag:s11], $0x7D0  }
0x9b: {  	[sflag:s11] =	ssyncset.done $0x0  }
0x9c: {  	[sflag:s11] =	ssyncadd.s32 $0xFFFFF830  }
0x9d: {  	[bflag:$0x0] =	sbarrier.arrive $0xFFFF  }
0x9e: {  	s0 =	rddreg [dreg:$0x5]  }
0x9f: {  	s13 =	rddreg [dreg:$0x7]  }
0xa0: {  	s9 =	rddreg [dreg:$0x9]  }
0xa1: {  	[hbm:s0], [sflag:s13] =	dma.local @!p1 [spmem:s9], $0x4E20  }
0xa2: {  	s0 =	simm.s32 @!p1 $0x3  }
0xa3: {  	_ =	swait.ge @!p1 [sflag:s0], $0x4E20  }
0xa4: {  	s21 =	sadd.s32 $0x1, s21;
	s23 =	rddreg [dreg:$0x6]  }
0xa5: {  	p2 =	sne.s32 s21, s23  }
.Ltmp1:
0xa6: {  	_ = 	snop;
	(pc) =	sbr.rel @!p2 .LBB2_9-.Ltmp1, $3  }
0xa7: {  	_ =	sdelay $0x1  }
0xa8: {  	[sflag:s0] =	ssyncset.done @!p1 $0x0  }
0xa9: {  	[sflag:s0] =	ssyncadd.s32 @!p1 $0xFFFFB1E0;
	s23 =	simm.s32 $0x18CA0  }
.LBB2_1:
0xaa: {  	[dreg:$0xa] =	wrdreg s21  }
0xab: {  	s0 =	rddreg [dreg:$0x4]  }
0xac: {  	s9 =	rddreg [dreg:$0x8]  }
0xad: {  	[spmem:s9], [sflag:s13] =	dma.local @!p1 [hbm:s0], $0x4E20  }
0xae: {  	s0 =	simm.s32 @!p1 $0x3  }
.Ltmp2:
0xaf: {  	_ =	swait.ge @!p1 [sflag:s0], $0x4E20;
	(pc) =	sbr.rel @!p0 .LBB2_2-.Ltmp2, $4  }
0xb0: {  	[sflag:s0] =	ssyncset.done @!p1 $0x0  }
0xb1: {  	[sflag:s0] =	ssyncadd.s32 @!p1 $0xFFFFB1E0  }
0xb2: {  	[bflag:$0x0] =	sbarrier.arrive $0xFFFF  }
0xb3: {  	s9 =	simm.s32 $0x186A0;
	s0 =	simm.s32 $0x0  }
0xb4: {  	[tilespmem:s9], [sflag:$0x3] =	stream.linear.gather [hbm4b:s8+s0], $0x280, $0x38;
	[tilespmem:$0x1DEC0] =	vst v63  }
0xb5: {  	_ =	swait.ge [sflag:s14], $0x280  }
0xb6: {  	[sflag:s14] =	ssyncset.done $0x0  }
0xb7: {  	[sflag:s14] =	ssyncadd.s32 $0xFFFFFD80  }
0xb8: {  	[tilespmem:s10], [sflag:$0x3] =	stream.linear.gather [hbm4b:s7+s0], $0x280, $0x38;
	[tilespmem:$0x1DEC0] =	vst v63  }
0xb9: {  	_ =	swait.ge [sflag:s14], $0x280  }
0xba: {  	[sflag:s14] =	ssyncset.done $0x0  }
0xbb: {  	[sflag:s14] =	ssyncadd.s32 $0xFFFFFD80  }
0xbc: {  	[tilespmem:s12], [sflag:$0x1] =	stream.indirect.gather [hbm4b:s5+s16], $0x10, s9, s16, $0xb8;
	[tilespmem:$0x1DEC0] =	vst v63  }
0xbd: {  	s13 =	simm.s32 $0x18720  }
0xbe: {  	[tilespmem:s18], [sflag:$0x1] =	stream.indirect.gather [hbm4b:s5+s16], $0x10, s13, s16, $0xb8;
	[tilespmem:$0x1DEC0] =	vst v63  }
0xbf: {  	s21 =	simm.s32 $0x187A0;
	p2 =	por $0x1, $0x1  }
0xc0: {  	[tilespmem:s15], [sflag:$0x1] =	stream.indirect.gather [hbm4b:s5+s16], $0x10, s21, s16, $0xb8;
	[tilespmem:$0x1DEC0] =	vst v63  }
0xc1: {  	p2 =	por p2, p2;
	s9 =	simm.s32 $0x18820  }
0xc2: {  	[tilespmem:s17], [sflag:$0x1] =	stream.indirect.gather [hbm4b:s5+s16], $0x10, s9, s16, $0xb8;
	[tilespmem:$0x1DEC0] =	vst v63  }
0xc3: {  	s0 =	simm.s32 @!p2 $0x2;
	s13 =	simm.s32 $0x188A0  }
0xc4: {  	[tilespmem:s19], [sflag:$0x1] =	stream.indirect.gather [hbm4b:s5+s16], $0x10, s13, s16, $0xb8;
	[tilespmem:$0x1DEC0] =	vst v63  }
0xc5: {  	_ =	swait.ge @!p2 [sflag:s0], $0x7D0  }
0xc6: {  	[sflag:s0] =	ssyncset.done @!p2 $0x0  }
0xc7: {  	[sflag:s0] =	ssyncadd.s32 @!p2 $0xFFFFF830  }
0xc8: {  	_ =	swait.ge @!p2 [sflag:s0], $0x7D0  }
0xc9: {  	[sflag:s0] =	ssyncset.done @!p2 $0x0  }
0xca: {  	[sflag:s0] =	ssyncadd.s32 @!p2 $0xFFFFF830  }
0xcb: {  	_ =	swait.ge @!p2 [sflag:s0], $0x7D0  }
0xcc: {  	[sflag:s0] =	ssyncset.done @!p2 $0x0  }
0xcd: {  	[sflag:s0] =	ssyncadd.s32 @!p2 $0xFFFFF830  }
0xce: {  	_ =	swait.ge @!p2 [sflag:s0], $0x7D0  }
0xcf: {  	[sflag:s0] =	ssyncset.done @!p2 $0x0  }
0xd0: {  	[sflag:s0] =	ssyncadd.s32 @!p2 $0xFFFFF830  }
0xd1: {  	_ =	swait.ge @!p2 [sflag:s0], $0x7D0  }
0xd2: {  	s21 =	sadd.s32 $0x0, s8;
	[sflag:s0] =	ssyncset.done @!p2 $0x0  }
0xd3: {  	s13 =	sadd.s32 $0x50, s21;
	[sflag:s0] =	ssyncadd.s32 @!p2 $0xFFFFF830  }
0xd4: {  	[tilespmem:s28], [sflag:$0x3] =	stream.linear.gather [hbm4b:s13+s3], $0x280, $0x38;
	[tilespmem:$0x1DEC0] =	vst v63  }
0xd5: {  	_ =	swait.ge [sflag:s14], $0x280  }
0xd6: {  	s21 =	sadd.s32 $0x0, s7;
	[sflag:s14] =	ssyncset.done $0x0  }
0xd7: {  	s0 =	sadd.s32 $0x50, s21;
	[sflag:s14] =	ssyncadd.s32 $0xFFFFFD80  }
0xd8: {  	[tilespmem:s29], [sflag:$0x3] =	stream.linear.gather [hbm4b:s0+s3], $0x280, $0x38;
	[tilespmem:$0x1DEC0] =	vst v63  }
0xd9: {  	_ =	swait.ge [sflag:s14], $0x280  }
0xda: {  	[sflag:s14] =	ssyncset.done $0x0  }
0xdb: {  	[sflag:s14] =	ssyncadd.s32 $0xFFFFFD80  }
0xdc: {  	_ =	swait.ge [sflag:s30], $0x7D0  }
0xdd: {  	[sflag:s30] =	ssyncset.done $0x0  }
0xde: {  	[sflag:s30] =	ssyncadd.s32 $0xFFFFF830  }
0xdf: {  	_ =	swait.ge [sflag:s30], $0x7D0  }
0xe0: {  	[sflag:s30] =	ssyncset.done $0x0  }
0xe1: {  	[sflag:s30] =	ssyncadd.s32 $0xFFFFF830  }
0xe2: {  	_ =	swait.ge [sflag:s30], $0x7D0  }
0xe3: {  	[sflag:s30] =	ssyncset.done $0x0  }
0xe4: {  	[sflag:s30] =	ssyncadd.s32 $0xFFFFF830  }
0xe5: {  	_ =	swait.ge [sflag:s30], $0x7D0  }
0xe6: {  	[sflag:s30] =	ssyncset.done $0x0  }
0xe7: {  	[sflag:s30] =	ssyncadd.s32 $0xFFFFF830  }
0xe8: {  	_ =	swait.ge [sflag:s30], $0x7D0  }
0xe9: {  	[sflag:s30] =	ssyncset.done $0x0  }
0xea: {  	[sflag:s30] =	ssyncadd.s32 $0xFFFFF830  }
0xeb: {  	[tilespmem:s31], [sflag:$0x1] =	stream.indirect.gather [hbm4b:s5+s16], $0x10, s28, s16, $0xb8;
	[tilespmem:$0x1DEC0] =	vst v63  }
0xec: {  	s9 =	simm.s32 $0x189A0  }
0xed: {  	[tilespmem:s2], [sflag:$0x1] =	stream.indirect.gather [hbm4b:s5+s16], $0x10, s9, s16, $0xb8;
	[tilespmem:$0x1DEC0] =	vst v63  }
0xee: {  	_ = 	snop  }
0xef: {  	[tilespmem:s20], [sflag:$0x1] =	stream.indirect.gather [hbm4b:s5+s16], $0x10, s22, s16, $0xb8;
	[tilespmem:$0x1DEC0] =	vst v63  }
0xf0: {  	_ = 	snop  }
0xf1: {  	[tilespmem:s24], [sflag:$0x1] =	stream.indirect.gather [hbm4b:s5+s16], $0x10, s25, s16, $0xb8;
	[tilespmem:$0x1DEC0] =	vst v63  }
0xf2: {  	_ = 	snop  }
0xf3: {  	[tilespmem:s6], [sflag:$0x1] =	stream.indirect.gather [hbm4b:s5+s16], $0x10, s26, s16, $0xb8;
	[tilespmem:$0x1DEC0] =	vst v63  }
0xf4: {  	_ = 	snop  }
0xf5: {  	[spmem:s1] =	stream.indirect.scatter.add.f32 [tilespmem:s12], [sflag:$0x2], $0x10, s10, s16, $0xb8;
	[tilespmem:$0x1DEC0] =	vst v63  }
0xf6: {  	s13 =	simm.s32 $0x18C20  }
0xf7: {  	[spmem:s1] =	stream.indirect.scatter.add.f32 [tilespmem:s18], [sflag:$0x2], $0x10, s13, s16, $0xb8;
	[tilespmem:$0x1DEC0] =	vst v63  }
0xf8: {  	_ = 	snop  }
0xf9: {  	[spmem:s1] =	stream.indirect.scatter.add.f32 [tilespmem:s15], [sflag:$0x2], $0x10, s23, s16, $0xb8;
	[tilespmem:$0x1DEC0] =	vst v63  }
0xfa: {  	s21 =	simm.s32 $0x18D20  }
0xfb: {  	[spmem:s1] =	stream.indirect.scatter.add.f32 [tilespmem:s17], [sflag:$0x2], $0x10, s21, s16, $0xb8;
	[tilespmem:$0x1DEC0] =	vst v63  }
0xfc: {  	s22 =	simm.s32 $0x18DA0  }
0xfd: {  	[spmem:s1] =	stream.indirect.scatter.add.f32 [tilespmem:s19], [sflag:$0x2], $0x10, s22, s16, $0xb8;
	[tilespmem:$0x1DEC0] =	vst v63  }
0xfe: {  	_ =	swait.ge [sflag:s11], $0x7D0  }
0xff: {  	[sflag:s11] =	ssyncset.done $0x0  }
0x100: {  	[sflag:s11] =	ssyncadd.s32 $0xFFFFF830  }
0x101: {  	_ =	swait.ge [sflag:s11], $0x7D0  }
0x102: {  	[sflag:s11] =	ssyncset.done $0x0  }
0x103: {  	[sflag:s11] =	ssyncadd.s32 $0xFFFFF830  }
0x104: {  	_ =	swait.ge [sflag:s11], $0x7D0  }
0x105: {  	[sflag:s11] =	ssyncset.done $0x0  }
0x106: {  	[sflag:s11] =	ssyncadd.s32 $0xFFFFF830  }
0x107: {  	_ =	swait.ge [sflag:s11], $0x7D0  }
0x108: {  	[sflag:s11] =	ssyncset.done $0x0  }
0x109: {  	p2 =	por $0x0, $0x0;
	[sflag:s11] =	ssyncadd.s32 $0xFFFFF830  }
0x10a: {  	s0 =	sadd.s32 @!p2 $0x0, s8;
	_ =	swait.ge [sflag:s11], $0x7D0  }
0x10b: {  	s0 =	sadd.s32 @!p2 $0xA0, s0;
	[sflag:s11] =	ssyncset.done $0x0  }
0x10c: {  	s9 =	simm.s32 @!p2 $0x0;
	s13 =	simm.s32 @!p2 $0x186A0;
	[sflag:s11] =	ssyncadd.s32 $0xFFFFF830  }
0x10d: {  	[tilespmem:s13], [sflag:$0x3] =	stream.linear.gather @!p2 [hbm4b:s0+s9], $0x280, $0x38;
	[tilespmem:$0x1DEC0] =	vst v63  }
0x10e: {  	s0 =	simm.s32 @!p2 $0x3  }
0x10f: {  	_ =	swait.ge @!p2 [sflag:s0], $0x280  }
0x110: {  	s18 =	sadd.s32 @!p2 $0x0, s7;
	[sflag:s0] =	ssyncset.done @!p2 $0x0  }
0x111: {  	s18 =	sadd.s32 @!p2 $0xA0, s18;
	s22 =	simm.s32 @!p2 $0x18BA0;
	[sflag:s0] =	ssyncadd.s32 @!p2 $0xFFFFFD80  }
0x112: {  	[tilespmem:s22], [sflag:$0x3] =	stream.linear.gather @!p2 [hbm4b:s18+s9], $0x280, $0x38;
	[tilespmem:$0x1DEC0] =	vst v63  }
0x113: {  	_ =	swait.ge @!p2 [sflag:s0], $0x280  }
0x114: {  	[sflag:s0] =	ssyncset.done @!p2 $0x0  }
0x115: {  	[sflag:s0] =	ssyncadd.s32 @!p2 $0xFFFFFD80  }
0x116: {  	_ =	swait.ge [sflag:s30], $0x7D0  }
0x117: {  	[sflag:s30] =	ssyncset.done $0x0  }
0x118: {  	[sflag:s30] =	ssyncadd.s32 $0xFFFFF830  }
0x119: {  	_ =	swait.ge [sflag:s30], $0x7D0  }
0x11a: {  	[sflag:s30] =	ssyncset.done $0x0  }
0x11b: {  	[sflag:s30] =	ssyncadd.s32 $0xFFFFF830  }
0x11c: {  	_ =	swait.ge [sflag:s30], $0x7D0  }
0x11d: {  	[sflag:s30] =	ssyncset.done $0x0  }
0x11e: {  	[sflag:s30] =	ssyncadd.s32 $0xFFFFF830  }
0x11f: {  	_ =	swait.ge [sflag:s30], $0x7D0  }
0x120: {  	[sflag:s30] =	ssyncset.done $0x0  }
0x121: {  	[sflag:s30] =	ssyncadd.s32 $0xFFFFF830  }
0x122: {  	_ =	swait.ge [sflag:s30], $0x7D0  }
0x123: {  	[sflag:s30] =	ssyncset.done $0x0  }
0x124: {  	s9 =	simm.s32 @!p2 $0x190A0;
	s0 =	simm.s32 @!p2 $0x7D;
	[sflag:s30] =	ssyncadd.s32 $0xFFFFF830  }
0x125: {  	[tilespmem:s9], [sflag:$0x1] =	stream.indirect.gather @!p2 [hbm4b:s5+s0], $0x10, s13, s0, $0xb8;
	[tilespmem:$0x1DEC0] =	vst v63  }
0x126: {  	s9 =	simm.s32 @!p2 $0x18720;
	s13 =	simm.s32 @!p2 $0x19870  }
0x127: {  	[tilespmem:s13], [sflag:$0x1] =	stream.indirect.gather @!p2 [hbm4b:s5+s0], $0x10, s9, s0, $0xb8;
	[tilespmem:$0x1DEC0] =	vst v63  }
0x128: {  	s9 =	simm.s32 @!p2 $0x187A0;
	s13 =	simm.s32 @!p2 $0x1A040  }
0x129: {  	[tilespmem:s13], [sflag:$0x1] =	stream.indirect.gather @!p2 [hbm4b:s5+s0], $0x10, s9, s0, $0xb8;
	[tilespmem:$0x1DEC0] =	vst v63  }
0x12a: {  	s9 =	simm.s32 @!p2 $0x18820;
	s13 =	simm.s32 @!p2 $0x1A810  }
0x12b: {  	[tilespmem:s13], [sflag:$0x1] =	stream.indirect.gather @!p2 [hbm4b:s5+s0], $0x10, s9, s0, $0xb8;
	[tilespmem:$0x1DEC0] =	vst v63  }
0x12c: {  	s9 =	simm.s32 @!p2 $0x188A0;
	s13 =	simm.s32 @!p2 $0x1AFE0  }
0x12d: {  	[tilespmem:s13], [sflag:$0x1] =	stream.indirect.gather @!p2 [hbm4b:s5+s0], $0x10, s9, s0, $0xb8;
	[tilespmem:$0x1DEC0] =	vst v63  }
0x12e: {  	p6 =	por $0x0, $0x0;
	s25 =	simm.s32 $0x18F20  }
0x12f: {  	[spmem:s1] =	stream.indirect.scatter.add.f32 [tilespmem:s31], [sflag:$0x2], $0x10, s29, s16, $0xb8;
	[tilespmem:$0x1DEC0] =	vst v63  }
0x130: {  	s26 =	simm.s32 $0x18FA0;
	s10 =	simm.s32 $0x18BA0;
	s23 =	simm.s32 $0x18EA0  }
0x131: {  	[spmem:s1] =	stream.indirect.scatter.add.f32 [tilespmem:s2], [sflag:$0x2], $0x10, s23, s16, $0xb8;
	[tilespmem:$0x1DEC0] =	vst v63  }
0x132: {  	s12 =	simm.s32 $0x190A0;
	s15 =	simm.s32 $0x18B20;
	s21 =	simm.s32 $0x189A0  }
0x133: {  	[spmem:s1] =	stream.indirect.scatter.add.f32 [tilespmem:s20], [sflag:$0x2], $0x10, s25, s16, $0xb8;
	[tilespmem:$0x1DEC0] =	vst v63  }
0x134: {  	s17 =	simm.s32 $0x18AA0;
	s19 =	simm.s32 $0x18A20;
	p2 =	por p6, p6  }
0x135: {  	[spmem:s1] =	stream.indirect.scatter.add.f32 [tilespmem:s24], [sflag:$0x2], $0x10, s26, s16, $0xb8;
	[tilespmem:$0x1DEC0] =	vst v63  }
0x136: {  	s23 =	simm.s32 $0xA0;
	s25 =	simm.s32 $0x19020;
	s26 =	simm.s32 $0x140  }
.LBB2_6:
0x137: {  	p4 =	seq.s32 s26, $0x0  }
0x138: {  	s9 =	simm.s32 @!p2 $0x2;
	s0 =	smov.u32 s26;
	s26 =	sadd.s32 $0xA0, s26  }
0x139: {  	[spmem:s1] =	stream.indirect.scatter.add.f32 [tilespmem:s6], [sflag:$0x2], $0x10, s25, s16, $0xb8;
	[tilespmem:$0x1DEC0] =	vst v63  }
0x13a: {  	p3 =	sne.s32 s26, $0x3200;
	_ =	swait.ge @!p2 [sflag:s9], $0x7D0  }
0x13b: {  	[sflag:s9] =	ssyncset.done @!p2 $0x0  }
0x13c: {  	[sflag:s9] =	ssyncadd.s32 @!p2 $0xFFFFF830  }
0x13d: {  	_ =	swait.ge @!p2 [sflag:s9], $0x7D0  }
0x13e: {  	[sflag:s9] =	ssyncset.done @!p2 $0x0  }
0x13f: {  	[sflag:s9] =	ssyncadd.s32 @!p2 $0xFFFFF830  }
0x140: {  	_ =	swait.ge @!p2 [sflag:s9], $0x7D0  }
0x141: {  	[sflag:s9] =	ssyncset.done @!p2 $0x0  }
0x142: {  	[sflag:s9] =	ssyncadd.s32 @!p2 $0xFFFFF830  }
0x143: {  	_ =	swait.ge @!p2 [sflag:s9], $0x7D0  }
0x144: {  	[sflag:s9] =	ssyncset.done @!p2 $0x0  }
0x145: {  	[sflag:s9] =	ssyncadd.s32 @!p2 $0xFFFFF830  }
0x146: {  	_ =	swait.ge @!p2 [sflag:s9], $0x7D0  }
0x147: {  	s13 =	sadd.s32 s23, s8;
	[sflag:s9] =	ssyncset.done @!p2 $0x0  }
0x148: {  	[sflag:s9] =	ssyncadd.s32 @!p2 $0xFFFFF830;
	s9 =	sadd.s32 $0x50, s13;
	p2 =	por p4, p4  }
0x149: {  	[tilespmem:s28], [sflag:$0x3] =	stream.linear.gather [hbm4b:s9+s3], $0x280, $0x38;
	[tilespmem:$0x1DEC0] =	vst v63  }
0x14a: {  	_ =	swait.ge [sflag:s14], $0x280  }
0x14b: {  	s9 =	sadd.s32 s23, s7;
	[sflag:s14] =	ssyncset.done $0x0  }
0x14c: {  	s9 =	sadd.s32 $0x50, s9;
	[sflag:s14] =	ssyncadd.s32 $0xFFFFFD80  }
0x14d: {  	[tilespmem:s29], [sflag:$0x3] =	stream.linear.gather [hbm4b:s9+s3], $0x280, $0x38;
	[tilespmem:$0x1DEC0] =	vst v63  }
0x14e: {  	_ =	swait.ge [sflag:s14], $0x280  }
0x14f: {  	[sflag:s14] =	ssyncset.done $0x0  }
0x150: {  	[sflag:s14] =	ssyncadd.s32 $0xFFFFFD80  }
0x151: {  	_ =	swait.ge [sflag:s30], $0x7D0  }
0x152: {  	[sflag:s30] =	ssyncset.done $0x0  }
0x153: {  	[sflag:s30] =	ssyncadd.s32 $0xFFFFF830  }
0x154: {  	_ =	swait.ge [sflag:s30], $0x7D0  }
0x155: {  	[sflag:s30] =	ssyncset.done $0x0  }
0x156: {  	[sflag:s30] =	ssyncadd.s32 $0xFFFFF830  }
0x157: {  	_ =	swait.ge [sflag:s30], $0x7D0  }
0x158: {  	[sflag:s30] =	ssyncset.done $0x0  }
0x159: {  	[sflag:s30] =	ssyncadd.s32 $0xFFFFF830  }
0x15a: {  	_ =	swait.ge [sflag:s30], $0x7D0  }
0x15b: {  	[sflag:s30] =	ssyncset.done $0x0  }
0x15c: {  	[sflag:s30] =	ssyncadd.s32 $0xFFFFF830  }
0x15d: {  	_ =	swait.ge [sflag:s30], $0x7D0  }
0x15e: {  	[sflag:s30] =	ssyncset.done $0x0  }
0x15f: {  	[sflag:s30] =	ssyncadd.s32 $0xFFFFF830  }
0x160: {  	[tilespmem:s31], [sflag:$0x1] =	stream.indirect.gather [hbm4b:s5+s16], $0x10, s28, s16, $0xb8;
	[tilespmem:$0x1DEC0] =	vst v63  }
0x161: {  	_ = 	snop  }
0x162: {  	[tilespmem:s2], [sflag:$0x1] =	stream.indirect.gather [hbm4b:s5+s16], $0x10, s21, s16, $0xb8;
	[tilespmem:$0x1DEC0] =	vst v63  }
0x163: {  	_ = 	snop  }
0x164: {  	[tilespmem:s20], [sflag:$0x1] =	stream.indirect.gather [hbm4b:s5+s16], $0x10, s19, s16, $0xb8;
	[tilespmem:$0x1DEC0] =	vst v63  }
0x165: {  	_ = 	snop  }
0x166: {  	[tilespmem:s24], [sflag:$0x1] =	stream.indirect.gather [hbm4b:s5+s16], $0x10, s17, s16, $0xb8;
	[tilespmem:$0x1DEC0] =	vst v63  }
0x167: {  	_ = 	snop  }
0x168: {  	[tilespmem:s6], [sflag:$0x1] =	stream.indirect.gather [hbm4b:s5+s16], $0x10, s15, s16, $0xb8;
	[tilespmem:$0x1DEC0] =	vst v63  }
0x169: {  	_ = 	snop  }
0x16a: {  	[spmem:s1] =	stream.indirect.scatter.add.f32 [tilespmem:s12], [sflag:$0x2], $0x10, s10, s16, $0xb8;
	[tilespmem:$0x1DEC0] =	vst v63  }
0x16b: {  	s13 =	simm.s32 $0x19870;
	s9 =	simm.s32 $0x18C20  }
0x16c: {  	[spmem:s1] =	stream.indirect.scatter.add.f32 [tilespmem:s13], [sflag:$0x2], $0x10, s9, s16, $0xb8;
	[tilespmem:$0x1DEC0] =	vst v63  }
0x16d: {  	s9 =	simm.s32 $0x18CA0;
	s13 =	simm.s32 $0x1A040  }
0x16e: {  	[spmem:s1] =	stream.indirect.scatter.add.f32 [tilespmem:s13], [sflag:$0x2], $0x10, s9, s16, $0xb8;
	[tilespmem:$0x1DEC0] =	vst v63  }
0x16f: {  	s9 =	simm.s32 $0x18D20;
	s13 =	simm.s32 $0x1A810  }
0x170: {  	[spmem:s1] =	stream.indirect.scatter.add.f32 [tilespmem:s13], [sflag:$0x2], $0x10, s9, s16, $0xb8;
	[tilespmem:$0x1DEC0] =	vst v63  }
0x171: {  	s9 =	simm.s32 $0x18DA0;
	s13 =	simm.s32 $0x1AFE0  }
0x172: {  	[spmem:s1] =	stream.indirect.scatter.add.f32 [tilespmem:s13], [sflag:$0x2], $0x10, s9, s16, $0xb8;
	[tilespmem:$0x1DEC0] =	vst v63  }
0x173: {  	_ =	swait.ge [sflag:s11], $0x7D0  }
0x174: {  	[sflag:s11] =	ssyncset.done $0x0  }
0x175: {  	[sflag:s11] =	ssyncadd.s32 $0xFFFFF830  }
0x176: {  	_ =	swait.ge [sflag:s11], $0x7D0  }
0x177: {  	[sflag:s11] =	ssyncset.done $0x0  }
0x178: {  	[sflag:s11] =	ssyncadd.s32 $0xFFFFF830  }
0x179: {  	_ =	swait.ge [sflag:s11], $0x7D0  }
0x17a: {  	[sflag:s11] =	ssyncset.done $0x0  }
0x17b: {  	[sflag:s11] =	ssyncadd.s32 $0xFFFFF830  }
0x17c: {  	_ =	swait.ge [sflag:s11], $0x7D0  }
0x17d: {  	[sflag:s11] =	ssyncset.done $0x0  }
0x17e: {  	[sflag:s11] =	ssyncadd.s32 $0xFFFFF830  }
0x17f: {  	p4 =	seq.s32 s23, $0x3160;
	_ =	swait.ge [sflag:s11], $0x7D0  }
0x180: {  	s9 =	sadd.s32 @!p4 s23, s8;
	s13 =	simm.s32 @!p4 $0x0;
	[sflag:s11] =	ssyncset.done $0x0  }
0x181: {  	s18 =	simm.s32 @!p4 $0x186A0;
	s9 =	sadd.s32 @!p4 $0xA0, s9;
	[sflag:s11] =	ssyncadd.s32 $0xFFFFF830  }
0x182: {  	[tilespmem:s18], [sflag:$0x3] =	stream.linear.gather @!p4 [hbm4b:s9+s13], $0x280, $0x38;
	[tilespmem:$0x1DEC0] =	vst v63  }
0x183: {  	s22 =	sadd.s32 @!p4 s23, s7;
	s23 =	smov.u32 s0;
	s9 =	simm.s32 @!p4 $0x3  }
0x184: {  	s0 =	sadd.s32 @!p4 $0xA0, s22;
	_ =	swait.ge @!p4 [sflag:s9], $0x280  }
0x185: {  	s22 =	simm.s32 @!p4 $0x18BA0;
	[sflag:s9] =	ssyncset.done @!p4 $0x0  }
0x186: {  	[sflag:s9] =	ssyncadd.s32 @!p4 $0xFFFFFD80  }
0x187: {  	[tilespmem:s22], [sflag:$0x3] =	stream.linear.gather @!p4 [hbm4b:s0+s13], $0x280, $0x38;
	[tilespmem:$0x1DEC0] =	vst v63  }
0x188: {  	_ =	swait.ge @!p4 [sflag:s9], $0x280  }
0x189: {  	[sflag:s9] =	ssyncset.done @!p4 $0x0  }
0x18a: {  	[sflag:s9] =	ssyncadd.s32 @!p4 $0xFFFFFD80  }
0x18b: {  	_ =	swait.ge [sflag:s30], $0x7D0  }
0x18c: {  	[sflag:s30] =	ssyncset.done $0x0  }
0x18d: {  	[sflag:s30] =	ssyncadd.s32 $0xFFFFF830  }
0x18e: {  	_ =	swait.ge [sflag:s30], $0x7D0  }
0x18f: {  	[sflag:s30] =	ssyncset.done $0x0  }
0x190: {  	[sflag:s30] =	ssyncadd.s32 $0xFFFFF830  }
0x191: {  	_ =	swait.ge [sflag:s30], $0x7D0  }
0x192: {  	[sflag:s30] =	ssyncset.done $0x0  }
0x193: {  	[sflag:s30] =	ssyncadd.s32 $0xFFFFF830  }
0x194: {  	_ =	swait.ge [sflag:s30], $0x7D0  }
0x195: {  	[sflag:s30] =	ssyncset.done $0x0  }
0x196: {  	[sflag:s30] =	ssyncadd.s32 $0xFFFFF830  }
0x197: {  	_ =	swait.ge [sflag:s30], $0x7D0  }
0x198: {  	s0 =	simm.s32 @!p4 $0x7D;
	s9 =	simm.s32 @!p4 $0x190A0;
	[sflag:s30] =	ssyncset.done $0x0  }
0x199: {  	s13 =	simm.s32 @!p4 $0x18720;
	s22 =	simm.s32 @!p4 $0x19870;
	[sflag:s30] =	ssyncadd.s32 $0xFFFFF830  }
0x19a: {  	[tilespmem:s9], [sflag:$0x1] =	stream.indirect.gather @!p4 [hbm4b:s5+s0], $0x10, s18, s0, $0xb8;
	[tilespmem:$0x1DEC0] =	vst v63  }
0x19b: {  	s9 =	simm.s32 @!p4 $0x187A0;
	s18 =	simm.s32 @!p4 $0x1A040  }
0x19c: {  	[tilespmem:s22], [sflag:$0x1] =	stream.indirect.gather @!p4 [hbm4b:s5+s0], $0x10, s13, s0, $0xb8;
	[tilespmem:$0x1DEC0] =	vst v63  }
0x19d: {  	s13 =	simm.s32 @!p4 $0x18820;
	s22 =	simm.s32 @!p4 $0x1A810  }
0x19e: {  	[tilespmem:s18], [sflag:$0x1] =	stream.indirect.gather @!p4 [hbm4b:s5+s0], $0x10, s9, s0, $0xb8;
	[tilespmem:$0x1DEC0] =	vst v63  }
0x19f: {  	s9 =	simm.s32 @!p4 $0x188A0;
	s18 =	simm.s32 @!p4 $0x1AFE0  }
0x1a0: {  	[tilespmem:s22], [sflag:$0x1] =	stream.indirect.gather @!p4 [hbm4b:s5+s0], $0x10, s13, s0, $0xb8;
	[tilespmem:$0x1DEC0] =	vst v63  }
0x1a1: {  	_ = 	snop  }
0x1a2: {  	[tilespmem:s18], [sflag:$0x1] =	stream.indirect.gather @!p4 [hbm4b:s5+s0], $0x10, s9, s0, $0xb8;
	[tilespmem:$0x1DEC0] =	vst v63  }
0x1a3: {  	_ = 	snop  }
0x1a4: {  	[spmem:s1] =	stream.indirect.scatter.add.f32 [tilespmem:s31], [sflag:$0x2], $0x10, s29, s16, $0xb8;
	[tilespmem:$0x1DEC0] =	vst v63  }
0x1a5: {  	s0 =	simm.s32 $0x18EA0  }
0x1a6: {  	[spmem:s1] =	stream.indirect.scatter.add.f32 [tilespmem:s2], [sflag:$0x2], $0x10, s0, s16, $0xb8;
	[tilespmem:$0x1DEC0] =	vst v63  }
.Ltmp3:
0x1a7: {  	_ = 	snop;
	(pc) =	sbr.rel @p3 .LBB2_6-.Ltmp3, $4  }
0x1a8: {  	s0 =	simm.s32 $0x18F20  }
0x1a9: {  	[spmem:s1] =	stream.indirect.scatter.add.f32 [tilespmem:s20], [sflag:$0x2], $0x10, s0, s16, $0xb8;
	[tilespmem:$0x1DEC0] =	vst v63  }
0x1aa: {  	s0 =	simm.s32 $0x18FA0  }
0x1ab: {  	[spmem:s1] =	stream.indirect.scatter.add.f32 [tilespmem:s24], [sflag:$0x2], $0x10, s0, s16, $0xb8;
	[tilespmem:$0x1DEC0] =	vst v63  }
.Ltmp4:
0x1ac: {  	_ = 	snop;
	(pc) =	sbr.rel .LBB2_7-.Ltmp4, $1  }
0x1ad: {  	_ =	sdelay $0x3  }
.LBB2_2:
0x1ae: {  	[tilespmem:s9], [sflag:$0x3] =	stream.linear.gather [hbm4b:s7+s0], $0x280, $0x38;
	[tilespmem:$0x1DEC0] =	vst v63  }
0x1af: {  	_ =	swait.ge [sflag:s14], $0x280  }
0x1b0: {  	[sflag:s14] =	ssyncset.done $0x0  }
0x1b1: {  	[sflag:s14] =	ssyncadd.s32 $0xFFFFFD80  }
0x1b2: {  	[tilespmem:s10], [sflag:$0x3] =	stream.linear.gather [hbm4b:s8+s0], $0x280, $0x38;
	[tilespmem:$0x1DEC0] =	vst v63  }
0x1b3: {  	_ =	swait.ge [sflag:s14], $0x280  }
0x1b4: {  	[sflag:s14] =	ssyncset.done $0x0  }
0x1b5: {  	[sflag:s14] =	ssyncadd.s32 $0xFFFFFD80  }
0x1b6: {  	[tilespmem:s12], [sflag:$0x1] =	stream.indirect.gather [hbm4b:s4+s16], $0x10, s9, s16, $0xb8;
	[tilespmem:$0x1DEC0] =	vst v63  }
0x1b7: {  	s21 =	simm.s32 $0x18720  }
0x1b8: {  	[tilespmem:s18], [sflag:$0x1] =	stream.indirect.gather [hbm4b:s4+s16], $0x10, s21, s16, $0xb8;
	[tilespmem:$0x1DEC0] =	vst v63  }
0x1b9: {  	s23 =	simm.s32 $0x187A0;
	p2 =	por $0x1, $0x1  }
0x1ba: {  	[tilespmem:s15], [sflag:$0x1] =	stream.indirect.gather [hbm4b:s4+s16], $0x10, s23, s16, $0xb8;
	[tilespmem:$0x1DEC0] =	vst v63  }
0x1bb: {  	p2 =	por p2, p2;
	s9 =	simm.s32 $0x18820  }
0x1bc: {  	[tilespmem:s17], [sflag:$0x1] =	stream.indirect.gather [hbm4b:s4+s16], $0x10, s9, s16, $0xb8;
	[tilespmem:$0x1DEC0] =	vst v63  }
0x1bd: {  	s13 =	simm.s32 $0x188A0;
	s0 =	simm.s32 @!p2 $0x2  }
0x1be: {  	[tilespmem:s19], [sflag:$0x1] =	stream.indirect.gather [hbm4b:s4+s16], $0x10, s13, s16, $0xb8;
	[tilespmem:$0x1DEC0] =	vst v63  }
0x1bf: {  	_ =	swait.ge @!p2 [sflag:s0], $0x7D0  }
0x1c0: {  	[sflag:s0] =	ssyncset.done @!p2 $0x0  }
0x1c1: {  	[sflag:s0] =	ssyncadd.s32 @!p2 $0xFFFFF830  }
0x1c2: {  	_ =	swait.ge @!p2 [sflag:s0], $0x7D0  }
0x1c3: {  	[sflag:s0] =	ssyncset.done @!p2 $0x0  }
0x1c4: {  	[sflag:s0] =	ssyncadd.s32 @!p2 $0xFFFFF830  }
0x1c5: {  	_ =	swait.ge @!p2 [sflag:s0], $0x7D0  }
0x1c6: {  	[sflag:s0] =	ssyncset.done @!p2 $0x0  }
0x1c7: {  	[sflag:s0] =	ssyncadd.s32 @!p2 $0xFFFFF830  }
0x1c8: {  	_ =	swait.ge @!p2 [sflag:s0], $0x7D0  }
0x1c9: {  	[sflag:s0] =	ssyncset.done @!p2 $0x0  }
0x1ca: {  	[sflag:s0] =	ssyncadd.s32 @!p2 $0xFFFFF830  }
0x1cb: {  	_ =	swait.ge @!p2 [sflag:s0], $0x7D0  }
0x1cc: {  	s23 =	sadd.s32 $0x0, s7;
	[sflag:s0] =	ssyncset.done @!p2 $0x0  }
0x1cd: {  	s21 =	sadd.s32 $0x50, s23;
	[sflag:s0] =	ssyncadd.s32 @!p2 $0xFFFFF830  }
0x1ce: {  	[tilespmem:s28], [sflag:$0x3] =	stream.linear.gather [hbm4b:s21+s3], $0x280, $0x38;
	[tilespmem:$0x1DEC0] =	vst v63  }
0x1cf: {  	_ =	swait.ge [sflag:s14], $0x280  }
0x1d0: {  	s23 =	sadd.s32 $0x0, s8;
	[sflag:s14] =	ssyncset.done $0x0  }
0x1d1: {  	s0 =	sadd.s32 $0x50, s23;
	[sflag:s14] =	ssyncadd.s32 $0xFFFFFD80  }
0x1d2: {  	[tilespmem:s29], [sflag:$0x3] =	stream.linear.gather [hbm4b:s0+s3], $0x280, $0x38;
	[tilespmem:$0x1DEC0] =	vst v63  }
0x1d3: {  	_ =	swait.ge [sflag:s14], $0x280  }
0x1d4: {  	[sflag:s14] =	ssyncset.done $0x0  }
0x1d5: {  	[sflag:s14] =	ssyncadd.s32 $0xFFFFFD80  }
0x1d6: {  	_ =	swait.ge [sflag:s30], $0x7D0  }
0x1d7: {  	[sflag:s30] =	ssyncset.done $0x0  }
0x1d8: {  	[sflag:s30] =	ssyncadd.s32 $0xFFFFF830  }
0x1d9: {  	_ =	swait.ge [sflag:s30], $0x7D0  }
0x1da: {  	[sflag:s30] =	ssyncset.done $0x0  }
0x1db: {  	[sflag:s30] =	ssyncadd.s32 $0xFFFFF830  }
0x1dc: {  	_ =	swait.ge [sflag:s30], $0x7D0  }
0x1dd: {  	[sflag:s30] =	ssyncset.done $0x0  }
0x1de: {  	[sflag:s30] =	ssyncadd.s32 $0xFFFFF830  }
0x1df: {  	_ =	swait.ge [sflag:s30], $0x7D0  }
0x1e0: {  	[sflag:s30] =	ssyncset.done $0x0  }
0x1e1: {  	[sflag:s30] =	ssyncadd.s32 $0xFFFFF830  }
0x1e2: {  	_ =	swait.ge [sflag:s30], $0x7D0  }
0x1e3: {  	[sflag:s30] =	ssyncset.done $0x0  }
0x1e4: {  	[sflag:s30] =	ssyncadd.s32 $0xFFFFF830  }
0x1e5: {  	[tilespmem:s31], [sflag:$0x1] =	stream.indirect.gather [hbm4b:s4+s16], $0x10, s28, s16, $0xb8;
	[tilespmem:$0x1DEC0] =	vst v63  }
0x1e6: {  	s13 =	simm.s32 $0x189A0  }
0x1e7: {  	[tilespmem:s2], [sflag:$0x1] =	stream.indirect.gather [hbm4b:s4+s16], $0x10, s13, s16, $0xb8;
	[tilespmem:$0x1DEC0] =	vst v63  }
0x1e8: {  	_ = 	snop  }
0x1e9: {  	[tilespmem:s20], [sflag:$0x1] =	stream.indirect.gather [hbm4b:s4+s16], $0x10, s22, s16, $0xb8;
	[tilespmem:$0x1DEC0] =	vst v63  }
0x1ea: {  	_ = 	snop  }
0x1eb: {  	[tilespmem:s24], [sflag:$0x1] =	stream.indirect.gather [hbm4b:s4+s16], $0x10, s25, s16, $0xb8;
	[tilespmem:$0x1DEC0] =	vst v63  }
0x1ec: {  	_ = 	snop  }
0x1ed: {  	[tilespmem:s6], [sflag:$0x1] =	stream.indirect.gather [hbm4b:s4+s16], $0x10, s26, s16, $0xb8;
	[tilespmem:$0x1DEC0] =	vst v63  }
0x1ee: {  	_ = 	snop  }
0x1ef: {  	[spmem:s1] =	stream.indirect.scatter.add.f32 [tilespmem:s12], [sflag:$0x2], $0x10, s10, s16, $0xb8;
	[tilespmem:$0x1DEC0] =	vst v63  }
0x1f0: {  	s13 =	simm.s32 $0x18C20  }
0x1f1: {  	[spmem:s1] =	stream.indirect.scatter.add.f32 [tilespmem:s18], [sflag:$0x2], $0x10, s13, s16, $0xb8;
	[tilespmem:$0x1DEC0] =	vst v63  }
0x1f2: {  	s9 =	simm.s32 $0x18CA0  }
0x1f3: {  	[spmem:s1] =	stream.indirect.scatter.add.f32 [tilespmem:s15], [sflag:$0x2], $0x10, s9, s16, $0xb8;
	[tilespmem:$0x1DEC0] =	vst v63  }
0x1f4: {  	s21 =	simm.s32 $0x18D20  }
0x1f5: {  	[spmem:s1] =	stream.indirect.scatter.add.f32 [tilespmem:s17], [sflag:$0x2], $0x10, s21, s16, $0xb8;
	[tilespmem:$0x1DEC0] =	vst v63  }
0x1f6: {  	s22 =	simm.s32 $0x18DA0  }
0x1f7: {  	[spmem:s1] =	stream.indirect.scatter.add.f32 [tilespmem:s19], [sflag:$0x2], $0x10, s22, s16, $0xb8;
	[tilespmem:$0x1DEC0] =	vst v63  }
0x1f8: {  	_ =	swait.ge [sflag:s11], $0x7D0  }
0x1f9: {  	[sflag:s11] =	ssyncset.done $0x0  }
0x1fa: {  	[sflag:s11] =	ssyncadd.s32 $0xFFFFF830  }
0x1fb: {  	_ =	swait.ge [sflag:s11], $0x7D0  }
0x1fc: {  	[sflag:s11] =	ssyncset.done $0x0  }
0x1fd: {  	[sflag:s11] =	ssyncadd.s32 $0xFFFFF830  }
0x1fe: {  	_ =	swait.ge [sflag:s11], $0x7D0  }
0x1ff: {  	[sflag:s11] =	ssyncset.done $0x0  }
0x200: {  	[sflag:s11] =	ssyncadd.s32 $0xFFFFF830  }
0x201: {  	_ =	swait.ge [sflag:s11], $0x7D0  }
0x202: {  	[sflag:s11] =	ssyncset.done $0x0  }
0x203: {  	p2 =	por $0x0, $0x0;
	[sflag:s11] =	ssyncadd.s32 $0xFFFFF830  }
0x204: {  	s0 =	sadd.s32 @!p2 $0x0, s7;
	_ =	swait.ge [sflag:s11], $0x7D0  }
0x205: {  	s0 =	sadd.s32 @!p2 $0xA0, s0;
	[sflag:s11] =	ssyncset.done $0x0  }
0x206: {  	s26 =	simm.s32 @!p2 $0x0;
	s9 =	simm.s32 @!p2 $0x186A0;
	[sflag:s11] =	ssyncadd.s32 $0xFFFFF830  }
0x207: {  	[tilespmem:s9], [sflag:$0x3] =	stream.linear.gather @!p2 [hbm4b:s0+s26], $0x280, $0x38;
	[tilespmem:$0x1DEC0] =	vst v63  }
0x208: {  	s0 =	simm.s32 @!p2 $0x3  }
0x209: {  	_ =	swait.ge @!p2 [sflag:s0], $0x280  }
0x20a: {  	s23 =	sadd.s32 @!p2 $0x0, s8;
	[sflag:s0] =	ssyncset.done @!p2 $0x0  }
0x20b: {  	s23 =	sadd.s32 @!p2 $0xA0, s23;
	s18 =	simm.s32 @!p2 $0x18BA0;
	[sflag:s0] =	ssyncadd.s32 @!p2 $0xFFFFFD80  }
0x20c: {  	[tilespmem:s18], [sflag:$0x3] =	stream.linear.gather @!p2 [hbm4b:s23+s26], $0x280, $0x38;
	[tilespmem:$0x1DEC0] =	vst v63  }
0x20d: {  	_ =	swait.ge @!p2 [sflag:s0], $0x280  }
0x20e: {  	[sflag:s0] =	ssyncset.done @!p2 $0x0  }
0x20f: {  	[sflag:s0] =	ssyncadd.s32 @!p2 $0xFFFFFD80  }
0x210: {  	_ =	swait.ge [sflag:s30], $0x7D0  }
0x211: {  	[sflag:s30] =	ssyncset.done $0x0  }
0x212: {  	[sflag:s30] =	ssyncadd.s32 $0xFFFFF830  }
0x213: {  	_ =	swait.ge [sflag:s30], $0x7D0  }
0x214: {  	[sflag:s30] =	ssyncset.done $0x0  }
0x215: {  	[sflag:s30] =	ssyncadd.s32 $0xFFFFF830  }
0x216: {  	_ =	swait.ge [sflag:s30], $0x7D0  }
0x217: {  	[sflag:s30] =	ssyncset.done $0x0  }
0x218: {  	[sflag:s30] =	ssyncadd.s32 $0xFFFFF830  }
0x219: {  	_ =	swait.ge [sflag:s30], $0x7D0  }
0x21a: {  	[sflag:s30] =	ssyncset.done $0x0  }
0x21b: {  	[sflag:s30] =	ssyncadd.s32 $0xFFFFF830  }
0x21c: {  	_ =	swait.ge [sflag:s30], $0x7D0  }
0x21d: {  	[sflag:s30] =	ssyncset.done $0x0  }
0x21e: {  	s23 =	simm.s32 @!p2 $0x190A0;
	s0 =	simm.s32 @!p2 $0x7D;
	[sflag:s30] =	ssyncadd.s32 $0xFFFFF830  }
0x21f: {  	[tilespmem:s23], [sflag:$0x1] =	stream.indirect.gather @!p2 [hbm4b:s4+s0], $0x10, s9, s0, $0xb8;
	[tilespmem:$0x1DEC0] =	vst v63  }
0x220: {  	s26 =	simm.s32 @!p2 $0x19870;
	s23 =	simm.s32 @!p2 $0x18720  }
0x221: {  	[tilespmem:s26], [sflag:$0x1] =	stream.indirect.gather @!p2 [hbm4b:s4+s0], $0x10, s23, s0, $0xb8;
	[tilespmem:$0x1DEC0] =	vst v63  }
0x222: {  	s23 =	simm.s32 @!p2 $0x187A0;
	s26 =	simm.s32 @!p2 $0x1A040  }
0x223: {  	[tilespmem:s26], [sflag:$0x1] =	stream.indirect.gather @!p2 [hbm4b:s4+s0], $0x10, s23, s0, $0xb8;
	[tilespmem:$0x1DEC0] =	vst v63  }
0x224: {  	s23 =	simm.s32 @!p2 $0x18820;
	s26 =	simm.s32 @!p2 $0x1A810  }
0x225: {  	[tilespmem:s26], [sflag:$0x1] =	stream.indirect.gather @!p2 [hbm4b:s4+s0], $0x10, s23, s0, $0xb8;
	[tilespmem:$0x1DEC0] =	vst v63  }
0x226: {  	s23 =	simm.s32 @!p2 $0x188A0;
	s26 =	simm.s32 @!p2 $0x1AFE0  }
0x227: {  	[tilespmem:s26], [sflag:$0x1] =	stream.indirect.gather @!p2 [hbm4b:s4+s0], $0x10, s23, s0, $0xb8;
	[tilespmem:$0x1DEC0] =	vst v63  }
0x228: {  	p6 =	por $0x0, $0x0;
	s25 =	simm.s32 $0x18F20  }
0x229: {  	[spmem:s1] =	stream.indirect.scatter.add.f32 [tilespmem:s31], [sflag:$0x2], $0x10, s29, s16, $0xb8;
	[tilespmem:$0x1DEC0] =	vst v63  }
0x22a: {  	s10 =	simm.s32 $0x18BA0;
	s12 =	simm.s32 $0x190A0;
	s23 =	simm.s32 $0x18EA0  }
0x22b: {  	[spmem:s1] =	stream.indirect.scatter.add.f32 [tilespmem:s2], [sflag:$0x2], $0x10, s23, s16, $0xb8;
	[tilespmem:$0x1DEC0] =	vst v63  }
0x22c: {  	s15 =	simm.s32 $0x18B20;
	s21 =	simm.s32 $0x189A0;
	s17 =	simm.s32 $0x18AA0  }
0x22d: {  	[spmem:s1] =	stream.indirect.scatter.add.f32 [tilespmem:s20], [sflag:$0x2], $0x10, s25, s16, $0xb8;
	[tilespmem:$0x1DEC0] =	vst v63  }
0x22e: {  	s19 =	simm.s32 $0x18A20;
	s26 =	simm.s32 $0x18FA0;
	p2 =	por p6, p6  }
0x22f: {  	[spmem:s1] =	stream.indirect.scatter.add.f32 [tilespmem:s24], [sflag:$0x2], $0x10, s26, s16, $0xb8;
	[tilespmem:$0x1DEC0] =	vst v63  }
0x230: {  	s23 =	simm.s32 $0xA0;
	s25 =	simm.s32 $0x19020;
	s26 =	simm.s32 $0x140  }
.LBB2_3:
0x231: {  	p4 =	seq.s32 s26, $0x0  }
0x232: {  	s18 =	simm.s32 @!p2 $0x2;
	s0 =	smov.u32 s26;
	s26 =	sadd.s32 $0xA0, s26  }
0x233: {  	[spmem:s1] =	stream.indirect.scatter.add.f32 [tilespmem:s6], [sflag:$0x2], $0x10, s25, s16, $0xb8;
	[tilespmem:$0x1DEC0] =	vst v63  }
0x234: {  	p3 =	seq.s32 s26, $0x3200;
	_ =	swait.ge @!p2 [sflag:s18], $0x7D0  }
0x235: {  	[sflag:s18] =	ssyncset.done @!p2 $0x0  }
0x236: {  	[sflag:s18] =	ssyncadd.s32 @!p2 $0xFFFFF830  }
0x237: {  	_ =	swait.ge @!p2 [sflag:s18], $0x7D0  }
0x238: {  	[sflag:s18] =	ssyncset.done @!p2 $0x0  }
0x239: {  	[sflag:s18] =	ssyncadd.s32 @!p2 $0xFFFFF830  }
0x23a: {  	_ =	swait.ge @!p2 [sflag:s18], $0x7D0  }
0x23b: {  	[sflag:s18] =	ssyncset.done @!p2 $0x0  }
0x23c: {  	[sflag:s18] =	ssyncadd.s32 @!p2 $0xFFFFF830  }
0x23d: {  	_ =	swait.ge @!p2 [sflag:s18], $0x7D0  }
0x23e: {  	[sflag:s18] =	ssyncset.done @!p2 $0x0  }
0x23f: {  	[sflag:s18] =	ssyncadd.s32 @!p2 $0xFFFFF830  }
0x240: {  	_ =	swait.ge @!p2 [sflag:s18], $0x7D0  }
0x241: {  	s22 =	sadd.s32 s23, s7;
	[sflag:s18] =	ssyncset.done @!p2 $0x0  }
0x242: {  	[sflag:s18] =	ssyncadd.s32 @!p2 $0xFFFFF830;
	s18 =	sadd.s32 $0x50, s22;
	p2 =	por p4, p4  }
0x243: {  	[tilespmem:s28], [sflag:$0x3] =	stream.linear.gather [hbm4b:s18+s3], $0x280, $0x38;
	[tilespmem:$0x1DEC0] =	vst v63  }
0x244: {  	_ =	swait.ge [sflag:s14], $0x280  }
0x245: {  	s18 =	sadd.s32 s23, s8;
	[sflag:s14] =	ssyncset.done $0x0  }
0x246: {  	s18 =	sadd.s32 $0x50, s18;
	[sflag:s14] =	ssyncadd.s32 $0xFFFFFD80  }
0x247: {  	[tilespmem:s29], [sflag:$0x3] =	stream.linear.gather [hbm4b:s18+s3], $0x280, $0x38;
	[tilespmem:$0x1DEC0] =	vst v63  }
0x248: {  	_ =	swait.ge [sflag:s14], $0x280  }
0x249: {  	[sflag:s14] =	ssyncset.done $0x0  }
0x24a: {  	[sflag:s14] =	ssyncadd.s32 $0xFFFFFD80  }
0x24b: {  	_ =	swait.ge [sflag:s30], $0x7D0  }
0x24c: {  	[sflag:s30] =	ssyncset.done $0x0  }
0x24d: {  	[sflag:s30] =	ssyncadd.s32 $0xFFFFF830  }
0x24e: {  	_ =	swait.ge [sflag:s30], $0x7D0  }
0x24f: {  	[sflag:s30] =	ssyncset.done $0x0  }
0x250: {  	[sflag:s30] =	ssyncadd.s32 $0xFFFFF830  }
0x251: {  	_ =	swait.ge [sflag:s30], $0x7D0  }
0x252: {  	[sflag:s30] =	ssyncset.done $0x0  }
0x253: {  	[sflag:s30] =	ssyncadd.s32 $0xFFFFF830  }
0x254: {  	_ =	swait.ge [sflag:s30], $0x7D0  }
0x255: {  	[sflag:s30] =	ssyncset.done $0x0  }
0x256: {  	[sflag:s30] =	ssyncadd.s32 $0xFFFFF830  }
0x257: {  	_ =	swait.ge [sflag:s30], $0x7D0  }
0x258: {  	[sflag:s30] =	ssyncset.done $0x0  }
0x259: {  	[sflag:s30] =	ssyncadd.s32 $0xFFFFF830  }
0x25a: {  	[tilespmem:s31], [sflag:$0x1] =	stream.indirect.gather [hbm4b:s4+s16], $0x10, s28, s16, $0xb8;
	[tilespmem:$0x1DEC0] =	vst v63  }
0x25b: {  	_ = 	snop  }
0x25c: {  	[tilespmem:s2], [sflag:$0x1] =	stream.indirect.gather [hbm4b:s4+s16], $0x10, s21, s16, $0xb8;
	[tilespmem:$0x1DEC0] =	vst v63  }
0x25d: {  	_ = 	snop  }
0x25e: {  	[tilespmem:s20], [sflag:$0x1] =	stream.indirect.gather [hbm4b:s4+s16], $0x10, s19, s16, $0xb8;
	[tilespmem:$0x1DEC0] =	vst v63  }
0x25f: {  	_ = 	snop  }
0x260: {  	[tilespmem:s24], [sflag:$0x1] =	stream.indirect.gather [hbm4b:s4+s16], $0x10, s17, s16, $0xb8;
	[tilespmem:$0x1DEC0] =	vst v63  }
0x261: {  	_ = 	snop  }
0x262: {  	[tilespmem:s6], [sflag:$0x1] =	stream.indirect.gather [hbm4b:s4+s16], $0x10, s15, s16, $0xb8;
	[tilespmem:$0x1DEC0] =	vst v63  }
0x263: {  	_ = 	snop  }
0x264: {  	[spmem:s1] =	stream.indirect.scatter.add.f32 [tilespmem:s12], [sflag:$0x2], $0x10, s10, s16, $0xb8;
	[tilespmem:$0x1DEC0] =	vst v63  }
0x265: {  	s9 =	simm.s32 $0x19870  }
0x266: {  	[spmem:s1] =	stream.indirect.scatter.add.f32 [tilespmem:s9], [sflag:$0x2], $0x10, s13, s16, $0xb8;
	[tilespmem:$0x1DEC0] =	vst v63  }
0x267: {  	s9 =	simm.s32 $0x18CA0;
	s13 =	simm.s32 $0x1A040  }
0x268: {  	[spmem:s1] =	stream.indirect.scatter.add.f32 [tilespmem:s13], [sflag:$0x2], $0x10, s9, s16, $0xb8;
	[tilespmem:$0x1DEC0] =	vst v63  }
0x269: {  	s9 =	simm.s32 $0x18D20;
	s13 =	simm.s32 $0x1A810  }
0x26a: {  	[spmem:s1] =	stream.indirect.scatter.add.f32 [tilespmem:s13], [sflag:$0x2], $0x10, s9, s16, $0xb8;
	[tilespmem:$0x1DEC0] =	vst v63  }
0x26b: {  	s9 =	simm.s32 $0x18DA0;
	s13 =	simm.s32 $0x1AFE0  }
0x26c: {  	[spmem:s1] =	stream.indirect.scatter.add.f32 [tilespmem:s13], [sflag:$0x2], $0x10, s9, s16, $0xb8;
	[tilespmem:$0x1DEC0] =	vst v63  }
0x26d: {  	_ =	swait.ge [sflag:s11], $0x7D0  }
0x26e: {  	[sflag:s11] =	ssyncset.done $0x0  }
0x26f: {  	[sflag:s11] =	ssyncadd.s32 $0xFFFFF830  }
0x270: {  	_ =	swait.ge [sflag:s11], $0x7D0  }
0x271: {  	[sflag:s11] =	ssyncset.done $0x0  }
0x272: {  	[sflag:s11] =	ssyncadd.s32 $0xFFFFF830  }
0x273: {  	_ =	swait.ge [sflag:s11], $0x7D0  }
0x274: {  	[sflag:s11] =	ssyncset.done $0x0  }
0x275: {  	[sflag:s11] =	ssyncadd.s32 $0xFFFFF830  }
0x276: {  	_ =	swait.ge [sflag:s11], $0x7D0  }
0x277: {  	[sflag:s11] =	ssyncset.done $0x0  }
0x278: {  	[sflag:s11] =	ssyncadd.s32 $0xFFFFF830  }
0x279: {  	p4 =	seq.s32 s23, $0x3160;
	_ =	swait.ge [sflag:s11], $0x7D0  }
0x27a: {  	s22 =	simm.s32 @!p4 $0x0;
	s18 =	sadd.s32 @!p4 s23, s7;
	[sflag:s11] =	ssyncset.done $0x0  }
0x27b: {  	s18 =	sadd.s32 @!p4 $0xA0, s18;
	s13 =	simm.s32 @!p4 $0x186A0;
	[sflag:s11] =	ssyncadd.s32 $0xFFFFF830  }
0x27c: {  	[tilespmem:s13], [sflag:$0x3] =	stream.linear.gather @!p4 [hbm4b:s18+s22], $0x280, $0x38;
	[tilespmem:$0x1DEC0] =	vst v63  }
0x27d: {  	s9 =	sadd.s32 @!p4 s23, s8;
	s23 =	smov.u32 s0;
	s18 =	simm.s32 @!p4 $0x3  }
0x27e: {  	s0 =	sadd.s32 @!p4 $0xA0, s9;
	_ =	swait.ge @!p4 [sflag:s18], $0x280  }
0x27f: {  	s9 =	simm.s32 @!p4 $0x18BA0;
	[sflag:s18] =	ssyncset.done @!p4 $0x0  }
0x280: {  	[sflag:s18] =	ssyncadd.s32 @!p4 $0xFFFFFD80  }
0x281: {  	[tilespmem:s9], [sflag:$0x3] =	stream.linear.gather @!p4 [hbm4b:s0+s22], $0x280, $0x38;
	[tilespmem:$0x1DEC0] =	vst v63  }
0x282: {  	_ =	swait.ge @!p4 [sflag:s18], $0x280  }
0x283: {  	[sflag:s18] =	ssyncset.done @!p4 $0x0  }
0x284: {  	[sflag:s18] =	ssyncadd.s32 @!p4 $0xFFFFFD80  }
0x285: {  	_ =	swait.ge [sflag:s30], $0x7D0  }
0x286: {  	[sflag:s30] =	ssyncset.done $0x0  }
0x287: {  	[sflag:s30] =	ssyncadd.s32 $0xFFFFF830  }
0x288: {  	_ =	swait.ge [sflag:s30], $0x7D0  }
0x289: {  	[sflag:s30] =	ssyncset.done $0x0  }
0x28a: {  	[sflag:s30] =	ssyncadd.s32 $0xFFFFF830  }
0x28b: {  	_ =	swait.ge [sflag:s30], $0x7D0  }
0x28c: {  	[sflag:s30] =	ssyncset.done $0x0  }
0x28d: {  	[sflag:s30] =	ssyncadd.s32 $0xFFFFF830  }
0x28e: {  	_ =	swait.ge [sflag:s30], $0x7D0  }
0x28f: {  	[sflag:s30] =	ssyncset.done $0x0  }
0x290: {  	[sflag:s30] =	ssyncadd.s32 $0xFFFFF830  }
0x291: {  	_ =	swait.ge [sflag:s30], $0x7D0  }
0x292: {  	s0 =	simm.s32 @!p4 $0x7D;
	s9 =	simm.s32 @!p4 $0x190A0;
	[sflag:s30] =	ssyncset.done $0x0  }
0x293: {  	s22 =	simm.s32 @!p4 $0x19870;
	s18 =	simm.s32 @!p4 $0x18720;
	[sflag:s30] =	ssyncadd.s32 $0xFFFFF830  }
0x294: {  	[tilespmem:s9], [sflag:$0x1] =	stream.indirect.gather @!p4 [hbm4b:s4+s0], $0x10, s13, s0, $0xb8;
	[tilespmem:$0x1DEC0] =	vst v63  }
0x295: {  	s9 =	simm.s32 @!p4 $0x187A0;
	s13 =	simm.s32 @!p4 $0x1A040  }
0x296: {  	[tilespmem:s22], [sflag:$0x1] =	stream.indirect.gather @!p4 [hbm4b:s4+s0], $0x10, s18, s0, $0xb8;
	[tilespmem:$0x1DEC0] =	vst v63  }
0x297: {  	s18 =	simm.s32 @!p4 $0x18820;
	s22 =	simm.s32 @!p4 $0x1A810  }
0x298: {  	[tilespmem:s13], [sflag:$0x1] =	stream.indirect.gather @!p4 [hbm4b:s4+s0], $0x10, s9, s0, $0xb8;
	[tilespmem:$0x1DEC0] =	vst v63  }
0x299: {  	s9 =	simm.s32 @!p4 $0x188A0;
	s13 =	simm.s32 @!p4 $0x1AFE0  }
0x29a: {  	[tilespmem:s22], [sflag:$0x1] =	stream.indirect.gather @!p4 [hbm4b:s4+s0], $0x10, s18, s0, $0xb8;
	[tilespmem:$0x1DEC0] =	vst v63  }
0x29b: {  	_ = 	snop  }
0x29c: {  	[tilespmem:s13], [sflag:$0x1] =	stream.indirect.gather @!p4 [hbm4b:s4+s0], $0x10, s9, s0, $0xb8;
	[tilespmem:$0x1DEC0] =	vst v63  }
0x29d: {  	s13 =	simm.s32 $0x18C20;
	_ =	sdelay $0x1  }
0x29e: {  	[spmem:s1] =	stream.indirect.scatter.add.f32 [tilespmem:s31], [sflag:$0x2], $0x10, s29, s16, $0xb8;
	[tilespmem:$0x1DEC0] =	vst v63  }
0x29f: {  	s0 =	simm.s32 $0x18EA0  }
0x2a0: {  	[spmem:s1] =	stream.indirect.scatter.add.f32 [tilespmem:s2], [sflag:$0x2], $0x10, s0, s16, $0xb8;
	[tilespmem:$0x1DEC0] =	vst v63  }
.Ltmp5:
0x2a1: {  	_ = 	snop;
	(pc) =	sbr.rel @!p3 .LBB2_3-.Ltmp5, $4  }
0x2a2: {  	s0 =	simm.s32 $0x18F20  }
0x2a3: {  	[spmem:s1] =	stream.indirect.scatter.add.f32 [tilespmem:s20], [sflag:$0x2], $0x10, s0, s16, $0xb8;
	[tilespmem:$0x1DEC0] =	vst v63  }
0x2a4: {  	s0 =	simm.s32 $0x18FA0  }
0x2a5: {  	[spmem:s1] =	stream.indirect.scatter.add.f32 [tilespmem:s24], [sflag:$0x2], $0x10, s0, s16, $0xb8;
	[tilespmem:$0x1DEC0] =	vst v63  }
0x2a6: {  	s0 =	simm.s32 @!p2 $0x2;
	s25 =	simm.s32 $0x19020  }
0x2a7: {  	[spmem:s1] =	stream.indirect.scatter.add.f32 [tilespmem:s6], [sflag:$0x2], $0x10, s25, s16, $0xb8;
	[tilespmem:$0x1DEC0] =	vst v63  }
0x2a8: {  	_ =	swait.ge @!p2 [sflag:s0], $0x7D0  }
0x2a9: {  	[sflag:s0] =	ssyncset.done @!p2 $0x0  }
0x2aa: {  	[sflag:s0] =	ssyncadd.s32 @!p2 $0xFFFFF830  }
0x2ab: {  	_ =	swait.ge @!p2 [sflag:s0], $0x7D0  }
0x2ac: {  	[sflag:s0] =	ssyncset.done @!p2 $0x0  }
0x2ad: {  	[sflag:s0] =	ssyncadd.s32 @!p2 $0xFFFFF830  }
0x2ae: {  	_ =	swait.ge @!p2 [sflag:s0], $0x7D0  }
0x2af: {  	[sflag:s0] =	ssyncset.done @!p2 $0x0  }
0x2b0: {  	[sflag:s0] =	ssyncadd.s32 @!p2 $0xFFFFF830  }
0x2b1: {  	_ =	swait.ge @!p2 [sflag:s0], $0x7D0  }
0x2b2: {  	[sflag:s0] =	ssyncset.done @!p2 $0x0  }
0x2b3: {  	[sflag:s0] =	ssyncadd.s32 @!p2 $0xFFFFF830  }
0x2b4: {  	_ =	swait.ge @!p2 [sflag:s0], $0x7D0  }
0x2b5: {  	s9 =	sadd.s32 s23, s7;
	[sflag:s0] =	ssyncset.done @!p2 $0x0  }
0x2b6: {  	s26 =	sadd.s32 $0x50, s9;
	[sflag:s0] =	ssyncadd.s32 @!p2 $0xFFFFF830  }
0x2b7: {  	[tilespmem:s28], [sflag:$0x3] =	stream.linear.gather [hbm4b:s26+s3], $0x280, $0x38;
	[tilespmem:$0x1DEC0] =	vst v63  }
0x2b8: {  	_ =	swait.ge [sflag:s14], $0x280  }
0x2b9: {  	s9 =	sadd.s32 s23, s8;
	[sflag:s14] =	ssyncset.done $0x0  }
0x2ba: {  	s0 =	sadd.s32 $0x50, s9;
	[sflag:s14] =	ssyncadd.s32 $0xFFFFFD80  }
0x2bb: {  	[tilespmem:s29], [sflag:$0x3] =	stream.linear.gather [hbm4b:s0+s3], $0x280, $0x38;
	[tilespmem:$0x1DEC0] =	vst v63  }
0x2bc: {  	_ =	swait.ge [sflag:s14], $0x280  }
0x2bd: {  	[sflag:s14] =	ssyncset.done $0x0  }
0x2be: {  	[sflag:s14] =	ssyncadd.s32 $0xFFFFFD80  }
0x2bf: {  	_ =	swait.ge [sflag:s30], $0x7D0  }
0x2c0: {  	[sflag:s30] =	ssyncset.done $0x0  }
0x2c1: {  	[sflag:s30] =	ssyncadd.s32 $0xFFFFF830  }
0x2c2: {  	_ =	swait.ge [sflag:s30], $0x7D0  }
0x2c3: {  	[sflag:s30] =	ssyncset.done $0x0  }
0x2c4: {  	[sflag:s30] =	ssyncadd.s32 $0xFFFFF830  }
0x2c5: {  	_ =	swait.ge [sflag:s30], $0x7D0  }
0x2c6: {  	[sflag:s30] =	ssyncset.done $0x0  }
0x2c7: {  	[sflag:s30] =	ssyncadd.s32 $0xFFFFF830  }
0x2c8: {  	_ =	swait.ge [sflag:s30], $0x7D0  }
0x2c9: {  	[sflag:s30] =	ssyncset.done $0x0  }
0x2ca: {  	[sflag:s30] =	ssyncadd.s32 $0xFFFFF830  }
0x2cb: {  	_ =	swait.ge [sflag:s30], $0x7D0  }
0x2cc: {  	[sflag:s30] =	ssyncset.done $0x0  }
0x2cd: {  	[sflag:s30] =	ssyncadd.s32 $0xFFFFF830  }
0x2ce: {  	[tilespmem:s31], [sflag:$0x1] =	stream.indirect.gather [hbm4b:s4+s16], $0x10, s28, s16, $0xb8;
	[tilespmem:$0x1DEC0] =	vst v63  }
0x2cf: {  	_ = 	snop  }
0x2d0: {  	[tilespmem:s2], [sflag:$0x1] =	stream.indirect.gather [hbm4b:s4+s16], $0x10, s21, s16, $0xb8;
	[tilespmem:$0x1DEC0] =	vst v63  }
0x2d1: {  	_ = 	snop  }
0x2d2: {  	[tilespmem:s20], [sflag:$0x1] =	stream.indirect.gather [hbm4b:s4+s16], $0x10, s19, s16, $0xb8;
	[tilespmem:$0x1DEC0] =	vst v63  }
0x2d3: {  	_ = 	snop  }
0x2d4: {  	[tilespmem:s24], [sflag:$0x1] =	stream.indirect.gather [hbm4b:s4+s16], $0x10, s17, s16, $0xb8;
	[tilespmem:$0x1DEC0] =	vst v63  }
0x2d5: {  	_ = 	snop  }
0x2d6: {  	[tilespmem:s6], [sflag:$0x1] =	stream.indirect.gather [hbm4b:s4+s16], $0x10, s15, s16, $0xb8;
	[tilespmem:$0x1DEC0] =	vst v63  }
0x2d7: {  	_ = 	snop  }
0x2d8: {  	[spmem:s1] =	stream.indirect.scatter.add.f32 [tilespmem:s12], [sflag:$0x2], $0x10, s10, s16, $0xb8;
	[tilespmem:$0x1DEC0] =	vst v63  }
0x2d9: {  	s12 =	simm.s32 $0x19870  }
0x2da: {  	[spmem:s1] =	stream.indirect.scatter.add.f32 [tilespmem:s12], [sflag:$0x2], $0x10, s13, s16, $0xb8;
	[tilespmem:$0x1DEC0] =	vst v63  }
0x2db: {  	s15 =	simm.s32 $0x1A040;
	s13 =	simm.s32 $0x18CA0  }
0x2dc: {  	[spmem:s1] =	stream.indirect.scatter.add.f32 [tilespmem:s15], [sflag:$0x2], $0x10, s13, s16, $0xb8;
	[tilespmem:$0x1DEC0] =	vst v63  }
0x2dd: {  	s18 =	simm.s32 $0x1A810;
	s17 =	simm.s32 $0x18D20  }
0x2de: {  	[spmem:s1] =	stream.indirect.scatter.add.f32 [tilespmem:s18], [sflag:$0x2], $0x10, s17, s16, $0xb8;
	[tilespmem:$0x1DEC0] =	vst v63  }
0x2df: {  	s21 =	simm.s32 $0x1AFE0;
	s19 =	simm.s32 $0x18DA0  }
0x2e0: {  	[spmem:s1] =	stream.indirect.scatter.add.f32 [tilespmem:s21], [sflag:$0x2], $0x10, s19, s16, $0xb8;
	[tilespmem:$0x1DEC0] =	vst v63  }
0x2e1: {  	_ =	swait.ge [sflag:s11], $0x7D0  }
0x2e2: {  	[sflag:s11] =	ssyncset.done $0x0  }
0x2e3: {  	[sflag:s11] =	ssyncadd.s32 $0xFFFFF830  }
0x2e4: {  	_ =	swait.ge [sflag:s11], $0x7D0  }
0x2e5: {  	[sflag:s11] =	ssyncset.done $0x0  }
0x2e6: {  	[sflag:s11] =	ssyncadd.s32 $0xFFFFF830  }
0x2e7: {  	_ =	swait.ge [sflag:s11], $0x7D0  }
0x2e8: {  	[sflag:s11] =	ssyncset.done $0x0  }
0x2e9: {  	[sflag:s11] =	ssyncadd.s32 $0xFFFFF830  }
0x2ea: {  	_ =	swait.ge [sflag:s11], $0x7D0  }
0x2eb: {  	[sflag:s11] =	ssyncset.done $0x0  }
0x2ec: {  	[sflag:s11] =	ssyncadd.s32 $0xFFFFF830  }
0x2ed: {  	p2 =	seq.s32 s23, $0x3160;
	_ =	swait.ge [sflag:s11], $0x7D0  }
0x2ee: {  	s9 =	simm.s32 @!p2 $0x0;
	s0 =	sadd.s32 @!p2 s23, s7;
	[sflag:s11] =	ssyncset.done $0x0  }
0x2ef: {  	s0 =	sadd.s32 @!p2 $0xA0, s0;
	s13 =	simm.s32 @!p2 $0x186A0;
	[sflag:s11] =	ssyncadd.s32 $0xFFFFF830  }
0x2f0: {  	[tilespmem:s13], [sflag:$0x3] =	stream.linear.gather @!p2 [hbm4b:s0+s9], $0x280, $0x38;
	[tilespmem:$0x1DEC0] =	vst v63  }
0x2f1: {  	s0 =	simm.s32 @!p2 $0x3  }
0x2f2: {  	_ =	swait.ge @!p2 [sflag:s0], $0x280  }
0x2f3: {  	s18 =	sadd.s32 @!p2 s23, s8;
	[sflag:s0] =	ssyncset.done @!p2 $0x0  }
0x2f4: {  	s22 =	simm.s32 @!p2 $0x18BA0;
	s18 =	sadd.s32 @!p2 $0xA0, s18;
	[sflag:s0] =	ssyncadd.s32 @!p2 $0xFFFFFD80  }
0x2f5: {  	[tilespmem:s22], [sflag:$0x3] =	stream.linear.gather @!p2 [hbm4b:s18+s9], $0x280, $0x38;
	[tilespmem:$0x1DEC0] =	vst v63  }
0x2f6: {  	_ =	swait.ge @!p2 [sflag:s0], $0x280  }
0x2f7: {  	[sflag:s0] =	ssyncset.done @!p2 $0x0  }
0x2f8: {  	[sflag:s0] =	ssyncadd.s32 @!p2 $0xFFFFFD80  }
0x2f9: {  	_ =	swait.ge [sflag:s30], $0x7D0  }
0x2fa: {  	[sflag:s30] =	ssyncset.done $0x0  }
0x2fb: {  	[sflag:s30] =	ssyncadd.s32 $0xFFFFF830  }
0x2fc: {  	_ =	swait.ge [sflag:s30], $0x7D0  }
0x2fd: {  	[sflag:s30] =	ssyncset.done $0x0  }
0x2fe: {  	[sflag:s30] =	ssyncadd.s32 $0xFFFFF830  }
0x2ff: {  	_ =	swait.ge [sflag:s30], $0x7D0  }
0x300: {  	[sflag:s30] =	ssyncset.done $0x0  }
0x301: {  	[sflag:s30] =	ssyncadd.s32 $0xFFFFF830  }
0x302: {  	_ =	swait.ge [sflag:s30], $0x7D0  }
0x303: {  	[sflag:s30] =	ssyncset.done $0x0  }
0x304: {  	[sflag:s30] =	ssyncadd.s32 $0xFFFFF830  }
0x305: {  	_ =	swait.ge [sflag:s30], $0x7D0  }
0x306: {  	[sflag:s30] =	ssyncset.done $0x0  }
0x307: {  	s9 =	simm.s32 @!p2 $0x190A0;
	s0 =	simm.s32 @!p2 $0x7D;
	[sflag:s30] =	ssyncadd.s32 $0xFFFFF830  }
0x308: {  	[tilespmem:s9], [sflag:$0x1] =	stream.indirect.gather @!p2 [hbm4b:s4+s0], $0x10, s13, s0, $0xb8;
	[tilespmem:$0x1DEC0] =	vst v63  }
0x309: {  	s9 =	simm.s32 @!p2 $0x18720;
	s13 =	simm.s32 @!p2 $0x19870  }
0x30a: {  	[tilespmem:s13], [sflag:$0x1] =	stream.indirect.gather @!p2 [hbm4b:s4+s0], $0x10, s9, s0, $0xb8;
	[tilespmem:$0x1DEC0] =	vst v63  }
0x30b: {  	s9 =	simm.s32 @!p2 $0x187A0;
	s13 =	simm.s32 @!p2 $0x1A040  }
0x30c: {  	[tilespmem:s13], [sflag:$0x1] =	stream.indirect.gather @!p2 [hbm4b:s4+s0], $0x10, s9, s0, $0xb8;
	[tilespmem:$0x1DEC0] =	vst v63  }
0x30d: {  	s9 =	simm.s32 @!p2 $0x18820;
	s13 =	simm.s32 @!p2 $0x1A810  }
0x30e: {  	[tilespmem:s13], [sflag:$0x1] =	stream.indirect.gather @!p2 [hbm4b:s4+s0], $0x10, s9, s0, $0xb8;
	[tilespmem:$0x1DEC0] =	vst v63  }
0x30f: {  	s9 =	simm.s32 @!p2 $0x188A0;
	s13 =	simm.s32 @!p2 $0x1AFE0  }
0x310: {  	[tilespmem:s13], [sflag:$0x1] =	stream.indirect.gather @!p2 [hbm4b:s4+s0], $0x10, s9, s0, $0xb8;
	[tilespmem:$0x1DEC0] =	vst v63  }
0x311: {  	_ = 	snop  }
0x312: {  	[spmem:s1] =	stream.indirect.scatter.add.f32 [tilespmem:s31], [sflag:$0x2], $0x10, s29, s16, $0xb8;
	[tilespmem:$0x1DEC0] =	vst v63  }
0x313: {  	s26 =	simm.s32 $0x18FA0;
	s22 =	simm.s32 $0x18EA0  }
0x314: {  	[spmem:s1] =	stream.indirect.scatter.add.f32 [tilespmem:s2], [sflag:$0x2], $0x10, s22, s16, $0xb8;
	[tilespmem:$0x1DEC0] =	vst v63  }
0x315: {  	s10 =	simm.s32 $0x18BA0;
	s12 =	simm.s32 $0x190A0;
	s23 =	simm.s32 $0x18F20  }
0x316: {  	[spmem:s1] =	stream.indirect.scatter.add.f32 [tilespmem:s20], [sflag:$0x2], $0x10, s23, s16, $0xb8;
	[tilespmem:$0x1DEC0] =	vst v63  }
.Ltmp6:
0x317: {  	s15 =	simm.s32 $0x1A040;
	s17 =	simm.s32 $0x1A810;
	(pc) =	sbr.rel .LBB2_8-.Ltmp6, $4  }
0x318: {  	[spmem:s1] =	stream.indirect.scatter.add.f32 [tilespmem:s24], [sflag:$0x2], $0x10, s26, s16, $0xb8;
	[tilespmem:$0x1DEC0] =	vst v63  }
0x319: {  	s19 =	simm.s32 $0x1AFE0;
	s18 =	simm.s32 $0x19870;
	s21 =	rddreg [dreg:$0xa]  }
0x31a: {  	[spmem:s1] =	stream.indirect.scatter.add.f32 [tilespmem:s6], [sflag:$0x2], $0x10, s25, s16, $0xb8;
	[tilespmem:$0x1DEC0] =	vst v63  }
0x31b: {  	s22 =	simm.s32 $0x18A20;
	s26 =	simm.s32 $0x18B20;
	s25 =	simm.s32 $0x18AA0  }
.LBB2_9:
0x31c: {  	_ =	sfence.sel $0x180000  }
0x31d: {  	[bflag:$0x0] =	sbarrier.arrive $0xFFFF  }
0x31e: {  	_ =	strace $0x90000047  }
0x31f: {  	s0 =	stileid.u32;
	[bflag:$0x2] =	sbarrier.arrive $0xFFFF  }
0x320: {  	p0 =	sne.s32 s0, $0x0;
	s0 =	rddreg [dreg:$0x3]  }
0x321: {  	s0 =	sadd.s32 @!p0 $0x100000, s0  }
0x322: {  	[sflag:s0] =	ssyncadd.tile.s32 @!p0 $0x1;
	_ =	shalt  }
.Lfunc_end2:
_tile_overlayer_lowered:
.L_overlay_start_2:
0x323: {  	(tag) =	ssettag $0x2  }
0x324: {  	s0 =	rddreg [dreg:$0x0];
	s2 =	stileid.u32  }
0x325: {  	s1 =	rddreg [dreg:$0x1];
	p0 =	sne.s32 s2, $0x0  }
0x326: {  	s3 =	rddreg [dreg:$0x2];
	[bflag:$0x3] =	sbarrier.arrive $0xFFFF;
	s2 =	simm.s32 @!p0 $0x1C03  }
0x327: {  	[timem:s3], [sflag:s2] =	dma.local @!p0 [hbm:s0], s1  }
0x328: {  	s0 =	simm.s32 @!p0 $0x3  }
0x329: {  	_ =	swait.ge @!p0 [sflag:s0], s1  }
0x32a: {  	s1 =	ssub.s32 @!p0 $0x0, s1;
	[sflag:s0] =	ssyncset.done @!p0 $0x0  }
0x32b: {  	[sflag:s0] =	ssyncadd.s32 @!p0 s1  }
0x32c: {  	[bflag:$0x3] =	sbarrier.arrive $0xFFFF  }
0x32d: {  	_ =	shalt  }

</sc_bundles>
